<compile_context>
chip_gen: v7x
topology: tpu7x:2x2x1
jax: 0.10.2.dev20260603
libtpu: 0.0.44.dev20260713+nightly
codegen_flags: <defaults>
</compile_context>

<pallas_src>
import jax
import jax.numpy as jnp
from jax import lax
from jax.experimental import pallas as pl
from jax.experimental.pallas import tpu as pltpu
from jax.experimental.pallas import tpu_sc as plsc

D_MODEL = 64
MAX_LEN = 446
BATCH = 4096
HIST = 200
ROWS = BATCH * HIST
LANES = 16
BW = 256
TPAD = D_MODEL + 1
TE_WORDS = ((MAX_LEN * TPAD + 7) // 8) * 8


def _make_sc_call():
    mesh = plsc.VectorSubcoreMesh(core_axis_name="c", subcore_axis_name="s")
    nc, ns = mesh.num_cores, mesh.num_subcores
    nw = nc * ns
    nbs = BATCH // BW
    nhs = nw // nbs
    nch = HIST // nhs
    main = nch - (nch % 3)

    def body(x_hbm, ts_hbm, te_hbm, out_hbm,
             te_v, ts0, ts1, ts2, xb0, xb1, xb2,
             ste, si0, si1, si2, so0, so1, so2):
        wid = lax.axis_index("s") * nc + lax.axis_index("c")
        b0 = (wid % nbs) * BW
        h0 = (wid // nbs) * nch

        pltpu.async_copy(te_hbm, te_v, ste).wait()

        bufs = ((xb0, ts0, si0, so0), (xb1, ts1, si1, so1), (xb2, ts2, si2, so2))

        def start_in(c, b):
            xb, tsb, si, _ = bufs[b]
            h = h0 + c
            pltpu.async_copy(x_hbm.at[h, :, pl.ds(b0, BW)], xb, si)
            pltpu.async_copy(ts_hbm.at[pl.ds(h * BATCH + b0, BW)], tsb, si)

        def wait_in(b):
            xb, tsb, si, _ = bufs[b]
            pltpu.make_async_copy(x_hbm.at[0, :, pl.ds(0, BW)], xb, si).wait()
            pltpu.make_async_copy(ts_hbm.at[pl.ds(0, BW)], tsb, si).wait()

        def start_out(c, b):
            xb, _, _, so = bufs[b]
            h = h0 + c
            pltpu.async_copy(xb, out_hbm.at[h, :, pl.ds(b0, BW)], so)

        def wait_out(b):
            xb, _, _, so = bufs[b]
            pltpu.make_async_copy(x_hbm.at[0, :, pl.ds(0, BW)], xb, so).wait()

        def compute(b):
            xb, tsb, _, _ = bufs[b]
            rb = [tsb[pl.ds(g * LANES, LANES)] * TPAD for g in range(BW // LANES)]

            @pl.loop(0, D_MODEL, step=2)
            def _dloop(d0):
                for dd in range(2):
                    d = d0 + dd
                    g = [plsc.load_gather(te_v, [rb[bg] + d])
                         for bg in range(BW // LANES)]
                    for bg in range(BW // LANES):
                        plsc.addupdate(xb.at[d, pl.ds(bg * LANES, LANES)],
                                       g[bg])

        def step(c, b, first):
            wait_in(b)
            compute(b)
            start_out(c, b)
            nxt = c + 2

            def _pf():
                bp = (b + 2) % 3
                wait_out(bp)
                start_in(nxt, bp)

            if first:
                pl.when(jnp.logical_and(c >= 1, nxt < nch))(_pf)
            else:
                pl.when(nxt < nch)(_pf)

        start_in(0, 0)
        start_in(1, 1)
        start_in(2, 2)

        @pl.loop(0, main, step=3)
        def _chunks(c0):
            for b in range(3):
                step(c0 + b, b, b == 0)

        for c in range(main, nch):
            step(c, c % 3, False)

        wait_out((nch + 2) % 3)
        wait_out((nch + 1) % 3)
        wait_out(nch % 3)

    f32, i32 = jnp.float32, jnp.int32
    return pl.kernel(
        body,
        out_type=jax.ShapeDtypeStruct((HIST, D_MODEL, BATCH), f32),
        mesh=mesh,
        compiler_params=pltpu.CompilerParams(use_tc_tiling_on_sc=True,
                                             needs_layout_passes=False),
        scratch_types=[
            pltpu.VMEM((TE_WORDS,), f32),
            pltpu.VMEM((BW,), i32),
            pltpu.VMEM((BW,), i32),
            pltpu.VMEM((BW,), i32),
            pltpu.VMEM((D_MODEL, BW), f32),
            pltpu.VMEM((D_MODEL, BW), f32),
            pltpu.VMEM((D_MODEL, BW), f32),
            pltpu.SemaphoreType.DMA,
            pltpu.SemaphoreType.DMA,
            pltpu.SemaphoreType.DMA,
            pltpu.SemaphoreType.DMA,
            pltpu.SemaphoreType.DMA,
            pltpu.SemaphoreType.DMA,
            pltpu.SemaphoreType.DMA,
        ],
    )


def kernel(x, timestamp, te):
    xt = x.transpose(1, 2, 0)
    tst = timestamp.astype(jnp.int32).T.reshape(ROWS)
    tef = jnp.pad(te, ((0, 0), (0, TPAD - D_MODEL))).reshape(-1)
    tef = jnp.pad(tef, (0, TE_WORDS - MAX_LEN * TPAD))
    out_t = _make_sc_call()(xt, tst, tef)
    return out_t.transpose(2, 0, 1)

# --- scband reference (transcript-rebuilt; emitter-appended) ---
"""Pipeline reference for scband-time-stamp-embedding-22454089024188 (READ-ONLY COPY).

The authoritative reference and input builder live on the scoring server;
editing this copy changes nothing except your own understanding.
"""

import jax, jax.numpy as jnp
import numpy as np

D_MODEL = 64
MAX_LEN = 446
BATCH = 4096
HIST = 200

def setup_inputs(seed: int = 0) -> dict:
    key = jax.random.key(seed)
    k1, k2, k3 = jax.random.split(key, 3)
    x = jax.random.normal(k1, (BATCH, HIST, D_MODEL), dtype=jnp.float32)
    timestamp = jax.random.randint(k2, (BATCH, HIST), 0, MAX_LEN, dtype=jnp.int64)
    te = jax.random.normal(k3, (MAX_LEN, D_MODEL), dtype=jnp.float32)
    return {"x": x, "timestamp": timestamp, "te": te}

def reference(x, timestamp, te):
    # x = x + self.te(timestamp); dropout is identity in eval mode
    emb = jnp.take(te, timestamp, axis=0)
    out = x + emb
    return out

if __name__ == "__main__":
    import jax
    _d = setup_inputs()
    print(jax.jit(kernel)(*tuple(_d.values())))

</pallas_src>

<mosaic_0001>
#map = affine_map<(d0, d1) -> (0, 0, 0)>
#map1 = affine_map<(d0, d1) -> (0)>
module attributes {stable_mosaic.version = 14 : i64} {
  func.func @body(%arg0: i32, %arg1: i32, %arg2: memref<200x64x4096xf32, #tpu.memory_space<hbm>>, %arg3: memref<819200xi32, #tpu.memory_space<hbm>>, %arg4: memref<28992xf32, #tpu.memory_space<hbm>>, %arg5: memref<200x64x4096xf32, #tpu.memory_space<hbm>>, %arg6: memref<28992xf32, #tpu.memory_space<vmem>>, %arg7: memref<256xi32, #tpu.memory_space<vmem>>, %arg8: memref<256xi32, #tpu.memory_space<vmem>>, %arg9: memref<256xi32, #tpu.memory_space<vmem>>, %arg10: memref<64x256xf32, #tpu.memory_space<vmem>>, %arg11: memref<64x256xf32, #tpu.memory_space<vmem>>, %arg12: memref<64x256xf32, #tpu.memory_space<vmem>>, %arg13: memref<!tpu.dma_semaphore, #tpu.memory_space<semaphore_mem>>, %arg14: memref<!tpu.dma_semaphore, #tpu.memory_space<semaphore_mem>>, %arg15: memref<!tpu.dma_semaphore, #tpu.memory_space<semaphore_mem>>, %arg16: memref<!tpu.dma_semaphore, #tpu.memory_space<semaphore_mem>>, %arg17: memref<!tpu.dma_semaphore, #tpu.memory_space<semaphore_mem>>, %arg18: memref<!tpu.dma_semaphore, #tpu.memory_space<semaphore_mem>>, %arg19: memref<!tpu.dma_semaphore, #tpu.memory_space<semaphore_mem>>) attributes {dimension_semantics = [#tpu.dimension_semantics<core_parallel>, #tpu.dimension_semantics<subcore_parallel>], iteration_bounds = array<i64: 2, 16>, scalar_prefetch = 0 : i64, scratch_operands = 14 : i64, tpu.core_type = #tpu.core_type<sc_vector_subcore>, window_params = [{transform_indices = #map}, {transform_indices = #map1}, {transform_indices = #map1}, {transform_indices = #map}]} {
    %mul3A = arith.constant 2 : i32
    %mul3A_0 = arith.muli %arg1, %mul3A : i32
    %add3A = arith.addi %mul3A_0, %arg0 : i32
    %jit3A = arith.constant 16 : i32
    %eq3A = arith.constant 0 : i32
    %eq3A_1 = arith.cmpi eq, %jit3A, %eq3A : i32
    %jit3A_2 = arith.constant 1 : i32
    %select_n3A = arith.select %eq3A_1, %jit3A_2, %jit3A : i32
    %rem3A = arith.remsi %add3A, %select_n3A : i32
    %ne3A = arith.constant 0 : i32
    %ne3A_3 = arith.cmpi ne, %rem3A, %ne3A : i32
    %lt3A = arith.constant 0 : i32
    %lt3A_4 = arith.cmpi slt, %rem3A, %lt3A : i32
    %lt3A_5 = arith.constant 0 : i32
    %lt3A_6 = arith.cmpi slt, %select_n3A, %lt3A_5 : i32
    %ne3A_7 = arith.xori %lt3A_4, %lt3A_6 : i1
    %and3A = arith.andi %ne3A_7, %ne3A_3 : i1
    %add3A_8 = arith.addi %rem3A, %select_n3A : i32
    %select_n3A_9 = arith.select %and3A, %add3A_8, %rem3A : i32
    %mul3A_10 = arith.constant 256 : i32
    %mul3A_11 = arith.muli %select_n3A_9, %mul3A_10 : i32
    %jit3A_12 = arith.constant 16 : i32
    %div3A = arith.divsi %add3A, %jit3A_12 : i32
    %sign3A = arith.constant 0 : i32
    %sign3A_13 = arith.cmpi sgt, %add3A, %sign3A : i32
    %sign3A_14 = arith.extui %sign3A_13 : i1 to i32
    %sign3A_15 = arith.constant 0 : i32
    %sign3A_16 = arith.cmpi slt, %add3A, %sign3A_15 : i32
    %sign3A_17 = arith.extui %sign3A_16 : i1 to i32
    %sign3A_18 = arith.subi %sign3A_14, %sign3A_17 : i32
    %sign3A_19 = arith.constant 0 : i32
    %sign3A_20 = arith.cmpi sgt, %jit3A_12, %sign3A_19 : i32
    %sign3A_21 = arith.extui %sign3A_20 : i1 to i32
    %sign3A_22 = arith.constant 0 : i32
    %sign3A_23 = arith.cmpi slt, %jit3A_12, %sign3A_22 : i32
    %sign3A_24 = arith.extui %sign3A_23 : i1 to i32
    %sign3A_25 = arith.subi %sign3A_21, %sign3A_24 : i32
    %ne3A_26 = arith.cmpi ne, %sign3A_18, %sign3A_25 : i32
    %rem3A_27 = arith.remsi %add3A, %jit3A_12 : i32
    %ne3A_28 = arith.constant 0 : i32
    %ne3A_29 = arith.cmpi ne, %rem3A_27, %ne3A_28 : i32
    %and3A_30 = arith.andi %ne3A_26, %ne3A_29 : i1
    %sub3A = arith.constant 1 : i32
    %sub3A_31 = arith.subi %div3A, %sub3A : i32
    %select_n3A_32 = arith.select %and3A_30, %sub3A_31, %div3A : i32
    %mul3A_33 = arith.constant 100 : i32
    %mul3A_34 = arith.muli %select_n3A_32, %mul3A_33 : i32
    tpu.enqueue_dma source(%arg4 : memref<28992xf32, #tpu.memory_space<hbm>>) target(%arg6 : memref<28992xf32, #tpu.memory_space<vmem>>) target_semaphore(%arg13 : memref<!tpu.dma_semaphore, #tpu.memory_space<semaphore_mem>>)
    tpu.wait_dma2 semaphore(%arg13 : memref<!tpu.dma_semaphore, #tpu.memory_space<semaphore_mem>>) src(%arg4 : memref<28992xf32, #tpu.memory_space<hbm>>) dst(%arg6 : memref<28992xf32, #tpu.memory_space<vmem>>)
    %add3A_35 = arith.constant 0 : i32
    %add3A_36 = arith.addi %mul3A_34, %add3A_35 : i32
    %dma_start3A = arith.constant 0 : i32
    %dma_start3A_37 = tpu.memref_slice %arg2[%add3A_36, %dma_start3A, %mul3A_11] : memref<200x64x4096xf32, #tpu.memory_space<hbm>> -> memref<1x64x256xf32, #tpu.memory_space<hbm>>
    %dma_start3A_38 = tpu.memref_squeeze %dma_start3A_37 : memref<1x64x256xf32, #tpu.memory_space<hbm>> -> memref<64x256xf32, #tpu.memory_space<hbm>>
    %dma_start3A_39 = arith.constant 0 : i32
    %dma_start3A_40 = tpu.memref_slice %arg2[%add3A_36, %dma_start3A_39, %mul3A_11] : memref<200x64x4096xf32, #tpu.memory_space<hbm>> -> memref<1x64x256xf32, #tpu.memory_space<hbm>>
    %dma_start3A_41 = tpu.memref_squeeze %dma_start3A_40 : memref<1x64x256xf32, #tpu.memory_space<hbm>> -> memref<64x256xf32, #tpu.memory_space<hbm>>
    tpu.enqueue_dma source(%dma_start3A_41 : memref<64x256xf32, #tpu.memory_space<hbm>>) target(%arg10 : memref<64x256xf32, #tpu.memory_space<vmem>>) target_semaphore(%arg14 : memref<!tpu.dma_semaphore, #tpu.memory_space<semaphore_mem>>)
    %mul3A_42 = arith.constant 4096 : i32
    %mul3A_43 = arith.muli %add3A_36, %mul3A_42 : i32
    %add3A_44 = arith.addi %mul3A_43, %mul3A_11 : i32
    %dma_start3A_45 = tpu.memref_slice %arg3[%add3A_44] : memref<819200xi32, #tpu.memory_space<hbm>> -> memref<256xi32, #tpu.memory_space<hbm>>
    %dma_start3A_46 = tpu.memref_slice %arg3[%add3A_44] : memref<819200xi32, #tpu.memory_space<hbm>> -> memref<256xi32, #tpu.memory_space<hbm>>
    tpu.enqueue_dma source(%dma_start3A_46 : memref<256xi32, #tpu.memory_space<hbm>>) target(%arg7 : memref<256xi32, #tpu.memory_space<vmem>>) target_semaphore(%arg14 : memref<!tpu.dma_semaphore, #tpu.memory_space<semaphore_mem>>)
    %add3A_47 = arith.constant 1 : i32
    %add3A_48 = arith.addi %mul3A_34, %add3A_47 : i32
    %dma_start3A_49 = arith.constant 0 : i32
    %dma_start3A_50 = tpu.memref_slice %arg2[%add3A_48, %dma_start3A_49, %mul3A_11] : memref<200x64x4096xf32, #tpu.memory_space<hbm>> -> memref<1x64x256xf32, #tpu.memory_space<hbm>>
    %dma_start3A_51 = tpu.memref_squeeze %dma_start3A_50 : memref<1x64x256xf32, #tpu.memory_space<hbm>> -> memref<64x256xf32, #tpu.memory_space<hbm>>
    %dma_start3A_52 = arith.constant 0 : i32
    %dma_start3A_53 = tpu.memref_slice %arg2[%add3A_48, %dma_start3A_52, %mul3A_11] : memref<200x64x4096xf32, #tpu.memory_space<hbm>> -> memref<1x64x256xf32, #tpu.memory_space<hbm>>
    %dma_start3A_54 = tpu.memref_squeeze %dma_start3A_53 : memref<1x64x256xf32, #tpu.memory_space<hbm>> -> memref<64x256xf32, #tpu.memory_space<hbm>>
    tpu.enqueue_dma source(%dma_start3A_54 : memref<64x256xf32, #tpu.memory_space<hbm>>) target(%arg11 : memref<64x256xf32, #tpu.memory_space<vmem>>) target_semaphore(%arg15 : memref<!tpu.dma_semaphore, #tpu.memory_space<semaphore_mem>>)
    %mul3A_55 = arith.constant 4096 : i32
    %mul3A_56 = arith.muli %add3A_48, %mul3A_55 : i32
    %add3A_57 = arith.addi %mul3A_56, %mul3A_11 : i32
    %dma_start3A_58 = tpu.memref_slice %arg3[%add3A_57] : memref<819200xi32, #tpu.memory_space<hbm>> -> memref<256xi32, #tpu.memory_space<hbm>>
    %dma_start3A_59 = tpu.memref_slice %arg3[%add3A_57] : memref<819200xi32, #tpu.memory_space<hbm>> -> memref<256xi32, #tpu.memory_space<hbm>>
    tpu.enqueue_dma source(%dma_start3A_59 : memref<256xi32, #tpu.memory_space<hbm>>) target(%arg8 : memref<256xi32, #tpu.memory_space<vmem>>) target_semaphore(%arg15 : memref<!tpu.dma_semaphore, #tpu.memory_space<semaphore_mem>>)
    %add3A_60 = arith.constant 2 : i32
    %add3A_61 = arith.addi %mul3A_34, %add3A_60 : i32
    %dma_start3A_62 = arith.constant 0 : i32
    %dma_start3A_63 = tpu.memref_slice %arg2[%add3A_61, %dma_start3A_62, %mul3A_11] : memref<200x64x4096xf32, #tpu.memory_space<hbm>> -> memref<1x64x256xf32, #tpu.memory_space<hbm>>
    %dma_start3A_64 = tpu.memref_squeeze %dma_start3A_63 : memref<1x64x256xf32, #tpu.memory_space<hbm>> -> memref<64x256xf32, #tpu.memory_space<hbm>>
    %dma_start3A_65 = arith.constant 0 : i32
    %dma_start3A_66 = tpu.memref_slice %arg2[%add3A_61, %dma_start3A_65, %mul3A_11] : memref<200x64x4096xf32, #tpu.memory_space<hbm>> -> memref<1x64x256xf32, #tpu.memory_space<hbm>>
    %dma_start3A_67 = tpu.memref_squeeze %dma_start3A_66 : memref<1x64x256xf32, #tpu.memory_space<hbm>> -> memref<64x256xf32, #tpu.memory_space<hbm>>
    tpu.enqueue_dma source(%dma_start3A_67 : memref<64x256xf32, #tpu.memory_space<hbm>>) target(%arg12 : memref<64x256xf32, #tpu.memory_space<vmem>>) target_semaphore(%arg16 : memref<!tpu.dma_semaphore, #tpu.memory_space<semaphore_mem>>)
    %mul3A_68 = arith.constant 4096 : i32
    %mul3A_69 = arith.muli %add3A_61, %mul3A_68 : i32
    %add3A_70 = arith.addi %mul3A_69, %mul3A_11 : i32
    %dma_start3A_71 = tpu.memref_slice %arg3[%add3A_70] : memref<819200xi32, #tpu.memory_space<hbm>> -> memref<256xi32, #tpu.memory_space<hbm>>
    %dma_start3A_72 = tpu.memref_slice %arg3[%add3A_70] : memref<819200xi32, #tpu.memory_space<hbm>> -> memref<256xi32, #tpu.memory_space<hbm>>
    tpu.enqueue_dma source(%dma_start3A_72 : memref<256xi32, #tpu.memory_space<hbm>>) target(%arg9 : memref<256xi32, #tpu.memory_space<vmem>>) target_semaphore(%arg16 : memref<!tpu.dma_semaphore, #tpu.memory_space<semaphore_mem>>)
    %scan3A = arith.constant 0 : i32
    %scan3A_73 = arith.constant 33 : i32
    %scan3A_74 = arith.addi %scan3A, %scan3A_73 : i32
    %scan3A_75 = arith.constant 1 : i32
    scf.for %scan3A_208 = %scan3A to %scan3A_74 step %scan3A_75  : i32 {
      %mul3A_209 = arith.constant 3 : i32
      %mul3A_210 = arith.muli %scan3A_208, %mul3A_209 : i32
      %add3A_211 = arith.constant 0 : i32
      %add3A_212 = arith.addi %add3A_211, %mul3A_210 : i32
      %add3A_213 = arith.constant 0 : i32
      %add3A_214 = arith.addi %add3A_212, %add3A_213 : i32
      %dma_wait3A_215 = arith.constant 0 : i32
      %dma_wait3A_216 = arith.constant 0 : i32
      %dma_wait3A_217 = arith.constant 0 : i32
      %dma_wait3A_218 = tpu.memref_slice %arg2[%dma_wait3A_215, %dma_wait3A_216, %dma_wait3A_217] : memref<200x64x4096xf32, #tpu.memory_space<hbm>> -> memref<1x64x256xf32, #tpu.memory_space<hbm>>
      %dma_wait3A_219 = tpu.memref_squeeze %dma_wait3A_218 : memref<1x64x256xf32, #tpu.memory_space<hbm>> -> memref<64x256xf32, #tpu.memory_space<hbm>>
      %dma_wait3A_220 = arith.constant 0 : i32
      %dma_wait3A_221 = arith.constant 0 : i32
      %dma_wait3A_222 = tpu.memref_slice %arg2[%dma_wait3A_215, %dma_wait3A_220, %dma_wait3A_221] : memref<200x64x4096xf32, #tpu.memory_space<hbm>> -> memref<1x64x256xf32, #tpu.memory_space<hbm>>
      %dma_wait3A_223 = tpu.memref_squeeze %dma_wait3A_222 : memref<1x64x256xf32, #tpu.memory_space<hbm>> -> memref<64x256xf32, #tpu.memory_space<hbm>>
      tpu.wait_dma2 semaphore(%arg14 : memref<!tpu.dma_semaphore, #tpu.memory_space<semaphore_mem>>) src(%dma_wait3A_223 : memref<64x256xf32, #tpu.memory_space<hbm>>) dst(%arg10 : memref<64x256xf32, #tpu.memory_space<vmem>>)
      %dma_wait3A_224 = arith.constant 0 : i32
      %dma_wait3A_225 = tpu.memref_slice %arg3[%dma_wait3A_224] : memref<819200xi32, #tpu.memory_space<hbm>> -> memref<256xi32, #tpu.memory_space<hbm>>
      %dma_wait3A_226 = arith.constant 0 : i32
      %dma_wait3A_227 = tpu.memref_slice %arg3[%dma_wait3A_226] : memref<819200xi32, #tpu.memory_space<hbm>> -> memref<256xi32, #tpu.memory_space<hbm>>
      tpu.wait_dma2 semaphore(%arg14 : memref<!tpu.dma_semaphore, #tpu.memory_space<semaphore_mem>>) src(%dma_wait3A_227 : memref<256xi32, #tpu.memory_space<hbm>>) dst(%arg7 : memref<256xi32, #tpu.memory_space<vmem>>)
      %get3A_228 = arith.constant 0 : index
      %get3A_229 = tpu.vector_load %arg7[%get3A_228] {strides = array<i32>} : memref<256xi32, #tpu.memory_space<vmem>>, vector<16xi32>,
      %mul3A_230 = arith.constant 65 : i32
      %mul3A_231 = vector.broadcast %mul3A_230 : i32 to vector<16xi32>
      %mul3A_232 = arith.muli %get3A_229, %mul3A_231 : vector<16xi32>
      %get3A_233 = arith.constant 16 : index
      %get3A_234 = tpu.vector_load %arg7[%get3A_233] {strides = array<i32>} : memref<256xi32, #tpu.memory_space<vmem>>, vector<16xi32>,
      %mul3A_235 = arith.constant 65 : i32
      %mul3A_236 = vector.broadcast %mul3A_235 : i32 to vector<16xi32>
      %mul3A_237 = arith.muli %get3A_234, %mul3A_236 : vector<16xi32>
      %get3A_238 = arith.constant 32 : index
      %get3A_239 = tpu.vector_load %arg7[%get3A_238] {strides = array<i32>} : memref<256xi32, #tpu.memory_space<vmem>>, vector<16xi32>,
      %mul3A_240 = arith.constant 65 : i32
      %mul3A_241 = vector.broadcast %mul3A_240 : i32 to vector<16xi32>
      %mul3A_242 = arith.muli %get3A_239, %mul3A_241 : vector<16xi32>
      %get3A_243 = arith.constant 48 : index
      %get3A_244 = tpu.vector_load %arg7[%get3A_243] {strides = array<i32>} : memref<256xi32, #tpu.memory_space<vmem>>, vector<16xi32>,
      %mul3A_245 = arith.constant 65 : i32
      %mul3A_246 = vector.broadcast %mul3A_245 : i32 to vector<16xi32>
      %mul3A_247 = arith.muli %get3A_244, %mul3A_246 : vector<16xi32>
      %get3A_248 = arith.constant 64 : index
      %get3A_249 = tpu.vector_load %arg7[%get3A_248] {strides = array<i32>} : memref<256xi32, #tpu.memory_space<vmem>>, vector<16xi32>,
      %mul3A_250 = arith.constant 65 : i32
      %mul3A_251 = vector.broadcast %mul3A_250 : i32 to vector<16xi32>
      %mul3A_252 = arith.muli %get3A_249, %mul3A_251 : vector<16xi32>
      %get3A_253 = arith.constant 80 : index
      %get3A_254 = tpu.vector_load %arg7[%get3A_253] {strides = array<i32>} : memref<256xi32, #tpu.memory_space<vmem>>, vector<16xi32>,
      %mul3A_255 = arith.constant 65 : i32
      %mul3A_256 = vector.broadcast %mul3A_255 : i32 to vector<16xi32>
      %mul3A_257 = arith.muli %get3A_254, %mul3A_256 : vector<16xi32>
      %get3A_258 = arith.constant 96 : index
      %get3A_259 = tpu.vector_load %arg7[%get3A_258] {strides = array<i32>} : memref<256xi32, #tpu.memory_space<vmem>>, vector<16xi32>,
      %mul3A_260 = arith.constant 65 : i32
      %mul3A_261 = vector.broadcast %mul3A_260 : i32 to vector<16xi32>
      %mul3A_262 = arith.muli %get3A_259, %mul3A_261 : vector<16xi32>
      %get3A_263 = arith.constant 112 : index
      %get3A_264 = tpu.vector_load %arg7[%get3A_263] {strides = array<i32>} : memref<256xi32, #tpu.memory_space<vmem>>, vector<16xi32>,
      %mul3A_265 = arith.constant 65 : i32
      %mul3A_266 = vector.broadcast %mul3A_265 : i32 to vector<16xi32>
      %mul3A_267 = arith.muli %get3A_264, %mul3A_266 : vector<16xi32>
      %get3A_268 = arith.constant 128 : index
      %get3A_269 = tpu.vector_load %arg7[%get3A_268] {strides = array<i32>} : memref<256xi32, #tpu.memory_space<vmem>>, vector<16xi32>,
      %mul3A_270 = arith.constant 65 : i32
      %mul3A_271 = vector.broadcast %mul3A_270 : i32 to vector<16xi32>
      %mul3A_272 = arith.muli %get3A_269, %mul3A_271 : vector<16xi32>
      %get3A_273 = arith.constant 144 : index
      %get3A_274 = tpu.vector_load %arg7[%get3A_273] {strides = array<i32>} : memref<256xi32, #tpu.memory_space<vmem>>, vector<16xi32>,
      %mul3A_275 = arith.constant 65 : i32
      %mul3A_276 = vector.broadcast %mul3A_275 : i32 to vector<16xi32>
      %mul3A_277 = arith.muli %get3A_274, %mul3A_276 : vector<16xi32>
      %get3A_278 = arith.constant 160 : index
      %get3A_279 = tpu.vector_load %arg7[%get3A_278] {strides = array<i32>} : memref<256xi32, #tpu.memory_space<vmem>>, vector<16xi32>,
      %mul3A_280 = arith.constant 65 : i32
      %mul3A_281 = vector.broadcast %mul3A_280 : i32 to vector<16xi32>
      %mul3A_282 = arith.muli %get3A_279, %mul3A_281 : vector<16xi32>
      %get3A_283 = arith.constant 176 : index
      %get3A_284 = tpu.vector_load %arg7[%get3A_283] {strides = array<i32>} : memref<256xi32, #tpu.memory_space<vmem>>, vector<16xi32>,
      %mul3A_285 = arith.constant 65 : i32
      %mul3A_286 = vector.broadcast %mul3A_285 : i32 to vector<16xi32>
      %mul3A_287 = arith.muli %get3A_284, %mul3A_286 : vector<16xi32>
      %get3A_288 = arith.constant 192 : index
      %get3A_289 = tpu.vector_load %arg7[%get3A_288] {strides = array<i32>} : memref<256xi32, #tpu.memory_space<vmem>>, vector<16xi32>,
      %mul3A_290 = arith.constant 65 : i32
      %mul3A_291 = vector.broadcast %mul3A_290 : i32 to vector<16xi32>
      %mul3A_292 = arith.muli %get3A_289, %mul3A_291 : vector<16xi32>
      %get3A_293 = arith.constant 208 : index
      %get3A_294 = tpu.vector_load %arg7[%get3A_293] {strides = array<i32>} : memref<256xi32, #tpu.memory_space<vmem>>, vector<16xi32>,
      %mul3A_295 = arith.constant 65 : i32
      %mul3A_296 = vector.broadcast %mul3A_295 : i32 to vector<16xi32>
      %mul3A_297 = arith.muli %get3A_294, %mul3A_296 : vector<16xi32>
      %get3A_298 = arith.constant 224 : index
      %get3A_299 = tpu.vector_load %arg7[%get3A_298] {strides = array<i32>} : memref<256xi32, #tpu.memory_space<vmem>>, vector<16xi32>,
      %mul3A_300 = arith.constant 65 : i32
      %mul3A_301 = vector.broadcast %mul3A_300 : i32 to vector<16xi32>
      %mul3A_302 = arith.muli %get3A_299, %mul3A_301 : vector<16xi32>
      %get3A_303 = arith.constant 240 : index
      %get3A_304 = tpu.vector_load %arg7[%get3A_303] {strides = array<i32>} : memref<256xi32, #tpu.memory_space<vmem>>, vector<16xi32>,
      %mul3A_305 = arith.constant 65 : i32
      %mul3A_306 = vector.broadcast %mul3A_305 : i32 to vector<16xi32>
      %mul3A_307 = arith.muli %get3A_304, %mul3A_306 : vector<16xi32>
      %scan3A_308 = arith.constant 0 : i32
      %scan3A_309 = arith.constant 32 : i32
      %scan3A_310 = arith.addi %scan3A_308, %scan3A_309 : i32
      %scan3A_311 = arith.constant 1 : i32
      scf.for %scan3A_555 = %scan3A_308 to %scan3A_310 step %scan3A_311  : i32 {
        %mul3A_556 = arith.constant 2 : i32
        %mul3A_557 = arith.muli %scan3A_555, %mul3A_556 : i32
        %add3A_558 = arith.constant 0 : i32
        %add3A_559 = arith.addi %add3A_558, %mul3A_557 : i32
        %add3A_560 = arith.constant 0 : i32
        %add3A_561 = arith.addi %add3A_559, %add3A_560 : i32
        %add3A_562 = vector.broadcast %add3A_561 : i32 to vector<16xi32>
        %add3A_563 = arith.addi %mul3A_232, %add3A_562 : vector<16xi32>
        %gather3A = tpu.vector_load_idx %arg6[%add3A_563] : memref<28992xf32, #tpu.memory_space<vmem>>[vector<16xi32>], vector<16xf32>,
        %add3A_564 = vector.broadcast %add3A_561 : i32 to vector<16xi32>
        %add3A_565 = arith.addi %mul3A_237, %add3A_564 : vector<16xi32>
        %gather3A_566 = tpu.vector_load_idx %arg6[%add3A_565] : memref<28992xf32, #tpu.memory_space<vmem>>[vector<16xi32>], vector<16xf32>,
        %add3A_567 = vector.broadcast %add3A_561 : i32 to vector<16xi32>
        %add3A_568 = arith.addi %mul3A_242, %add3A_567 : vector<16xi32>
        %gather3A_569 = tpu.vector_load_idx %arg6[%add3A_568] : memref<28992xf32, #tpu.memory_space<vmem>>[vector<16xi32>], vector<16xf32>,
        %add3A_570 = vector.broadcast %add3A_561 : i32 to vector<16xi32>
        %add3A_571 = arith.addi %mul3A_247, %add3A_570 : vector<16xi32>
        %gather3A_572 = tpu.vector_load_idx %arg6[%add3A_571] : memref<28992xf32, #tpu.memory_space<vmem>>[vector<16xi32>], vector<16xf32>,
        %add3A_573 = vector.broadcast %add3A_561 : i32 to vector<16xi32>
        %add3A_574 = arith.addi %mul3A_252, %add3A_573 : vector<16xi32>
        %gather3A_575 = tpu.vector_load_idx %arg6[%add3A_574] : memref<28992xf32, #tpu.memory_space<vmem>>[vector<16xi32>], vector<16xf32>,
        %add3A_576 = vector.broadcast %add3A_561 : i32 to vector<16xi32>
        %add3A_577 = arith.addi %mul3A_257, %add3A_576 : vector<16xi32>
        %gather3A_578 = tpu.vector_load_idx %arg6[%add3A_577] : memref<28992xf32, #tpu.memory_space<vmem>>[vector<16xi32>], vector<16xf32>,
        %add3A_579 = vector.broadcast %add3A_561 : i32 to vector<16xi32>
        %add3A_580 = arith.addi %mul3A_262, %add3A_579 : vector<16xi32>
        %gather3A_581 = tpu.vector_load_idx %arg6[%add3A_580] : memref<28992xf32, #tpu.memory_space<vmem>>[vector<16xi32>], vector<16xf32>,
        %add3A_582 = vector.broadcast %add3A_561 : i32 to vector<16xi32>
        %add3A_583 = arith.addi %mul3A_267, %add3A_582 : vector<16xi32>
        %gather3A_584 = tpu.vector_load_idx %arg6[%add3A_583] : memref<28992xf32, #tpu.memory_space<vmem>>[vector<16xi32>], vector<16xf32>,
        %add3A_585 = vector.broadcast %add3A_561 : i32 to vector<16xi32>
        %add3A_586 = arith.addi %mul3A_272, %add3A_585 : vector<16xi32>
        %gather3A_587 = tpu.vector_load_idx %arg6[%add3A_586] : memref<28992xf32, #tpu.memory_space<vmem>>[vector<16xi32>], vector<16xf32>,
        %add3A_588 = vector.broadcast %add3A_561 : i32 to vector<16xi32>
        %add3A_589 = arith.addi %mul3A_277, %add3A_588 : vector<16xi32>
        %gather3A_590 = tpu.vector_load_idx %arg6[%add3A_589] : memref<28992xf32, #tpu.memory_space<vmem>>[vector<16xi32>], vector<16xf32>,
        %add3A_591 = vector.broadcast %add3A_561 : i32 to vector<16xi32>
        %add3A_592 = arith.addi %mul3A_282, %add3A_591 : vector<16xi32>
        %gather3A_593 = tpu.vector_load_idx %arg6[%add3A_592] : memref<28992xf32, #tpu.memory_space<vmem>>[vector<16xi32>], vector<16xf32>,
        %add3A_594 = vector.broadcast %add3A_561 : i32 to vector<16xi32>
        %add3A_595 = arith.addi %mul3A_287, %add3A_594 : vector<16xi32>
        %gather3A_596 = tpu.vector_load_idx %arg6[%add3A_595] : memref<28992xf32, #tpu.memory_space<vmem>>[vector<16xi32>], vector<16xf32>,
        %add3A_597 = vector.broadcast %add3A_561 : i32 to vector<16xi32>
        %add3A_598 = arith.addi %mul3A_292, %add3A_597 : vector<16xi32>
        %gather3A_599 = tpu.vector_load_idx %arg6[%add3A_598] : memref<28992xf32, #tpu.memory_space<vmem>>[vector<16xi32>], vector<16xf32>,
        %add3A_600 = vector.broadcast %add3A_561 : i32 to vector<16xi32>
        %add3A_601 = arith.addi %mul3A_297, %add3A_600 : vector<16xi32>
        %gather3A_602 = tpu.vector_load_idx %arg6[%add3A_601] : memref<28992xf32, #tpu.memory_space<vmem>>[vector<16xi32>], vector<16xf32>,
        %add3A_603 = vector.broadcast %add3A_561 : i32 to vector<16xi32>
        %add3A_604 = arith.addi %mul3A_302, %add3A_603 : vector<16xi32>
        %gather3A_605 = tpu.vector_load_idx %arg6[%add3A_604] : memref<28992xf32, #tpu.memory_space<vmem>>[vector<16xi32>], vector<16xf32>,
        %add3A_606 = vector.broadcast %add3A_561 : i32 to vector<16xi32>
        %add3A_607 = arith.addi %mul3A_307, %add3A_606 : vector<16xi32>
        %gather3A_608 = tpu.vector_load_idx %arg6[%add3A_607] : memref<28992xf32, #tpu.memory_space<vmem>>[vector<16xi32>], vector<16xf32>,
        %swap3A = arith.index_cast %add3A_561 : i32 to index
        %swap3A_609 = arith.constant 0 : index
        %swap3A_610 = tpu.vector_load %arg10[%swap3A, %swap3A_609] {strides = array<i32>} : memref<64x256xf32, #tpu.memory_space<vmem>>, vector<16xf32>,
        tpu.vector_store %arg10[%swap3A, %swap3A_609], %gather3A {add = true, strides = array<i32>} : memref<64x256xf32, #tpu.memory_space<vmem>>, vector<16xf32>,
        %swap3A_611 = arith.index_cast %add3A_561 : i32 to index
        %swap3A_612 = arith.constant 16 : index
        %swap3A_613 = tpu.vector_load %arg10[%swap3A_611, %swap3A_612] {strides = array<i32>} : memref<64x256xf32, #tpu.memory_space<vmem>>, vector<16xf32>,
        tpu.vector_store %arg10[%swap3A_611, %swap3A_612], %gather3A_566 {add = true, strides = array<i32>} : memref<64x256xf32, #tpu.memory_space<vmem>>, vector<16xf32>,
        %swap3A_614 = arith.index_cast %add3A_561 : i32 to index
        %swap3A_615 = arith.constant 32 : index
        %swap3A_616 = tpu.vector_load %arg10[%swap3A_614, %swap3A_615] {strides = array<i32>} : memref<64x256xf32, #tpu.memory_space<vmem>>, vector<16xf32>,
        tpu.vector_store %arg10[%swap3A_614, %swap3A_615], %gather3A_569 {add = true, strides = array<i32>} : memref<64x256xf32, #tpu.memory_space<vmem>>, vector<16xf32>,
        %swap3A_617 = arith.index_cast %add3A_561 : i32 to index
        %swap3A_618 = arith.constant 48 : index
        %swap3A_619 = tpu.vector_load %arg10[%swap3A_617, %swap3A_618] {strides = array<i32>} : memref<64x256xf32, #tpu.memory_space<vmem>>, vector<16xf32>,
        tpu.vector_store %arg10[%swap3A_617, %swap3A_618], %gather3A_572 {add = true, strides = array<i32>} : memref<64x256xf32, #tpu.memory_space<vmem>>, vector<16xf32>,
        %swap3A_620 = arith.index_cast %add3A_561 : i32 to index
        %swap3A_621 = arith.constant 64 : index
        %swap3A_622 = tpu.vector_load %arg10[%swap3A_620, %swap3A_621] {strides = array<i32>} : memref<64x256xf32, #tpu.memory_space<vmem>>, vector<16xf32>,
        tpu.vector_store %arg10[%swap3A_620, %swap3A_621], %gather3A_575 {add = true, strides = array<i32>} : memref<64x256xf32, #tpu.memory_space<vmem>>, vector<16xf32>,
        %swap3A_623 = arith.index_cast %add3A_561 : i32 to index
        %swap3A_624 = arith.constant 80 : index
        %swap3A_625 = tpu.vector_load %arg10[%swap3A_623, %swap3A_624] {strides = array<i32>} : memref<64x256xf32, #tpu.memory_space<vmem>>, vector<16xf32>,
        tpu.vector_store %arg10[%swap3A_623, %swap3A_624], %gather3A_578 {add = true, strides = array<i32>} : memref<64x256xf32, #tpu.memory_space<vmem>>, vector<16xf32>,
        %swap3A_626 = arith.index_cast %add3A_561 : i32 to index
        %swap3A_627 = arith.constant 96 : index
        %swap3A_628 = tpu.vector_load %arg10[%swap3A_626, %swap3A_627] {strides = array<i32>} : memref<64x256xf32, #tpu.memory_space<vmem>>, vector<16xf32>,
        tpu.vector_store %arg10[%swap3A_626, %swap3A_627], %gather3A_581 {add = true, strides = array<i32>} : memref<64x256xf32, #tpu.memory_space<vmem>>, vector<16xf32>,
        %swap3A_629 = arith.index_cast %add3A_561 : i32 to index
        %swap3A_630 = arith.constant 112 : index
        %swap3A_631 = tpu.vector_load %arg10[%swap3A_629, %swap3A_630] {strides = array<i32>} : memref<64x256xf32, #tpu.memory_space<vmem>>, vector<16xf32>,
        tpu.vector_store %arg10[%swap3A_629, %swap3A_630], %gather3A_584 {add = true, strides = array<i32>} : memref<64x256xf32, #tpu.memory_space<vmem>>, vector<16xf32>,
        %swap3A_632 = arith.index_cast %add3A_561 : i32 to index
        %swap3A_633 = arith.constant 128 : index
        %swap3A_634 = tpu.vector_load %arg10[%swap3A_632, %swap3A_633] {strides = array<i32>} : memref<64x256xf32, #tpu.memory_space<vmem>>, vector<16xf32>,
        tpu.vector_store %arg10[%swap3A_632, %swap3A_633], %gather3A_587 {add = true, strides = array<i32>} : memref<64x256xf32, #tpu.memory_space<vmem>>, vector<16xf32>,
        %swap3A_635 = arith.index_cast %add3A_561 : i32 to index
        %swap3A_636 = arith.constant 144 : index
        %swap3A_637 = tpu.vector_load %arg10[%swap3A_635, %swap3A_636] {strides = array<i32>} : memref<64x256xf32, #tpu.memory_space<vmem>>, vector<16xf32>,
        tpu.vector_store %arg10[%swap3A_635, %swap3A_636], %gather3A_590 {add = true, strides = array<i32>} : memref<64x256xf32, #tpu.memory_space<vmem>>, vector<16xf32>,
        %swap3A_638 = arith.index_cast %add3A_561 : i32 to index
        %swap3A_639 = arith.constant 160 : index
        %swap3A_640 = tpu.vector_load %arg10[%swap3A_638, %swap3A_639] {strides = array<i32>} : memref<64x256xf32, #tpu.memory_space<vmem>>, vector<16xf32>,
        tpu.vector_store %arg10[%swap3A_638, %swap3A_639], %gather3A_593 {add = true, strides = array<i32>} : memref<64x256xf32, #tpu.memory_space<vmem>>, vector<16xf32>,
        %swap3A_641 = arith.index_cast %add3A_561 : i32 to index
        %swap3A_642 = arith.constant 176 : index
        %swap3A_643 = tpu.vector_load %arg10[%swap3A_641, %swap3A_642] {strides = array<i32>} : memref<64x256xf32, #tpu.memory_space<vmem>>, vector<16xf32>,
        tpu.vector_store %arg10[%swap3A_641, %swap3A_642], %gather3A_596 {add = true, strides = array<i32>} : memref<64x256xf32, #tpu.memory_space<vmem>>, vector<16xf32>,
        %swap3A_644 = arith.index_cast %add3A_561 : i32 to index
        %swap3A_645 = arith.constant 192 : index
        %swap3A_646 = tpu.vector_load %arg10[%swap3A_644, %swap3A_645] {strides = array<i32>} : memref<64x256xf32, #tpu.memory_space<vmem>>, vector<16xf32>,
        tpu.vector_store %arg10[%swap3A_644, %swap3A_645], %gather3A_599 {add = true, strides = array<i32>} : memref<64x256xf32, #tpu.memory_space<vmem>>, vector<16xf32>,
        %swap3A_647 = arith.index_cast %add3A_561 : i32 to index
        %swap3A_648 = arith.constant 208 : index
        %swap3A_649 = tpu.vector_load %arg10[%swap3A_647, %swap3A_648] {strides = array<i32>} : memref<64x256xf32, #tpu.memory_space<vmem>>, vector<16xf32>,
        tpu.vector_store %arg10[%swap3A_647, %swap3A_648], %gather3A_602 {add = true, strides = array<i32>} : memref<64x256xf32, #tpu.memory_space<vmem>>, vector<16xf32>,
        %swap3A_650 = arith.index_cast %add3A_561 : i32 to index
        %swap3A_651 = arith.constant 224 : index
        %swap3A_652 = tpu.vector_load %arg10[%swap3A_650, %swap3A_651] {strides = array<i32>} : memref<64x256xf32, #tpu.memory_space<vmem>>, vector<16xf32>,
        tpu.vector_store %arg10[%swap3A_650, %swap3A_651], %gather3A_605 {add = true, strides = array<i32>} : memref<64x256xf32, #tpu.memory_space<vmem>>, vector<16xf32>,
        %swap3A_653 = arith.index_cast %add3A_561 : i32 to index
        %swap3A_654 = arith.constant 240 : index
        %swap3A_655 = tpu.vector_load %arg10[%swap3A_653, %swap3A_654] {strides = array<i32>} : memref<64x256xf32, #tpu.memory_space<vmem>>, vector<16xf32>,
        tpu.vector_store %arg10[%swap3A_653, %swap3A_654], %gather3A_608 {add = true, strides = array<i32>} : memref<64x256xf32, #tpu.memory_space<vmem>>, vector<16xf32>,
        %add3A_656 = arith.constant 1 : i32
        %add3A_657 = arith.addi %add3A_559, %add3A_656 : i32
        %add3A_658 = vector.broadcast %add3A_657 : i32 to vector<16xi32>
        %add3A_659 = arith.addi %mul3A_232, %add3A_658 : vector<16xi32>
        %gather3A_660 = tpu.vector_load_idx %arg6[%add3A_659] : memref<28992xf32, #tpu.memory_space<vmem>>[vector<16xi32>], vector<16xf32>,
        %add3A_661 = vector.broadcast %add3A_657 : i32 to vector<16xi32>
        %add3A_662 = arith.addi %mul3A_237, %add3A_661 : vector<16xi32>
        %gather3A_663 = tpu.vector_load_idx %arg6[%add3A_662] : memref<28992xf32, #tpu.memory_space<vmem>>[vector<16xi32>], vector<16xf32>,
        %add3A_664 = vector.broadcast %add3A_657 : i32 to vector<16xi32>
        %add3A_665 = arith.addi %mul3A_242, %add3A_664 : vector<16xi32>
        %gather3A_666 = tpu.vector_load_idx %arg6[%add3A_665] : memref<28992xf32, #tpu.memory_space<vmem>>[vector<16xi32>], vector<16xf32>,
        %add3A_667 = vector.broadcast %add3A_657 : i32 to vector<16xi32>
        %add3A_668 = arith.addi %mul3A_247, %add3A_667 : vector<16xi32>
        %gather3A_669 = tpu.vector_load_idx %arg6[%add3A_668] : memref<28992xf32, #tpu.memory_space<vmem>>[vector<16xi32>], vector<16xf32>,
        %add3A_670 = vector.broadcast %add3A_657 : i32 to vector<16xi32>
        %add3A_671 = arith.addi %mul3A_252, %add3A_670 : vector<16xi32>
        %gather3A_672 = tpu.vector_load_idx %arg6[%add3A_671] : memref<28992xf32, #tpu.memory_space<vmem>>[vector<16xi32>], vector<16xf32>,
        %add3A_673 = vector.broadcast %add3A_657 : i32 to vector<16xi32>
        %add3A_674 = arith.addi %mul3A_257, %add3A_673 : vector<16xi32>
        %gather3A_675 = tpu.vector_load_idx %arg6[%add3A_674] : memref<28992xf32, #tpu.memory_space<vmem>>[vector<16xi32>], vector<16xf32>,
        %add3A_676 = vector.broadcast %add3A_657 : i32 to vector<16xi32>
        %add3A_677 = arith.addi %mul3A_262, %add3A_676 : vector<16xi32>
        %gather3A_678 = tpu.vector_load_idx %arg6[%add3A_677] : memref<28992xf32, #tpu.memory_space<vmem>>[vector<16xi32>], vector<16xf32>,
        %add3A_679 = vector.broadcast %add3A_657 : i32 to vector<16xi32>
        %add3A_680 = arith.addi %mul3A_267, %add3A_679 : vector<16xi32>
        %gather3A_681 = tpu.vector_load_idx %arg6[%add3A_680] : memref<28992xf32, #tpu.memory_space<vmem>>[vector<16xi32>], vector<16xf32>,
        %add3A_682 = vector.broadcast %add3A_657 : i32 to vector<16xi32>
        %add3A_683 = arith.addi %mul3A_272, %add3A_682 : vector<16xi32>
        %gather3A_684 = tpu.vector_load_idx %arg6[%add3A_683] : memref<28992xf32, #tpu.memory_space<vmem>>[vector<16xi32>], vector<16xf32>,
        %add3A_685 = vector.broadcast %add3A_657 : i32 to vector<16xi32>
        %add3A_686 = arith.addi %mul3A_277, %add3A_685 : vector<16xi32>
        %gather3A_687 = tpu.vector_load_idx %arg6[%add3A_686] : memref<28992xf32, #tpu.memory_space<vmem>>[vector<16xi32>], vector<16xf32>,
        %add3A_688 = vector.broadcast %add3A_657 : i32 to vector<16xi32>
        %add3A_689 = arith.addi %mul3A_282, %add3A_688 : vector<16xi32>
        %gather3A_690 = tpu.vector_load_idx %arg6[%add3A_689] : memref<28992xf32, #tpu.memory_space<vmem>>[vector<16xi32>], vector<16xf32>,
        %add3A_691 = vector.broadcast %add3A_657 : i32 to vector<16xi32>
        %add3A_692 = arith.addi %mul3A_287, %add3A_691 : vector<16xi32>
        %gather3A_693 = tpu.vector_load_idx %arg6[%add3A_692] : memref<28992xf32, #tpu.memory_space<vmem>>[vector<16xi32>], vector<16xf32>,
        %add3A_694 = vector.broadcast %add3A_657 : i32 to vector<16xi32>
        %add3A_695 = arith.addi %mul3A_292, %add3A_694 : vector<16xi32>
        %gather3A_696 = tpu.vector_load_idx %arg6[%add3A_695] : memref<28992xf32, #tpu.memory_space<vmem>>[vector<16xi32>], vector<16xf32>,
        %add3A_697 = vector.broadcast %add3A_657 : i32 to vector<16xi32>
        %add3A_698 = arith.addi %mul3A_297, %add3A_697 : vector<16xi32>
        %gather3A_699 = tpu.vector_load_idx %arg6[%add3A_698] : memref<28992xf32, #tpu.memory_space<vmem>>[vector<16xi32>], vector<16xf32>,
        %add3A_700 = vector.broadcast %add3A_657 : i32 to vector<16xi32>
        %add3A_701 = arith.addi %mul3A_302, %add3A_700 : vector<16xi32>
        %gather3A_702 = tpu.vector_load_idx %arg6[%add3A_701] : memref<28992xf32, #tpu.memory_space<vmem>>[vector<16xi32>], vector<16xf32>,
        %add3A_703 = vector.broadcast %add3A_657 : i32 to vector<16xi32>
        %add3A_704 = arith.addi %mul3A_307, %add3A_703 : vector<16xi32>
        %gather3A_705 = tpu.vector_load_idx %arg6[%add3A_704] : memref<28992xf32, #tpu.memory_space<vmem>>[vector<16xi32>], vector<16xf32>,
        %swap3A_706 = arith.index_cast %add3A_657 : i32 to index
        %swap3A_707 = arith.constant 0 : index
        %swap3A_708 = tpu.vector_load %arg10[%swap3A_706, %swap3A_707] {strides = array<i32>} : memref<64x256xf32, #tpu.memory_space<vmem>>, vector<16xf32>,
        tpu.vector_store %arg10[%swap3A_706, %swap3A_707], %gather3A_660 {add = true, strides = array<i32>} : memref<64x256xf32, #tpu.memory_space<vmem>>, vector<16xf32>,
        %swap3A_709 = arith.index_cast %add3A_657 : i32 to index
        %swap3A_710 = arith.constant 16 : index
        %swap3A_711 = tpu.vector_load %arg10[%swap3A_709, %swap3A_710] {strides = array<i32>} : memref<64x256xf32, #tpu.memory_space<vmem>>, vector<16xf32>,
        tpu.vector_store %arg10[%swap3A_709, %swap3A_710], %gather3A_663 {add = true, strides = array<i32>} : memref<64x256xf32, #tpu.memory_space<vmem>>, vector<16xf32>,
        %swap3A_712 = arith.index_cast %add3A_657 : i32 to index
        %swap3A_713 = arith.constant 32 : index
        %swap3A_714 = tpu.vector_load %arg10[%swap3A_712, %swap3A_713] {strides = array<i32>} : memref<64x256xf32, #tpu.memory_space<vmem>>, vector<16xf32>,
        tpu.vector_store %arg10[%swap3A_712, %swap3A_713], %gather3A_666 {add = true, strides = array<i32>} : memref<64x256xf32, #tpu.memory_space<vmem>>, vector<16xf32>,
        %swap3A_715 = arith.index_cast %add3A_657 : i32 to index
        %swap3A_716 = arith.constant 48 : index
        %swap3A_717 = tpu.vector_load %arg10[%swap3A_715, %swap3A_716] {strides = array<i32>} : memref<64x256xf32, #tpu.memory_space<vmem>>, vector<16xf32>,
        tpu.vector_store %arg10[%swap3A_715, %swap3A_716], %gather3A_669 {add = true, strides = array<i32>} : memref<64x256xf32, #tpu.memory_space<vmem>>, vector<16xf32>,
        %swap3A_718 = arith.index_cast %add3A_657 : i32 to index
        %swap3A_719 = arith.constant 64 : index
        %swap3A_720 = tpu.vector_load %arg10[%swap3A_718, %swap3A_719] {strides = array<i32>} : memref<64x256xf32, #tpu.memory_space<vmem>>, vector<16xf32>,
        tpu.vector_store %arg10[%swap3A_718, %swap3A_719], %gather3A_672 {add = true, strides = array<i32>} : memref<64x256xf32, #tpu.memory_space<vmem>>, vector<16xf32>,
        %swap3A_721 = arith.index_cast %add3A_657 : i32 to index
        %swap3A_722 = arith.constant 80 : index
        %swap3A_723 = tpu.vector_load %arg10[%swap3A_721, %swap3A_722] {strides = array<i32>} : memref<64x256xf32, #tpu.memory_space<vmem>>, vector<16xf32>,
        tpu.vector_store %arg10[%swap3A_721, %swap3A_722], %gather3A_675 {add = true, strides = array<i32>} : memref<64x256xf32, #tpu.memory_space<vmem>>, vector<16xf32>,
        %swap3A_724 = arith.index_cast %add3A_657 : i32 to index
        %swap3A_725 = arith.constant 96 : index
        %swap3A_726 = tpu.vector_load %arg10[%swap3A_724, %swap3A_725] {strides = array<i32>} : memref<64x256xf32, #tpu.memory_space<vmem>>, vector<16xf32>,
        tpu.vector_store %arg10[%swap3A_724, %swap3A_725], %gather3A_678 {add = true, strides = array<i32>} : memref<64x256xf32, #tpu.memory_space<vmem>>, vector<16xf32>,
        %swap3A_727 = arith.index_cast %add3A_657 : i32 to index
        %swap3A_728 = arith.constant 112 : index
        %swap3A_729 = tpu.vector_load %arg10[%swap3A_727, %swap3A_728] {strides = array<i32>} : memref<64x256xf32, #tpu.memory_space<vmem>>, vector<16xf32>,
        tpu.vector_store %arg10[%swap3A_727, %swap3A_728], %gather3A_681 {add = true, strides = array<i32>} : memref<64x256xf32, #tpu.memory_space<vmem>>, vector<16xf32>,
        %swap3A_730 = arith.index_cast %add3A_657 : i32 to index
        %swap3A_731 = arith.constant 128 : index
        %swap3A_732 = tpu.vector_load %arg10[%swap3A_730, %swap3A_731] {strides = array<i32>} : memref<64x256xf32, #tpu.memory_space<vmem>>, vector<16xf32>,
        tpu.vector_store %arg10[%swap3A_730, %swap3A_731], %gather3A_684 {add = true, strides = array<i32>} : memref<64x256xf32, #tpu.memory_space<vmem>>, vector<16xf32>,
        %swap3A_733 = arith.index_cast %add3A_657 : i32 to index
        %swap3A_734 = arith.constant 144 : index
        %swap3A_735 = tpu.vector_load %arg10[%swap3A_733, %swap3A_734] {strides = array<i32>} : memref<64x256xf32, #tpu.memory_space<vmem>>, vector<16xf32>,
        tpu.vector_store %arg10[%swap3A_733, %swap3A_734], %gather3A_687 {add = true, strides = array<i32>} : memref<64x256xf32, #tpu.memory_space<vmem>>, vector<16xf32>,
        %swap3A_736 = arith.index_cast %add3A_657 : i32 to index
        %swap3A_737 = arith.constant 160 : index
        %swap3A_738 = tpu.vector_load %arg10[%swap3A_736, %swap3A_737] {strides = array<i32>} : memref<64x256xf32, #tpu.memory_space<vmem>>, vector<16xf32>,
        tpu.vector_store %arg10[%swap3A_736, %swap3A_737], %gather3A_690 {add = true, strides = array<i32>} : memref<64x256xf32, #tpu.memory_space<vmem>>, vector<16xf32>,
        %swap3A_739 = arith.index_cast %add3A_657 : i32 to index
        %swap3A_740 = arith.constant 176 : index
        %swap3A_741 = tpu.vector_load %arg10[%swap3A_739, %swap3A_740] {strides = array<i32>} : memref<64x256xf32, #tpu.memory_space<vmem>>, vector<16xf32>,
        tpu.vector_store %arg10[%swap3A_739, %swap3A_740], %gather3A_693 {add = true, strides = array<i32>} : memref<64x256xf32, #tpu.memory_space<vmem>>, vector<16xf32>,
        %swap3A_742 = arith.index_cast %add3A_657 : i32 to index
        %swap3A_743 = arith.constant 192 : index
        %swap3A_744 = tpu.vector_load %arg10[%swap3A_742, %swap3A_743] {strides = array<i32>} : memref<64x256xf32, #tpu.memory_space<vmem>>, vector<16xf32>,
        tpu.vector_store %arg10[%swap3A_742, %swap3A_743], %gather3A_696 {add = true, strides = array<i32>} : memref<64x256xf32, #tpu.memory_space<vmem>>, vector<16xf32>,
        %swap3A_745 = arith.index_cast %add3A_657 : i32 to index
        %swap3A_746 = arith.constant 208 : index
        %swap3A_747 = tpu.vector_load %arg10[%swap3A_745, %swap3A_746] {strides = array<i32>} : memref<64x256xf32, #tpu.memory_space<vmem>>, vector<16xf32>,
        tpu.vector_store %arg10[%swap3A_745, %swap3A_746], %gather3A_699 {add = true, strides = array<i32>} : memref<64x256xf32, #tpu.memory_space<vmem>>, vector<16xf32>,
        %swap3A_748 = arith.index_cast %add3A_657 : i32 to index
        %swap3A_749 = arith.constant 224 : index
        %swap3A_750 = tpu.vector_load %arg10[%swap3A_748, %swap3A_749] {strides = array<i32>} : memref<64x256xf32, #tpu.memory_space<vmem>>, vector<16xf32>,
        tpu.vector_store %arg10[%swap3A_748, %swap3A_749], %gather3A_702 {add = true, strides = array<i32>} : memref<64x256xf32, #tpu.memory_space<vmem>>, vector<16xf32>,
        %swap3A_751 = arith.index_cast %add3A_657 : i32 to index
        %swap3A_752 = arith.constant 240 : index
        %swap3A_753 = tpu.vector_load %arg10[%swap3A_751, %swap3A_752] {strides = array<i32>} : memref<64x256xf32, #tpu.memory_space<vmem>>, vector<16xf32>,
        tpu.vector_store %arg10[%swap3A_751, %swap3A_752], %gather3A_705 {add = true, strides = array<i32>} : memref<64x256xf32, #tpu.memory_space<vmem>>, vector<16xf32>,
      }
      %scan3A_312 = arith.constant 32 : i32
      %add3A_313 = arith.addi %mul3A_34, %add3A_214 : i32
      %dma_start3A_314 = arith.constant 0 : i32
      %dma_start3A_315 = tpu.memref_slice %arg5[%add3A_313, %dma_start3A_314, %mul3A_11] : memref<200x64x4096xf32, #tpu.memory_space<hbm>> -> memref<1x64x256xf32, #tpu.memory_space<hbm>>
      %dma_start3A_316 = tpu.memref_squeeze %dma_start3A_315 : memref<1x64x256xf32, #tpu.memory_space<hbm>> -> memref<64x256xf32, #tpu.memory_space<hbm>>
      %dma_start3A_317 = arith.constant 0 : i32
      %dma_start3A_318 = tpu.memref_slice %arg5[%add3A_313, %dma_start3A_317, %mul3A_11] : memref<200x64x4096xf32, #tpu.memory_space<hbm>> -> memref<1x64x256xf32, #tpu.memory_space<hbm>>
      %dma_start3A_319 = tpu.memref_squeeze %dma_start3A_318 : memref<1x64x256xf32, #tpu.memory_space<hbm>> -> memref<64x256xf32, #tpu.memory_space<hbm>>
      tpu.enqueue_dma source(%arg10 : memref<64x256xf32, #tpu.memory_space<vmem>>) target(%dma_start3A_319 : memref<64x256xf32, #tpu.memory_space<hbm>>) target_semaphore(%arg17 : memref<!tpu.dma_semaphore, #tpu.memory_space<semaphore_mem>>)
      %add3A_320 = arith.constant 2 : i32
      %add3A_321 = arith.addi %add3A_214, %add3A_320 : i32
      %ge3A = arith.constant 1 : i32
      %ge3A_322 = arith.cmpi sge, %add3A_214, %ge3A : i32
      %lt3A_323 = arith.constant 100 : i32
      %lt3A_324 = arith.cmpi slt, %add3A_321, %lt3A_323 : i32
      %and3A_325 = arith.andi %ge3A_322, %lt3A_324 : i1
      %convert_element_type3A = arith.extui %and3A_325 : i1 to i32
      %cond3A = arith.constant 0 : i32
      %cond3A_326 = arith.cmpi ne, %convert_element_type3A, %cond3A : i32
      scf.if %cond3A_326 {
        %dma_wait3A_555 = arith.constant 0 : i32
        %dma_wait3A_556 = arith.constant 0 : i32
        %dma_wait3A_557 = arith.constant 0 : i32
        %dma_wait3A_558 = tpu.memref_slice %arg2[%dma_wait3A_555, %dma_wait3A_556, %dma_wait3A_557] : memref<200x64x4096xf32, #tpu.memory_space<hbm>> -> memref<1x64x256xf32, #tpu.memory_space<hbm>>
        %dma_wait3A_559 = tpu.memref_squeeze %dma_wait3A_558 : memref<1x64x256xf32, #tpu.memory_space<hbm>> -> memref<64x256xf32, #tpu.memory_space<hbm>>
        %dma_wait3A_560 = arith.constant 0 : i32
        %dma_wait3A_561 = arith.constant 0 : i32
        %dma_wait3A_562 = tpu.memref_slice %arg2[%dma_wait3A_555, %dma_wait3A_560, %dma_wait3A_561] : memref<200x64x4096xf32, #tpu.memory_space<hbm>> -> memref<1x64x256xf32, #tpu.memory_space<hbm>>
        %dma_wait3A_563 = tpu.memref_squeeze %dma_wait3A_562 : memref<1x64x256xf32, #tpu.memory_space<hbm>> -> memref<64x256xf32, #tpu.memory_space<hbm>>
        tpu.wait_dma2 semaphore(%arg19 : memref<!tpu.dma_semaphore, #tpu.memory_space<semaphore_mem>>) src(%dma_wait3A_563 : memref<64x256xf32, #tpu.memory_space<hbm>>) dst(%arg12 : memref<64x256xf32, #tpu.memory_space<vmem>>)
        %add3A_564 = arith.addi %mul3A_34, %add3A_321 : i32
        %dma_start3A_565 = arith.constant 0 : i32
        %dma_start3A_566 = tpu.memref_slice %arg2[%add3A_564, %dma_start3A_565, %mul3A_11] : memref<200x64x4096xf32, #tpu.memory_space<hbm>> -> memref<1x64x256xf32, #tpu.memory_space<hbm>>
        %dma_start3A_567 = tpu.memref_squeeze %dma_start3A_566 : memref<1x64x256xf32, #tpu.memory_space<hbm>> -> memref<64x256xf32, #tpu.memory_space<hbm>>
        %dma_start3A_568 = arith.constant 0 : i32
        %dma_start3A_569 = tpu.memref_slice %arg2[%add3A_564, %dma_start3A_568, %mul3A_11] : memref<200x64x4096xf32, #tpu.memory_space<hbm>> -> memref<1x64x256xf32, #tpu.memory_space<hbm>>
        %dma_start3A_570 = tpu.memref_squeeze %dma_start3A_569 : memref<1x64x256xf32, #tpu.memory_space<hbm>> -> memref<64x256xf32, #tpu.memory_space<hbm>>
        tpu.enqueue_dma source(%dma_start3A_570 : memref<64x256xf32, #tpu.memory_space<hbm>>) target(%arg12 : memref<64x256xf32, #tpu.memory_space<vmem>>) target_semaphore(%arg16 : memref<!tpu.dma_semaphore, #tpu.memory_space<semaphore_mem>>)
        %mul3A_571 = arith.constant 4096 : i32
        %mul3A_572 = arith.muli %add3A_564, %mul3A_571 : i32
        %add3A_573 = arith.addi %mul3A_572, %mul3A_11 : i32
        %dma_start3A_574 = tpu.memref_slice %arg3[%add3A_573] : memref<819200xi32, #tpu.memory_space<hbm>> -> memref<256xi32, #tpu.memory_space<hbm>>
        %dma_start3A_575 = tpu.memref_slice %arg3[%add3A_573] : memref<819200xi32, #tpu.memory_space<hbm>> -> memref<256xi32, #tpu.memory_space<hbm>>
        tpu.enqueue_dma source(%dma_start3A_575 : memref<256xi32, #tpu.memory_space<hbm>>) target(%arg9 : memref<256xi32, #tpu.memory_space<vmem>>) target_semaphore(%arg16 : memref<!tpu.dma_semaphore, #tpu.memory_space<semaphore_mem>>)
      } else {
      }
      %add3A_327 = arith.constant 1 : i32
      %add3A_328 = arith.addi %add3A_212, %add3A_327 : i32
      %dma_wait3A_329 = arith.constant 0 : i32
      %dma_wait3A_330 = arith.constant 0 : i32
      %dma_wait3A_331 = arith.constant 0 : i32
      %dma_wait3A_332 = tpu.memref_slice %arg2[%dma_wait3A_329, %dma_wait3A_330, %dma_wait3A_331] : memref<200x64x4096xf32, #tpu.memory_space<hbm>> -> memref<1x64x256xf32, #tpu.memory_space<hbm>>
      %dma_wait3A_333 = tpu.memref_squeeze %dma_wait3A_332 : memref<1x64x256xf32, #tpu.memory_space<hbm>> -> memref<64x256xf32, #tpu.memory_space<hbm>>
      %dma_wait3A_334 = arith.constant 0 : i32
      %dma_wait3A_335 = arith.constant 0 : i32
      %dma_wait3A_336 = tpu.memref_slice %arg2[%dma_wait3A_329, %dma_wait3A_334, %dma_wait3A_335] : memref<200x64x4096xf32, #tpu.memory_space<hbm>> -> memref<1x64x256xf32, #tpu.memory_space<hbm>>
      %dma_wait3A_337 = tpu.memref_squeeze %dma_wait3A_336 : memref<1x64x256xf32, #tpu.memory_space<hbm>> -> memref<64x256xf32, #tpu.memory_space<hbm>>
      tpu.wait_dma2 semaphore(%arg15 : memref<!tpu.dma_semaphore, #tpu.memory_space<semaphore_mem>>) src(%dma_wait3A_337 : memref<64x256xf32, #tpu.memory_space<hbm>>) dst(%arg11 : memref<64x256xf32, #tpu.memory_space<vmem>>)
      %dma_wait3A_338 = arith.constant 0 : i32
      %dma_wait3A_339 = tpu.memref_slice %arg3[%dma_wait3A_338] : memref<819200xi32, #tpu.memory_space<hbm>> -> memref<256xi32, #tpu.memory_space<hbm>>
      %dma_wait3A_340 = arith.constant 0 : i32
      %dma_wait3A_341 = tpu.memref_slice %arg3[%dma_wait3A_340] : memref<819200xi32, #tpu.memory_space<hbm>> -> memref<256xi32, #tpu.memory_space<hbm>>
      tpu.wait_dma2 semaphore(%arg15 : memref<!tpu.dma_semaphore, #tpu.memory_space<semaphore_mem>>) src(%dma_wait3A_341 : memref<256xi32, #tpu.memory_space<hbm>>) dst(%arg8 : memref<256xi32, #tpu.memory_space<vmem>>)
      %get3A_342 = arith.constant 0 : index
      %get3A_343 = tpu.vector_load %arg8[%get3A_342] {strides = array<i32>} : memref<256xi32, #tpu.memory_space<vmem>>, vector<16xi32>,
      %mul3A_344 = arith.constant 65 : i32
      %mul3A_345 = vector.broadcast %mul3A_344 : i32 to vector<16xi32>
      %mul3A_346 = arith.muli %get3A_343, %mul3A_345 : vector<16xi32>
      %get3A_347 = arith.constant 16 : index
      %get3A_348 = tpu.vector_load %arg8[%get3A_347] {strides = array<i32>} : memref<256xi32, #tpu.memory_space<vmem>>, vector<16xi32>,
      %mul3A_349 = arith.constant 65 : i32
      %mul3A_350 = vector.broadcast %mul3A_349 : i32 to vector<16xi32>
      %mul3A_351 = arith.muli %get3A_348, %mul3A_350 : vector<16xi32>
      %get3A_352 = arith.constant 32 : index
      %get3A_353 = tpu.vector_load %arg8[%get3A_352] {strides = array<i32>} : memref<256xi32, #tpu.memory_space<vmem>>, vector<16xi32>,
      %mul3A_354 = arith.constant 65 : i32
      %mul3A_355 = vector.broadcast %mul3A_354 : i32 to vector<16xi32>
      %mul3A_356 = arith.muli %get3A_353, %mul3A_355 : vector<16xi32>
      %get3A_357 = arith.constant 48 : index
      %get3A_358 = tpu.vector_load %arg8[%get3A_357] {strides = array<i32>} : memref<256xi32, #tpu.memory_space<vmem>>, vector<16xi32>,
      %mul3A_359 = arith.constant 65 : i32
      %mul3A_360 = vector.broadcast %mul3A_359 : i32 to vector<16xi32>
      %mul3A_361 = arith.muli %get3A_358, %mul3A_360 : vector<16xi32>
      %get3A_362 = arith.constant 64 : index
      %get3A_363 = tpu.vector_load %arg8[%get3A_362] {strides = array<i32>} : memref<256xi32, #tpu.memory_space<vmem>>, vector<16xi32>,
      %mul3A_364 = arith.constant 65 : i32
      %mul3A_365 = vector.broadcast %mul3A_364 : i32 to vector<16xi32>
      %mul3A_366 = arith.muli %get3A_363, %mul3A_365 : vector<16xi32>
      %get3A_367 = arith.constant 80 : index
      %get3A_368 = tpu.vector_load %arg8[%get3A_367] {strides = array<i32>} : memref<256xi32, #tpu.memory_space<vmem>>, vector<16xi32>,
      %mul3A_369 = arith.constant 65 : i32
      %mul3A_370 = vector.broadcast %mul3A_369 : i32 to vector<16xi32>
      %mul3A_371 = arith.muli %get3A_368, %mul3A_370 : vector<16xi32>
      %get3A_372 = arith.constant 96 : index
      %get3A_373 = tpu.vector_load %arg8[%get3A_372] {strides = array<i32>} : memref<256xi32, #tpu.memory_space<vmem>>, vector<16xi32>,
      %mul3A_374 = arith.constant 65 : i32
      %mul3A_375 = vector.broadcast %mul3A_374 : i32 to vector<16xi32>
      %mul3A_376 = arith.muli %get3A_373, %mul3A_375 : vector<16xi32>
      %get3A_377 = arith.constant 112 : index
      %get3A_378 = tpu.vector_load %arg8[%get3A_377] {strides = array<i32>} : memref<256xi32, #tpu.memory_space<vmem>>, vector<16xi32>,
      %mul3A_379 = arith.constant 65 : i32
      %mul3A_380 = vector.broadcast %mul3A_379 : i32 to vector<16xi32>
      %mul3A_381 = arith.muli %get3A_378, %mul3A_380 : vector<16xi32>
      %get3A_382 = arith.constant 128 : index
      %get3A_383 = tpu.vector_load %arg8[%get3A_382] {strides = array<i32>} : memref<256xi32, #tpu.memory_space<vmem>>, vector<16xi32>,
      %mul3A_384 = arith.constant 65 : i32
      %mul3A_385 = vector.broadcast %mul3A_384 : i32 to vector<16xi32>
      %mul3A_386 = arith.muli %get3A_383, %mul3A_385 : vector<16xi32>
      %get3A_387 = arith.constant 144 : index
      %get3A_388 = tpu.vector_load %arg8[%get3A_387] {strides = array<i32>} : memref<256xi32, #tpu.memory_space<vmem>>, vector<16xi32>,
      %mul3A_389 = arith.constant 65 : i32
      %mul3A_390 = vector.broadcast %mul3A_389 : i32 to vector<16xi32>
      %mul3A_391 = arith.muli %get3A_388, %mul3A_390 : vector<16xi32>
      %get3A_392 = arith.constant 160 : index
      %get3A_393 = tpu.vector_load %arg8[%get3A_392] {strides = array<i32>} : memref<256xi32, #tpu.memory_space<vmem>>, vector<16xi32>,
      %mul3A_394 = arith.constant 65 : i32
      %mul3A_395 = vector.broadcast %mul3A_394 : i32 to vector<16xi32>
      %mul3A_396 = arith.muli %get3A_393, %mul3A_395 : vector<16xi32>
      %get3A_397 = arith.constant 176 : index
      %get3A_398 = tpu.vector_load %arg8[%get3A_397] {strides = array<i32>} : memref<256xi32, #tpu.memory_space<vmem>>, vector<16xi32>,
      %mul3A_399 = arith.constant 65 : i32
      %mul3A_400 = vector.broadcast %mul3A_399 : i32 to vector<16xi32>
      %mul3A_401 = arith.muli %get3A_398, %mul3A_400 : vector<16xi32>
      %get3A_402 = arith.constant 192 : index
      %get3A_403 = tpu.vector_load %arg8[%get3A_402] {strides = array<i32>} : memref<256xi32, #tpu.memory_space<vmem>>, vector<16xi32>,
      %mul3A_404 = arith.constant 65 : i32
      %mul3A_405 = vector.broadcast %mul3A_404 : i32 to vector<16xi32>
      %mul3A_406 = arith.muli %get3A_403, %mul3A_405 : vector<16xi32>
      %get3A_407 = arith.constant 208 : index
      %get3A_408 = tpu.vector_load %arg8[%get3A_407] {strides = array<i32>} : memref<256xi32, #tpu.memory_space<vmem>>, vector<16xi32>,
      %mul3A_409 = arith.constant 65 : i32
      %mul3A_410 = vector.broadcast %mul3A_409 : i32 to vector<16xi32>
      %mul3A_411 = arith.muli %get3A_408, %mul3A_410 : vector<16xi32>
      %get3A_412 = arith.constant 224 : index
      %get3A_413 = tpu.vector_load %arg8[%get3A_412] {strides = array<i32>} : memref<256xi32, #tpu.memory_space<vmem>>, vector<16xi32>,
      %mul3A_414 = arith.constant 65 : i32
      %mul3A_415 = vector.broadcast %mul3A_414 : i32 to vector<16xi32>
      %mul3A_416 = arith.muli %get3A_413, %mul3A_415 : vector<16xi32>
      %get3A_417 = arith.constant 240 : index
      %get3A_418 = tpu.vector_load %arg8[%get3A_417] {strides = array<i32>} : memref<256xi32, #tpu.memory_space<vmem>>, vector<16xi32>,
      %mul3A_419 = arith.constant 65 : i32
      %mul3A_420 = vector.broadcast %mul3A_419 : i32 to vector<16xi32>
      %mul3A_421 = arith.muli %get3A_418, %mul3A_420 : vector<16xi32>
      %scan3A_422 = arith.constant 0 : i32
      %scan3A_423 = arith.constant 32 : i32
      %scan3A_424 = arith.addi %scan3A_422, %scan3A_423 : i32
      %scan3A_425 = arith.constant 1 : i32
      scf.for %scan3A_555 = %scan3A_422 to %scan3A_424 step %scan3A_425  : i32 {
        %mul3A_556 = arith.constant 2 : i32
        %mul3A_557 = arith.muli %scan3A_555, %mul3A_556 : i32
        %add3A_558 = arith.constant 0 : i32
        %add3A_559 = arith.addi %add3A_558, %mul3A_557 : i32
        %add3A_560 = arith.constant 0 : i32
        %add3A_561 = arith.addi %add3A_559, %add3A_560 : i32
        %add3A_562 = vector.broadcast %add3A_561 : i32 to vector<16xi32>
        %add3A_563 = arith.addi %mul3A_346, %add3A_562 : vector<16xi32>
        %gather3A = tpu.vector_load_idx %arg6[%add3A_563] : memref<28992xf32, #tpu.memory_space<vmem>>[vector<16xi32>], vector<16xf32>,
        %add3A_564 = vector.broadcast %add3A_561 : i32 to vector<16xi32>
        %add3A_565 = arith.addi %mul3A_351, %add3A_564 : vector<16xi32>
        %gather3A_566 = tpu.vector_load_idx %arg6[%add3A_565] : memref<28992xf32, #tpu.memory_space<vmem>>[vector<16xi32>], vector<16xf32>,
        %add3A_567 = vector.broadcast %add3A_561 : i32 to vector<16xi32>
        %add3A_568 = arith.addi %mul3A_356, %add3A_567 : vector<16xi32>
        %gather3A_569 = tpu.vector_load_idx %arg6[%add3A_568] : memref<28992xf32, #tpu.memory_space<vmem>>[vector<16xi32>], vector<16xf32>,
        %add3A_570 = vector.broadcast %add3A_561 : i32 to vector<16xi32>
        %add3A_571 = arith.addi %mul3A_361, %add3A_570 : vector<16xi32>
        %gather3A_572 = tpu.vector_load_idx %arg6[%add3A_571] : memref<28992xf32, #tpu.memory_space<vmem>>[vector<16xi32>], vector<16xf32>,
        %add3A_573 = vector.broadcast %add3A_561 : i32 to vector<16xi32>
        %add3A_574 = arith.addi %mul3A_366, %add3A_573 : vector<16xi32>
        %gather3A_575 = tpu.vector_load_idx %arg6[%add3A_574] : memref<28992xf32, #tpu.memory_space<vmem>>[vector<16xi32>], vector<16xf32>,
        %add3A_576 = vector.broadcast %add3A_561 : i32 to vector<16xi32>
        %add3A_577 = arith.addi %mul3A_371, %add3A_576 : vector<16xi32>
        %gather3A_578 = tpu.vector_load_idx %arg6[%add3A_577] : memref<28992xf32, #tpu.memory_space<vmem>>[vector<16xi32>], vector<16xf32>,
        %add3A_579 = vector.broadcast %add3A_561 : i32 to vector<16xi32>
        %add3A_580 = arith.addi %mul3A_376, %add3A_579 : vector<16xi32>
        %gather3A_581 = tpu.vector_load_idx %arg6[%add3A_580] : memref<28992xf32, #tpu.memory_space<vmem>>[vector<16xi32>], vector<16xf32>,
        %add3A_582 = vector.broadcast %add3A_561 : i32 to vector<16xi32>
        %add3A_583 = arith.addi %mul3A_381, %add3A_582 : vector<16xi32>
        %gather3A_584 = tpu.vector_load_idx %arg6[%add3A_583] : memref<28992xf32, #tpu.memory_space<vmem>>[vector<16xi32>], vector<16xf32>,
        %add3A_585 = vector.broadcast %add3A_561 : i32 to vector<16xi32>
        %add3A_586 = arith.addi %mul3A_386, %add3A_585 : vector<16xi32>
        %gather3A_587 = tpu.vector_load_idx %arg6[%add3A_586] : memref<28992xf32, #tpu.memory_space<vmem>>[vector<16xi32>], vector<16xf32>,
        %add3A_588 = vector.broadcast %add3A_561 : i32 to vector<16xi32>
        %add3A_589 = arith.addi %mul3A_391, %add3A_588 : vector<16xi32>
        %gather3A_590 = tpu.vector_load_idx %arg6[%add3A_589] : memref<28992xf32, #tpu.memory_space<vmem>>[vector<16xi32>], vector<16xf32>,
        %add3A_591 = vector.broadcast %add3A_561 : i32 to vector<16xi32>
        %add3A_592 = arith.addi %mul3A_396, %add3A_591 : vector<16xi32>
        %gather3A_593 = tpu.vector_load_idx %arg6[%add3A_592] : memref<28992xf32, #tpu.memory_space<vmem>>[vector<16xi32>], vector<16xf32>,
        %add3A_594 = vector.broadcast %add3A_561 : i32 to vector<16xi32>
        %add3A_595 = arith.addi %mul3A_401, %add3A_594 : vector<16xi32>
        %gather3A_596 = tpu.vector_load_idx %arg6[%add3A_595] : memref<28992xf32, #tpu.memory_space<vmem>>[vector<16xi32>], vector<16xf32>,
        %add3A_597 = vector.broadcast %add3A_561 : i32 to vector<16xi32>
        %add3A_598 = arith.addi %mul3A_406, %add3A_597 : vector<16xi32>
        %gather3A_599 = tpu.vector_load_idx %arg6[%add3A_598] : memref<28992xf32, #tpu.memory_space<vmem>>[vector<16xi32>], vector<16xf32>,
        %add3A_600 = vector.broadcast %add3A_561 : i32 to vector<16xi32>
        %add3A_601 = arith.addi %mul3A_411, %add3A_600 : vector<16xi32>
        %gather3A_602 = tpu.vector_load_idx %arg6[%add3A_601] : memref<28992xf32, #tpu.memory_space<vmem>>[vector<16xi32>], vector<16xf32>,
        %add3A_603 = vector.broadcast %add3A_561 : i32 to vector<16xi32>
        %add3A_604 = arith.addi %mul3A_416, %add3A_603 : vector<16xi32>
        %gather3A_605 = tpu.vector_load_idx %arg6[%add3A_604] : memref<28992xf32, #tpu.memory_space<vmem>>[vector<16xi32>], vector<16xf32>,
        %add3A_606 = vector.broadcast %add3A_561 : i32 to vector<16xi32>
        %add3A_607 = arith.addi %mul3A_421, %add3A_606 : vector<16xi32>
        %gather3A_608 = tpu.vector_load_idx %arg6[%add3A_607] : memref<28992xf32, #tpu.memory_space<vmem>>[vector<16xi32>], vector<16xf32>,
        %swap3A = arith.index_cast %add3A_561 : i32 to index
        %swap3A_609 = arith.constant 0 : index
        %swap3A_610 = tpu.vector_load %arg11[%swap3A, %swap3A_609] {strides = array<i32>} : memref<64x256xf32, #tpu.memory_space<vmem>>, vector<16xf32>,
        tpu.vector_store %arg11[%swap3A, %swap3A_609], %gather3A {add = true, strides = array<i32>} : memref<64x256xf32, #tpu.memory_space<vmem>>, vector<16xf32>,
        %swap3A_611 = arith.index_cast %add3A_561 : i32 to index
        %swap3A_612 = arith.constant 16 : index
        %swap3A_613 = tpu.vector_load %arg11[%swap3A_611, %swap3A_612] {strides = array<i32>} : memref<64x256xf32, #tpu.memory_space<vmem>>, vector<16xf32>,
        tpu.vector_store %arg11[%swap3A_611, %swap3A_612], %gather3A_566 {add = true, strides = array<i32>} : memref<64x256xf32, #tpu.memory_space<vmem>>, vector<16xf32>,
        %swap3A_614 = arith.index_cast %add3A_561 : i32 to index
        %swap3A_615 = arith.constant 32 : index
        %swap3A_616 = tpu.vector_load %arg11[%swap3A_614, %swap3A_615] {strides = array<i32>} : memref<64x256xf32, #tpu.memory_space<vmem>>, vector<16xf32>,
        tpu.vector_store %arg11[%swap3A_614, %swap3A_615], %gather3A_569 {add = true, strides = array<i32>} : memref<64x256xf32, #tpu.memory_space<vmem>>, vector<16xf32>,
        %swap3A_617 = arith.index_cast %add3A_561 : i32 to index
        %swap3A_618 = arith.constant 48 : index
        %swap3A_619 = tpu.vector_load %arg11[%swap3A_617, %swap3A_618] {strides = array<i32>} : memref<64x256xf32, #tpu.memory_space<vmem>>, vector<16xf32>,
        tpu.vector_store %arg11[%swap3A_617, %swap3A_618], %gather3A_572 {add = true, strides = array<i32>} : memref<64x256xf32, #tpu.memory_space<vmem>>, vector<16xf32>,
        %swap3A_620 = arith.index_cast %add3A_561 : i32 to index
        %swap3A_621 = arith.constant 64 : index
        %swap3A_622 = tpu.vector_load %arg11[%swap3A_620, %swap3A_621] {strides = array<i32>} : memref<64x256xf32, #tpu.memory_space<vmem>>, vector<16xf32>,
        tpu.vector_store %arg11[%swap3A_620, %swap3A_621], %gather3A_575 {add = true, strides = array<i32>} : memref<64x256xf32, #tpu.memory_space<vmem>>, vector<16xf32>,
        %swap3A_623 = arith.index_cast %add3A_561 : i32 to index
        %swap3A_624 = arith.constant 80 : index
        %swap3A_625 = tpu.vector_load %arg11[%swap3A_623, %swap3A_624] {strides = array<i32>} : memref<64x256xf32, #tpu.memory_space<vmem>>, vector<16xf32>,
        tpu.vector_store %arg11[%swap3A_623, %swap3A_624], %gather3A_578 {add = true, strides = array<i32>} : memref<64x256xf32, #tpu.memory_space<vmem>>, vector<16xf32>,
        %swap3A_626 = arith.index_cast %add3A_561 : i32 to index
        %swap3A_627 = arith.constant 96 : index
        %swap3A_628 = tpu.vector_load %arg11[%swap3A_626, %swap3A_627] {strides = array<i32>} : memref<64x256xf32, #tpu.memory_space<vmem>>, vector<16xf32>,
        tpu.vector_store %arg11[%swap3A_626, %swap3A_627], %gather3A_581 {add = true, strides = array<i32>} : memref<64x256xf32, #tpu.memory_space<vmem>>, vector<16xf32>,
        %swap3A_629 = arith.index_cast %add3A_561 : i32 to index
        %swap3A_630 = arith.constant 112 : index
        %swap3A_631 = tpu.vector_load %arg11[%swap3A_629, %swap3A_630] {strides = array<i32>} : memref<64x256xf32, #tpu.memory_space<vmem>>, vector<16xf32>,
        tpu.vector_store %arg11[%swap3A_629, %swap3A_630], %gather3A_584 {add = true, strides = array<i32>} : memref<64x256xf32, #tpu.memory_space<vmem>>, vector<16xf32>,
        %swap3A_632 = arith.index_cast %add3A_561 : i32 to index
        %swap3A_633 = arith.constant 128 : index
        %swap3A_634 = tpu.vector_load %arg11[%swap3A_632, %swap3A_633] {strides = array<i32>} : memref<64x256xf32, #tpu.memory_space<vmem>>, vector<16xf32>,
        tpu.vector_store %arg11[%swap3A_632, %swap3A_633], %gather3A_587 {add = true, strides = array<i32>} : memref<64x256xf32, #tpu.memory_space<vmem>>, vector<16xf32>,
        %swap3A_635 = arith.index_cast %add3A_561 : i32 to index
        %swap3A_636 = arith.constant 144 : index
        %swap3A_637 = tpu.vector_load %arg11[%swap3A_635, %swap3A_636] {strides = array<i32>} : memref<64x256xf32, #tpu.memory_space<vmem>>, vector<16xf32>,
        tpu.vector_store %arg11[%swap3A_635, %swap3A_636], %gather3A_590 {add = true, strides = array<i32>} : memref<64x256xf32, #tpu.memory_space<vmem>>, vector<16xf32>,
        %swap3A_638 = arith.index_cast %add3A_561 : i32 to index
        %swap3A_639 = arith.constant 160 : index
        %swap3A_640 = tpu.vector_load %arg11[%swap3A_638, %swap3A_639] {strides = array<i32>} : memref<64x256xf32, #tpu.memory_space<vmem>>, vector<16xf32>,
        tpu.vector_store %arg11[%swap3A_638, %swap3A_639], %gather3A_593 {add = true, strides = array<i32>} : memref<64x256xf32, #tpu.memory_space<vmem>>, vector<16xf32>,
        %swap3A_641 = arith.index_cast %add3A_561 : i32 to index
        %swap3A_642 = arith.constant 176 : index
        %swap3A_643 = tpu.vector_load %arg11[%swap3A_641, %swap3A_642] {strides = array<i32>} : memref<64x256xf32, #tpu.memory_space<vmem>>, vector<16xf32>,
        tpu.vector_store %arg11[%swap3A_641, %swap3A_642], %gather3A_596 {add = true, strides = array<i32>} : memref<64x256xf32, #tpu.memory_space<vmem>>, vector<16xf32>,
        %swap3A_644 = arith.index_cast %add3A_561 : i32 to index
        %swap3A_645 = arith.constant 192 : index
        %swap3A_646 = tpu.vector_load %arg11[%swap3A_644, %swap3A_645] {strides = array<i32>} : memref<64x256xf32, #tpu.memory_space<vmem>>, vector<16xf32>,
        tpu.vector_store %arg11[%swap3A_644, %swap3A_645], %gather3A_599 {add = true, strides = array<i32>} : memref<64x256xf32, #tpu.memory_space<vmem>>, vector<16xf32>,
        %swap3A_647 = arith.index_cast %add3A_561 : i32 to index
        %swap3A_648 = arith.constant 208 : index
        %swap3A_649 = tpu.vector_load %arg11[%swap3A_647, %swap3A_648] {strides = array<i32>} : memref<64x256xf32, #tpu.memory_space<vmem>>, vector<16xf32>,
        tpu.vector_store %arg11[%swap3A_647, %swap3A_648], %gather3A_602 {add = true, strides = array<i32>} : memref<64x256xf32, #tpu.memory_space<vmem>>, vector<16xf32>,
        %swap3A_650 = arith.index_cast %add3A_561 : i32 to index
        %swap3A_651 = arith.constant 224 : index
        %swap3A_652 = tpu.vector_load %arg11[%swap3A_650, %swap3A_651] {strides = array<i32>} : memref<64x256xf32, #tpu.memory_space<vmem>>, vector<16xf32>,
        tpu.vector_store %arg11[%swap3A_650, %swap3A_651], %gather3A_605 {add = true, strides = array<i32>} : memref<64x256xf32, #tpu.memory_space<vmem>>, vector<16xf32>,
        %swap3A_653 = arith.index_cast %add3A_561 : i32 to index
        %swap3A_654 = arith.constant 240 : index
        %swap3A_655 = tpu.vector_load %arg11[%swap3A_653, %swap3A_654] {strides = array<i32>} : memref<64x256xf32, #tpu.memory_space<vmem>>, vector<16xf32>,
        tpu.vector_store %arg11[%swap3A_653, %swap3A_654], %gather3A_608 {add = true, strides = array<i32>} : memref<64x256xf32, #tpu.memory_space<vmem>>, vector<16xf32>,
        %add3A_656 = arith.constant 1 : i32
        %add3A_657 = arith.addi %add3A_559, %add3A_656 : i32
        %add3A_658 = vector.broadcast %add3A_657 : i32 to vector<16xi32>
        %add3A_659 = arith.addi %mul3A_346, %add3A_658 : vector<16xi32>
        %gather3A_660 = tpu.vector_load_idx %arg6[%add3A_659] : memref<28992xf32, #tpu.memory_space<vmem>>[vector<16xi32>], vector<16xf32>,
        %add3A_661 = vector.broadcast %add3A_657 : i32 to vector<16xi32>
        %add3A_662 = arith.addi %mul3A_351, %add3A_661 : vector<16xi32>
        %gather3A_663 = tpu.vector_load_idx %arg6[%add3A_662] : memref<28992xf32, #tpu.memory_space<vmem>>[vector<16xi32>], vector<16xf32>,
        %add3A_664 = vector.broadcast %add3A_657 : i32 to vector<16xi32>
        %add3A_665 = arith.addi %mul3A_356, %add3A_664 : vector<16xi32>
        %gather3A_666 = tpu.vector_load_idx %arg6[%add3A_665] : memref<28992xf32, #tpu.memory_space<vmem>>[vector<16xi32>], vector<16xf32>,
        %add3A_667 = vector.broadcast %add3A_657 : i32 to vector<16xi32>
        %add3A_668 = arith.addi %mul3A_361, %add3A_667 : vector<16xi32>
        %gather3A_669 = tpu.vector_load_idx %arg6[%add3A_668] : memref<28992xf32, #tpu.memory_space<vmem>>[vector<16xi32>], vector<16xf32>,
        %add3A_670 = vector.broadcast %add3A_657 : i32 to vector<16xi32>
        %add3A_671 = arith.addi %mul3A_366, %add3A_670 : vector<16xi32>
        %gather3A_672 = tpu.vector_load_idx %arg6[%add3A_671] : memref<28992xf32, #tpu.memory_space<vmem>>[vector<16xi32>], vector<16xf32>,
        %add3A_673 = vector.broadcast %add3A_657 : i32 to vector<16xi32>
        %add3A_674 = arith.addi %mul3A_371, %add3A_673 : vector<16xi32>
        %gather3A_675 = tpu.vector_load_idx %arg6[%add3A_674] : memref<28992xf32, #tpu.memory_space<vmem>>[vector<16xi32>], vector<16xf32>,
        %add3A_676 = vector.broadcast %add3A_657 : i32 to vector<16xi32>
        %add3A_677 = arith.addi %mul3A_376, %add3A_676 : vector<16xi32>
        %gather3A_678 = tpu.vector_load_idx %arg6[%add3A_677] : memref<28992xf32, #tpu.memory_space<vmem>>[vector<16xi32>], vector<16xf32>,
        %add3A_679 = vector.broadcast %add3A_657 : i32 to vector<16xi32>
        %add3A_680 = arith.addi %mul3A_381, %add3A_679 : vector<16xi32>
        %gather3A_681 = tpu.vector_load_idx %arg6[%add3A_680] : memref<28992xf32, #tpu.memory_space<vmem>>[vector<16xi32>], vector<16xf32>,
        %add3A_682 = vector.broadcast %add3A_657 : i32 to vector<16xi32>
        %add3A_683 = arith.addi %mul3A_386, %add3A_682 : vector<16xi32>
        %gather3A_684 = tpu.vector_load_idx %arg6[%add3A_683] : memref<28992xf32, #tpu.memory_space<vmem>>[vector<16xi32>], vector<16xf32>,
        %add3A_685 = vector.broadcast %add3A_657 : i32 to vector<16xi32>
        %add3A_686 = arith.addi %mul3A_391, %add3A_685 : vector<16xi32>
        %gather3A_687 = tpu.vector_load_idx %arg6[%add3A_686] : memref<28992xf32, #tpu.memory_space<vmem>>[vector<16xi32>], vector<16xf32>,
        %add3A_688 = vector.broadcast %add3A_657 : i32 to vector<16xi32>
        %add3A_689 = arith.addi %mul3A_396, %add3A_688 : vector<16xi32>
        %gather3A_690 = tpu.vector_load_idx %arg6[%add3A_689] : memref<28992xf32, #tpu.memory_space<vmem>>[vector<16xi32>], vector<16xf32>,
        %add3A_691 = vector.broadcast %add3A_657 : i32 to vector<16xi32>
        %add3A_692 = arith.addi %mul3A_401, %add3A_691 : vector<16xi32>
        %gather3A_693 = tpu.vector_load_idx %arg6[%add3A_692] : memref<28992xf32, #tpu.memory_space<vmem>>[vector<16xi32>], vector<16xf32>,
        %add3A_694 = vector.broadcast %add3A_657 : i32 to vector<16xi32>
        %add3A_695 = arith.addi %mul3A_406, %add3A_694 : vector<16xi32>
        %gather3A_696 = tpu.vector_load_idx %arg6[%add3A_695] : memref<28992xf32, #tpu.memory_space<vmem>>[vector<16xi32>], vector<16xf32>,
        %add3A_697 = vector.broadcast %add3A_657 : i32 to vector<16xi32>
        %add3A_698 = arith.addi %mul3A_411, %add3A_697 : vector<16xi32>
        %gather3A_699 = tpu.vector_load_idx %arg6[%add3A_698] : memref<28992xf32, #tpu.memory_space<vmem>>[vector<16xi32>], vector<16xf32>,
        %add3A_700 = vector.broadcast %add3A_657 : i32 to vector<16xi32>
        %add3A_701 = arith.addi %mul3A_416, %add3A_700 : vector<16xi32>
        %gather3A_702 = tpu.vector_load_idx %arg6[%add3A_701] : memref<28992xf32, #tpu.memory_space<vmem>>[vector<16xi32>], vector<16xf32>,
        %add3A_703 = vector.broadcast %add3A_657 : i32 to vector<16xi32>
        %add3A_704 = arith.addi %mul3A_421, %add3A_703 : vector<16xi32>
        %gather3A_705 = tpu.vector_load_idx %arg6[%add3A_704] : memref<28992xf32, #tpu.memory_space<vmem>>[vector<16xi32>], vector<16xf32>,
        %swap3A_706 = arith.index_cast %add3A_657 : i32 to index
        %swap3A_707 = arith.constant 0 : index
        %swap3A_708 = tpu.vector_load %arg11[%swap3A_706, %swap3A_707] {strides = array<i32>} : memref<64x256xf32, #tpu.memory_space<vmem>>, vector<16xf32>,
        tpu.vector_store %arg11[%swap3A_706, %swap3A_707], %gather3A_660 {add = true, strides = array<i32>} : memref<64x256xf32, #tpu.memory_space<vmem>>, vector<16xf32>,
        %swap3A_709 = arith.index_cast %add3A_657 : i32 to index
        %swap3A_710 = arith.constant 16 : index
        %swap3A_711 = tpu.vector_load %arg11[%swap3A_709, %swap3A_710] {strides = array<i32>} : memref<64x256xf32, #tpu.memory_space<vmem>>, vector<16xf32>,
        tpu.vector_store %arg11[%swap3A_709, %swap3A_710], %gather3A_663 {add = true, strides = array<i32>} : memref<64x256xf32, #tpu.memory_space<vmem>>, vector<16xf32>,
        %swap3A_712 = arith.index_cast %add3A_657 : i32 to index
        %swap3A_713 = arith.constant 32 : index
        %swap3A_714 = tpu.vector_load %arg11[%swap3A_712, %swap3A_713] {strides = array<i32>} : memref<64x256xf32, #tpu.memory_space<vmem>>, vector<16xf32>,
        tpu.vector_store %arg11[%swap3A_712, %swap3A_713], %gather3A_666 {add = true, strides = array<i32>} : memref<64x256xf32, #tpu.memory_space<vmem>>, vector<16xf32>,
        %swap3A_715 = arith.index_cast %add3A_657 : i32 to index
        %swap3A_716 = arith.constant 48 : index
        %swap3A_717 = tpu.vector_load %arg11[%swap3A_715, %swap3A_716] {strides = array<i32>} : memref<64x256xf32, #tpu.memory_space<vmem>>, vector<16xf32>,
        tpu.vector_store %arg11[%swap3A_715, %swap3A_716], %gather3A_669 {add = true, strides = array<i32>} : memref<64x256xf32, #tpu.memory_space<vmem>>, vector<16xf32>,
        %swap3A_718 = arith.index_cast %add3A_657 : i32 to index
        %swap3A_719 = arith.constant 64 : index
        %swap3A_720 = tpu.vector_load %arg11[%swap3A_718, %swap3A_719] {strides = array<i32>} : memref<64x256xf32, #tpu.memory_space<vmem>>, vector<16xf32>,
        tpu.vector_store %arg11[%swap3A_718, %swap3A_719], %gather3A_672 {add = true, strides = array<i32>} : memref<64x256xf32, #tpu.memory_space<vmem>>, vector<16xf32>,
        %swap3A_721 = arith.index_cast %add3A_657 : i32 to index
        %swap3A_722 = arith.constant 80 : index
        %swap3A_723 = tpu.vector_load %arg11[%swap3A_721, %swap3A_722] {strides = array<i32>} : memref<64x256xf32, #tpu.memory_space<vmem>>, vector<16xf32>,
        tpu.vector_store %arg11[%swap3A_721, %swap3A_722], %gather3A_675 {add = true, strides = array<i32>} : memref<64x256xf32, #tpu.memory_space<vmem>>, vector<16xf32>,
        %swap3A_724 = arith.index_cast %add3A_657 : i32 to index
        %swap3A_725 = arith.constant 96 : index
        %swap3A_726 = tpu.vector_load %arg11[%swap3A_724, %swap3A_725] {strides = array<i32>} : memref<64x256xf32, #tpu.memory_space<vmem>>, vector<16xf32>,
        tpu.vector_store %arg11[%swap3A_724, %swap3A_725], %gather3A_678 {add = true, strides = array<i32>} : memref<64x256xf32, #tpu.memory_space<vmem>>, vector<16xf32>,
        %swap3A_727 = arith.index_cast %add3A_657 : i32 to index
        %swap3A_728 = arith.constant 112 : index
        %swap3A_729 = tpu.vector_load %arg11[%swap3A_727, %swap3A_728] {strides = array<i32>} : memref<64x256xf32, #tpu.memory_space<vmem>>, vector<16xf32>,
        tpu.vector_store %arg11[%swap3A_727, %swap3A_728], %gather3A_681 {add = true, strides = array<i32>} : memref<64x256xf32, #tpu.memory_space<vmem>>, vector<16xf32>,
        %swap3A_730 = arith.index_cast %add3A_657 : i32 to index
        %swap3A_731 = arith.constant 128 : index
        %swap3A_732 = tpu.vector_load %arg11[%swap3A_730, %swap3A_731] {strides = array<i32>} : memref<64x256xf32, #tpu.memory_space<vmem>>, vector<16xf32>,
        tpu.vector_store %arg11[%swap3A_730, %swap3A_731], %gather3A_684 {add = true, strides = array<i32>} : memref<64x256xf32, #tpu.memory_space<vmem>>, vector<16xf32>,
        %swap3A_733 = arith.index_cast %add3A_657 : i32 to index
        %swap3A_734 = arith.constant 144 : index
        %swap3A_735 = tpu.vector_load %arg11[%swap3A_733, %swap3A_734] {strides = array<i32>} : memref<64x256xf32, #tpu.memory_space<vmem>>, vector<16xf32>,
        tpu.vector_store %arg11[%swap3A_733, %swap3A_734], %gather3A_687 {add = true, strides = array<i32>} : memref<64x256xf32, #tpu.memory_space<vmem>>, vector<16xf32>,
        %swap3A_736 = arith.index_cast %add3A_657 : i32 to index
        %swap3A_737 = arith.constant 160 : index
        %swap3A_738 = tpu.vector_load %arg11[%swap3A_736, %swap3A_737] {strides = array<i32>} : memref<64x256xf32, #tpu.memory_space<vmem>>, vector<16xf32>,
        tpu.vector_store %arg11[%swap3A_736, %swap3A_737], %gather3A_690 {add = true, strides = array<i32>} : memref<64x256xf32, #tpu.memory_space<vmem>>, vector<16xf32>,
        %swap3A_739 = arith.index_cast %add3A_657 : i32 to index
        %swap3A_740 = arith.constant 176 : index
        %swap3A_741 = tpu.vector_load %arg11[%swap3A_739, %swap3A_740] {strides = array<i32>} : memref<64x256xf32, #tpu.memory_space<vmem>>, vector<16xf32>,
        tpu.vector_store %arg11[%swap3A_739, %swap3A_740], %gather3A_693 {add = true, strides = array<i32>} : memref<64x256xf32, #tpu.memory_space<vmem>>, vector<16xf32>,
        %swap3A_742 = arith.index_cast %add3A_657 : i32 to index
        %swap3A_743 = arith.constant 192 : index
        %swap3A_744 = tpu.vector_load %arg11[%swap3A_742, %swap3A_743] {strides = array<i32>} : memref<64x256xf32, #tpu.memory_space<vmem>>, vector<16xf32>,
        tpu.vector_store %arg11[%swap3A_742, %swap3A_743], %gather3A_696 {add = true, strides = array<i32>} : memref<64x256xf32, #tpu.memory_space<vmem>>, vector<16xf32>,
        %swap3A_745 = arith.index_cast %add3A_657 : i32 to index
        %swap3A_746 = arith.constant 208 : index
        %swap3A_747 = tpu.vector_load %arg11[%swap3A_745, %swap3A_746] {strides = array<i32>} : memref<64x256xf32, #tpu.memory_space<vmem>>, vector<16xf32>,
        tpu.vector_store %arg11[%swap3A_745, %swap3A_746], %gather3A_699 {add = true, strides = array<i32>} : memref<64x256xf32, #tpu.memory_space<vmem>>, vector<16xf32>,
        %swap3A_748 = arith.index_cast %add3A_657 : i32 to index
        %swap3A_749 = arith.constant 224 : index
        %swap3A_750 = tpu.vector_load %arg11[%swap3A_748, %swap3A_749] {strides = array<i32>} : memref<64x256xf32, #tpu.memory_space<vmem>>, vector<16xf32>,
        tpu.vector_store %arg11[%swap3A_748, %swap3A_749], %gather3A_702 {add = true, strides = array<i32>} : memref<64x256xf32, #tpu.memory_space<vmem>>, vector<16xf32>,
        %swap3A_751 = arith.index_cast %add3A_657 : i32 to index
        %swap3A_752 = arith.constant 240 : index
        %swap3A_753 = tpu.vector_load %arg11[%swap3A_751, %swap3A_752] {strides = array<i32>} : memref<64x256xf32, #tpu.memory_space<vmem>>, vector<16xf32>,
        tpu.vector_store %arg11[%swap3A_751, %swap3A_752], %gather3A_705 {add = true, strides = array<i32>} : memref<64x256xf32, #tpu.memory_space<vmem>>, vector<16xf32>,
      }
      %scan3A_426 = arith.constant 32 : i32
      %add3A_427 = arith.addi %mul3A_34, %add3A_328 : i32
      %dma_start3A_428 = arith.constant 0 : i32
      %dma_start3A_429 = tpu.memref_slice %arg5[%add3A_427, %dma_start3A_428, %mul3A_11] : memref<200x64x4096xf32, #tpu.memory_space<hbm>> -> memref<1x64x256xf32, #tpu.memory_space<hbm>>
      %dma_start3A_430 = tpu.memref_squeeze %dma_start3A_429 : memref<1x64x256xf32, #tpu.memory_space<hbm>> -> memref<64x256xf32, #tpu.memory_space<hbm>>
      %dma_start3A_431 = arith.constant 0 : i32
      %dma_start3A_432 = tpu.memref_slice %arg5[%add3A_427, %dma_start3A_431, %mul3A_11] : memref<200x64x4096xf32, #tpu.memory_space<hbm>> -> memref<1x64x256xf32, #tpu.memory_space<hbm>>
      %dma_start3A_433 = tpu.memref_squeeze %dma_start3A_432 : memref<1x64x256xf32, #tpu.memory_space<hbm>> -> memref<64x256xf32, #tpu.memory_space<hbm>>
      tpu.enqueue_dma source(%arg11 : memref<64x256xf32, #tpu.memory_space<vmem>>) target(%dma_start3A_433 : memref<64x256xf32, #tpu.memory_space<hbm>>) target_semaphore(%arg18 : memref<!tpu.dma_semaphore, #tpu.memory_space<semaphore_mem>>)
      %add3A_434 = arith.constant 2 : i32
      %add3A_435 = arith.addi %add3A_328, %add3A_434 : i32
      %lt3A_436 = arith.constant 100 : i32
      %lt3A_437 = arith.cmpi slt, %add3A_435, %lt3A_436 : i32
      %convert_element_type3A_438 = arith.extui %lt3A_437 : i1 to i32
      %cond3A_439 = arith.constant 0 : i32
      %cond3A_440 = arith.cmpi ne, %convert_element_type3A_438, %cond3A_439 : i32
      scf.if %cond3A_440 {
        %dma_wait3A_555 = arith.constant 0 : i32
        %dma_wait3A_556 = arith.constant 0 : i32
        %dma_wait3A_557 = arith.constant 0 : i32
        %dma_wait3A_558 = tpu.memref_slice %arg2[%dma_wait3A_555, %dma_wait3A_556, %dma_wait3A_557] : memref<200x64x4096xf32, #tpu.memory_space<hbm>> -> memref<1x64x256xf32, #tpu.memory_space<hbm>>
        %dma_wait3A_559 = tpu.memref_squeeze %dma_wait3A_558 : memref<1x64x256xf32, #tpu.memory_space<hbm>> -> memref<64x256xf32, #tpu.memory_space<hbm>>
        %dma_wait3A_560 = arith.constant 0 : i32
        %dma_wait3A_561 = arith.constant 0 : i32
        %dma_wait3A_562 = tpu.memref_slice %arg2[%dma_wait3A_555, %dma_wait3A_560, %dma_wait3A_561] : memref<200x64x4096xf32, #tpu.memory_space<hbm>> -> memref<1x64x256xf32, #tpu.memory_space<hbm>>
        %dma_wait3A_563 = tpu.memref_squeeze %dma_wait3A_562 : memref<1x64x256xf32, #tpu.memory_space<hbm>> -> memref<64x256xf32, #tpu.memory_space<hbm>>
        tpu.wait_dma2 semaphore(%arg17 : memref<!tpu.dma_semaphore, #tpu.memory_space<semaphore_mem>>) src(%dma_wait3A_563 : memref<64x256xf32, #tpu.memory_space<hbm>>) dst(%arg10 : memref<64x256xf32, #tpu.memory_space<vmem>>)
        %add3A_564 = arith.addi %mul3A_34, %add3A_435 : i32
        %dma_start3A_565 = arith.constant 0 : i32
        %dma_start3A_566 = tpu.memref_slice %arg2[%add3A_564, %dma_start3A_565, %mul3A_11] : memref<200x64x4096xf32, #tpu.memory_space<hbm>> -> memref<1x64x256xf32, #tpu.memory_space<hbm>>
        %dma_start3A_567 = tpu.memref_squeeze %dma_start3A_566 : memref<1x64x256xf32, #tpu.memory_space<hbm>> -> memref<64x256xf32, #tpu.memory_space<hbm>>
        %dma_start3A_568 = arith.constant 0 : i32
        %dma_start3A_569 = tpu.memref_slice %arg2[%add3A_564, %dma_start3A_568, %mul3A_11] : memref<200x64x4096xf32, #tpu.memory_space<hbm>> -> memref<1x64x256xf32, #tpu.memory_space<hbm>>
        %dma_start3A_570 = tpu.memref_squeeze %dma_start3A_569 : memref<1x64x256xf32, #tpu.memory_space<hbm>> -> memref<64x256xf32, #tpu.memory_space<hbm>>
        tpu.enqueue_dma source(%dma_start3A_570 : memref<64x256xf32, #tpu.memory_space<hbm>>) target(%arg10 : memref<64x256xf32, #tpu.memory_space<vmem>>) target_semaphore(%arg14 : memref<!tpu.dma_semaphore, #tpu.memory_space<semaphore_mem>>)
        %mul3A_571 = arith.constant 4096 : i32
        %mul3A_572 = arith.muli %add3A_564, %mul3A_571 : i32
        %add3A_573 = arith.addi %mul3A_572, %mul3A_11 : i32
        %dma_start3A_574 = tpu.memref_slice %arg3[%add3A_573] : memref<819200xi32, #tpu.memory_space<hbm>> -> memref<256xi32, #tpu.memory_space<hbm>>
        %dma_start3A_575 = tpu.memref_slice %arg3[%add3A_573] : memref<819200xi32, #tpu.memory_space<hbm>> -> memref<256xi32, #tpu.memory_space<hbm>>
        tpu.enqueue_dma source(%dma_start3A_575 : memref<256xi32, #tpu.memory_space<hbm>>) target(%arg7 : memref<256xi32, #tpu.memory_space<vmem>>) target_semaphore(%arg14 : memref<!tpu.dma_semaphore, #tpu.memory_space<semaphore_mem>>)
      } else {
      }
      %add3A_441 = arith.constant 2 : i32
      %add3A_442 = arith.addi %add3A_212, %add3A_441 : i32
      %dma_wait3A_443 = arith.constant 0 : i32
      %dma_wait3A_444 = arith.constant 0 : i32
      %dma_wait3A_445 = arith.constant 0 : i32
      %dma_wait3A_446 = tpu.memref_slice %arg2[%dma_wait3A_443, %dma_wait3A_444, %dma_wait3A_445] : memref<200x64x4096xf32, #tpu.memory_space<hbm>> -> memref<1x64x256xf32, #tpu.memory_space<hbm>>
      %dma_wait3A_447 = tpu.memref_squeeze %dma_wait3A_446 : memref<1x64x256xf32, #tpu.memory_space<hbm>> -> memref<64x256xf32, #tpu.memory_space<hbm>>
      %dma_wait3A_448 = arith.constant 0 : i32
      %dma_wait3A_449 = arith.constant 0 : i32
      %dma_wait3A_450 = tpu.memref_slice %arg2[%dma_wait3A_443, %dma_wait3A_448, %dma_wait3A_449] : memref<200x64x4096xf32, #tpu.memory_space<hbm>> -> memref<1x64x256xf32, #tpu.memory_space<hbm>>
      %dma_wait3A_451 = tpu.memref_squeeze %dma_wait3A_450 : memref<1x64x256xf32, #tpu.memory_space<hbm>> -> memref<64x256xf32, #tpu.memory_space<hbm>>
      tpu.wait_dma2 semaphore(%arg16 : memref<!tpu.dma_semaphore, #tpu.memory_space<semaphore_mem>>) src(%dma_wait3A_451 : memref<64x256xf32, #tpu.memory_space<hbm>>) dst(%arg12 : memref<64x256xf32, #tpu.memory_space<vmem>>)
      %dma_wait3A_452 = arith.constant 0 : i32
      %dma_wait3A_453 = tpu.memref_slice %arg3[%dma_wait3A_452] : memref<819200xi32, #tpu.memory_space<hbm>> -> memref<256xi32, #tpu.memory_space<hbm>>
      %dma_wait3A_454 = arith.constant 0 : i32
      %dma_wait3A_455 = tpu.memref_slice %arg3[%dma_wait3A_454] : memref<819200xi32, #tpu.memory_space<hbm>> -> memref<256xi32, #tpu.memory_space<hbm>>
      tpu.wait_dma2 semaphore(%arg16 : memref<!tpu.dma_semaphore, #tpu.memory_space<semaphore_mem>>) src(%dma_wait3A_455 : memref<256xi32, #tpu.memory_space<hbm>>) dst(%arg9 : memref<256xi32, #tpu.memory_space<vmem>>)
      %get3A_456 = arith.constant 0 : index
      %get3A_457 = tpu.vector_load %arg9[%get3A_456] {strides = array<i32>} : memref<256xi32, #tpu.memory_space<vmem>>, vector<16xi32>,
      %mul3A_458 = arith.constant 65 : i32
      %mul3A_459 = vector.broadcast %mul3A_458 : i32 to vector<16xi32>
      %mul3A_460 = arith.muli %get3A_457, %mul3A_459 : vector<16xi32>
      %get3A_461 = arith.constant 16 : index
      %get3A_462 = tpu.vector_load %arg9[%get3A_461] {strides = array<i32>} : memref<256xi32, #tpu.memory_space<vmem>>, vector<16xi32>,
      %mul3A_463 = arith.constant 65 : i32
      %mul3A_464 = vector.broadcast %mul3A_463 : i32 to vector<16xi32>
      %mul3A_465 = arith.muli %get3A_462, %mul3A_464 : vector<16xi32>
      %get3A_466 = arith.constant 32 : index
      %get3A_467 = tpu.vector_load %arg9[%get3A_466] {strides = array<i32>} : memref<256xi32, #tpu.memory_space<vmem>>, vector<16xi32>,
      %mul3A_468 = arith.constant 65 : i32
      %mul3A_469 = vector.broadcast %mul3A_468 : i32 to vector<16xi32>
      %mul3A_470 = arith.muli %get3A_467, %mul3A_469 : vector<16xi32>
      %get3A_471 = arith.constant 48 : index
      %get3A_472 = tpu.vector_load %arg9[%get3A_471] {strides = array<i32>} : memref<256xi32, #tpu.memory_space<vmem>>, vector<16xi32>,
      %mul3A_473 = arith.constant 65 : i32
      %mul3A_474 = vector.broadcast %mul3A_473 : i32 to vector<16xi32>
      %mul3A_475 = arith.muli %get3A_472, %mul3A_474 : vector<16xi32>
      %get3A_476 = arith.constant 64 : index
      %get3A_477 = tpu.vector_load %arg9[%get3A_476] {strides = array<i32>} : memref<256xi32, #tpu.memory_space<vmem>>, vector<16xi32>,
      %mul3A_478 = arith.constant 65 : i32
      %mul3A_479 = vector.broadcast %mul3A_478 : i32 to vector<16xi32>
      %mul3A_480 = arith.muli %get3A_477, %mul3A_479 : vector<16xi32>
      %get3A_481 = arith.constant 80 : index
      %get3A_482 = tpu.vector_load %arg9[%get3A_481] {strides = array<i32>} : memref<256xi32, #tpu.memory_space<vmem>>, vector<16xi32>,
      %mul3A_483 = arith.constant 65 : i32
      %mul3A_484 = vector.broadcast %mul3A_483 : i32 to vector<16xi32>
      %mul3A_485 = arith.muli %get3A_482, %mul3A_484 : vector<16xi32>
      %get3A_486 = arith.constant 96 : index
      %get3A_487 = tpu.vector_load %arg9[%get3A_486] {strides = array<i32>} : memref<256xi32, #tpu.memory_space<vmem>>, vector<16xi32>,
      %mul3A_488 = arith.constant 65 : i32
      %mul3A_489 = vector.broadcast %mul3A_488 : i32 to vector<16xi32>
      %mul3A_490 = arith.muli %get3A_487, %mul3A_489 : vector<16xi32>
      %get3A_491 = arith.constant 112 : index
      %get3A_492 = tpu.vector_load %arg9[%get3A_491] {strides = array<i32>} : memref<256xi32, #tpu.memory_space<vmem>>, vector<16xi32>,
      %mul3A_493 = arith.constant 65 : i32
      %mul3A_494 = vector.broadcast %mul3A_493 : i32 to vector<16xi32>
      %mul3A_495 = arith.muli %get3A_492, %mul3A_494 : vector<16xi32>
      %get3A_496 = arith.constant 128 : index
      %get3A_497 = tpu.vector_load %arg9[%get3A_496] {strides = array<i32>} : memref<256xi32, #tpu.memory_space<vmem>>, vector<16xi32>,
      %mul3A_498 = arith.constant 65 : i32
      %mul3A_499 = vector.broadcast %mul3A_498 : i32 to vector<16xi32>
      %mul3A_500 = arith.muli %get3A_497, %mul3A_499 : vector<16xi32>
      %get3A_501 = arith.constant 144 : index
      %get3A_502 = tpu.vector_load %arg9[%get3A_501] {strides = array<i32>} : memref<256xi32, #tpu.memory_space<vmem>>, vector<16xi32>,
      %mul3A_503 = arith.constant 65 : i32
      %mul3A_504 = vector.broadcast %mul3A_503 : i32 to vector<16xi32>
      %mul3A_505 = arith.muli %get3A_502, %mul3A_504 : vector<16xi32>
      %get3A_506 = arith.constant 160 : index
      %get3A_507 = tpu.vector_load %arg9[%get3A_506] {strides = array<i32>} : memref<256xi32, #tpu.memory_space<vmem>>, vector<16xi32>,
      %mul3A_508 = arith.constant 65 : i32
      %mul3A_509 = vector.broadcast %mul3A_508 : i32 to vector<16xi32>
      %mul3A_510 = arith.muli %get3A_507, %mul3A_509 : vector<16xi32>
      %get3A_511 = arith.constant 176 : index
      %get3A_512 = tpu.vector_load %arg9[%get3A_511] {strides = array<i32>} : memref<256xi32, #tpu.memory_space<vmem>>, vector<16xi32>,
      %mul3A_513 = arith.constant 65 : i32
      %mul3A_514 = vector.broadcast %mul3A_513 : i32 to vector<16xi32>
      %mul3A_515 = arith.muli %get3A_512, %mul3A_514 : vector<16xi32>
      %get3A_516 = arith.constant 192 : index
      %get3A_517 = tpu.vector_load %arg9[%get3A_516] {strides = array<i32>} : memref<256xi32, #tpu.memory_space<vmem>>, vector<16xi32>,
      %mul3A_518 = arith.constant 65 : i32
      %mul3A_519 = vector.broadcast %mul3A_518 : i32 to vector<16xi32>
      %mul3A_520 = arith.muli %get3A_517, %mul3A_519 : vector<16xi32>
      %get3A_521 = arith.constant 208 : index
      %get3A_522 = tpu.vector_load %arg9[%get3A_521] {strides = array<i32>} : memref<256xi32, #tpu.memory_space<vmem>>, vector<16xi32>,
      %mul3A_523 = arith.constant 65 : i32
      %mul3A_524 = vector.broadcast %mul3A_523 : i32 to vector<16xi32>
      %mul3A_525 = arith.muli %get3A_522, %mul3A_524 : vector<16xi32>
      %get3A_526 = arith.constant 224 : index
      %get3A_527 = tpu.vector_load %arg9[%get3A_526] {strides = array<i32>} : memref<256xi32, #tpu.memory_space<vmem>>, vector<16xi32>,
      %mul3A_528 = arith.constant 65 : i32
      %mul3A_529 = vector.broadcast %mul3A_528 : i32 to vector<16xi32>
      %mul3A_530 = arith.muli %get3A_527, %mul3A_529 : vector<16xi32>
      %get3A_531 = arith.constant 240 : index
      %get3A_532 = tpu.vector_load %arg9[%get3A_531] {strides = array<i32>} : memref<256xi32, #tpu.memory_space<vmem>>, vector<16xi32>,
      %mul3A_533 = arith.constant 65 : i32
      %mul3A_534 = vector.broadcast %mul3A_533 : i32 to vector<16xi32>
      %mul3A_535 = arith.muli %get3A_532, %mul3A_534 : vector<16xi32>
      %scan3A_536 = arith.constant 0 : i32
      %scan3A_537 = arith.constant 32 : i32
      %scan3A_538 = arith.addi %scan3A_536, %scan3A_537 : i32
      %scan3A_539 = arith.constant 1 : i32
      scf.for %scan3A_555 = %scan3A_536 to %scan3A_538 step %scan3A_539  : i32 {
        %mul3A_556 = arith.constant 2 : i32
        %mul3A_557 = arith.muli %scan3A_555, %mul3A_556 : i32
        %add3A_558 = arith.constant 0 : i32
        %add3A_559 = arith.addi %add3A_558, %mul3A_557 : i32
        %add3A_560 = arith.constant 0 : i32
        %add3A_561 = arith.addi %add3A_559, %add3A_560 : i32
        %add3A_562 = vector.broadcast %add3A_561 : i32 to vector<16xi32>
        %add3A_563 = arith.addi %mul3A_460, %add3A_562 : vector<16xi32>
        %gather3A = tpu.vector_load_idx %arg6[%add3A_563] : memref<28992xf32, #tpu.memory_space<vmem>>[vector<16xi32>], vector<16xf32>,
        %add3A_564 = vector.broadcast %add3A_561 : i32 to vector<16xi32>
        %add3A_565 = arith.addi %mul3A_465, %add3A_564 : vector<16xi32>
        %gather3A_566 = tpu.vector_load_idx %arg6[%add3A_565] : memref<28992xf32, #tpu.memory_space<vmem>>[vector<16xi32>], vector<16xf32>,
        %add3A_567 = vector.broadcast %add3A_561 : i32 to vector<16xi32>
        %add3A_568 = arith.addi %mul3A_470, %add3A_567 : vector<16xi32>
        %gather3A_569 = tpu.vector_load_idx %arg6[%add3A_568] : memref<28992xf32, #tpu.memory_space<vmem>>[vector<16xi32>], vector<16xf32>,
        %add3A_570 = vector.broadcast %add3A_561 : i32 to vector<16xi32>
        %add3A_571 = arith.addi %mul3A_475, %add3A_570 : vector<16xi32>
        %gather3A_572 = tpu.vector_load_idx %arg6[%add3A_571] : memref<28992xf32, #tpu.memory_space<vmem>>[vector<16xi32>], vector<16xf32>,
        %add3A_573 = vector.broadcast %add3A_561 : i32 to vector<16xi32>
        %add3A_574 = arith.addi %mul3A_480, %add3A_573 : vector<16xi32>
        %gather3A_575 = tpu.vector_load_idx %arg6[%add3A_574] : memref<28992xf32, #tpu.memory_space<vmem>>[vector<16xi32>], vector<16xf32>,
        %add3A_576 = vector.broadcast %add3A_561 : i32 to vector<16xi32>
        %add3A_577 = arith.addi %mul3A_485, %add3A_576 : vector<16xi32>
        %gather3A_578 = tpu.vector_load_idx %arg6[%add3A_577] : memref<28992xf32, #tpu.memory_space<vmem>>[vector<16xi32>], vector<16xf32>,
        %add3A_579 = vector.broadcast %add3A_561 : i32 to vector<16xi32>
        %add3A_580 = arith.addi %mul3A_490, %add3A_579 : vector<16xi32>
        %gather3A_581 = tpu.vector_load_idx %arg6[%add3A_580] : memref<28992xf32, #tpu.memory_space<vmem>>[vector<16xi32>], vector<16xf32>,
        %add3A_582 = vector.broadcast %add3A_561 : i32 to vector<16xi32>
        %add3A_583 = arith.addi %mul3A_495, %add3A_582 : vector<16xi32>
        %gather3A_584 = tpu.vector_load_idx %arg6[%add3A_583] : memref<28992xf32, #tpu.memory_space<vmem>>[vector<16xi32>], vector<16xf32>,
        %add3A_585 = vector.broadcast %add3A_561 : i32 to vector<16xi32>
        %add3A_586 = arith.addi %mul3A_500, %add3A_585 : vector<16xi32>
        %gather3A_587 = tpu.vector_load_idx %arg6[%add3A_586] : memref<28992xf32, #tpu.memory_space<vmem>>[vector<16xi32>], vector<16xf32>,
        %add3A_588 = vector.broadcast %add3A_561 : i32 to vector<16xi32>
        %add3A_589 = arith.addi %mul3A_505, %add3A_588 : vector<16xi32>
        %gather3A_590 = tpu.vector_load_idx %arg6[%add3A_589] : memref<28992xf32, #tpu.memory_space<vmem>>[vector<16xi32>], vector<16xf32>,
        %add3A_591 = vector.broadcast %add3A_561 : i32 to vector<16xi32>
        %add3A_592 = arith.addi %mul3A_510, %add3A_591 : vector<16xi32>
        %gather3A_593 = tpu.vector_load_idx %arg6[%add3A_592] : memref<28992xf32, #tpu.memory_space<vmem>>[vector<16xi32>], vector<16xf32>,
        %add3A_594 = vector.broadcast %add3A_561 : i32 to vector<16xi32>
        %add3A_595 = arith.addi %mul3A_515, %add3A_594 : vector<16xi32>
        %gather3A_596 = tpu.vector_load_idx %arg6[%add3A_595] : memref<28992xf32, #tpu.memory_space<vmem>>[vector<16xi32>], vector<16xf32>,
        %add3A_597 = vector.broadcast %add3A_561 : i32 to vector<16xi32>
        %add3A_598 = arith.addi %mul3A_520, %add3A_597 : vector<16xi32>
        %gather3A_599 = tpu.vector_load_idx %arg6[%add3A_598] : memref<28992xf32, #tpu.memory_space<vmem>>[vector<16xi32>], vector<16xf32>,
        %add3A_600 = vector.broadcast %add3A_561 : i32 to vector<16xi32>
        %add3A_601 = arith.addi %mul3A_525, %add3A_600 : vector<16xi32>
        %gather3A_602 = tpu.vector_load_idx %arg6[%add3A_601] : memref<28992xf32, #tpu.memory_space<vmem>>[vector<16xi32>], vector<16xf32>,
        %add3A_603 = vector.broadcast %add3A_561 : i32 to vector<16xi32>
        %add3A_604 = arith.addi %mul3A_530, %add3A_603 : vector<16xi32>
        %gather3A_605 = tpu.vector_load_idx %arg6[%add3A_604] : memref<28992xf32, #tpu.memory_space<vmem>>[vector<16xi32>], vector<16xf32>,
        %add3A_606 = vector.broadcast %add3A_561 : i32 to vector<16xi32>
        %add3A_607 = arith.addi %mul3A_535, %add3A_606 : vector<16xi32>
        %gather3A_608 = tpu.vector_load_idx %arg6[%add3A_607] : memref<28992xf32, #tpu.memory_space<vmem>>[vector<16xi32>], vector<16xf32>,
        %swap3A = arith.index_cast %add3A_561 : i32 to index
        %swap3A_609 = arith.constant 0 : index
        %swap3A_610 = tpu.vector_load %arg12[%swap3A, %swap3A_609] {strides = array<i32>} : memref<64x256xf32, #tpu.memory_space<vmem>>, vector<16xf32>,
        tpu.vector_store %arg12[%swap3A, %swap3A_609], %gather3A {add = true, strides = array<i32>} : memref<64x256xf32, #tpu.memory_space<vmem>>, vector<16xf32>,
        %swap3A_611 = arith.index_cast %add3A_561 : i32 to index
        %swap3A_612 = arith.constant 16 : index
        %swap3A_613 = tpu.vector_load %arg12[%swap3A_611, %swap3A_612] {strides = array<i32>} : memref<64x256xf32, #tpu.memory_space<vmem>>, vector<16xf32>,
        tpu.vector_store %arg12[%swap3A_611, %swap3A_612], %gather3A_566 {add = true, strides = array<i32>} : memref<64x256xf32, #tpu.memory_space<vmem>>, vector<16xf32>,
        %swap3A_614 = arith.index_cast %add3A_561 : i32 to index
        %swap3A_615 = arith.constant 32 : index
        %swap3A_616 = tpu.vector_load %arg12[%swap3A_614, %swap3A_615] {strides = array<i32>} : memref<64x256xf32, #tpu.memory_space<vmem>>, vector<16xf32>,
        tpu.vector_store %arg12[%swap3A_614, %swap3A_615], %gather3A_569 {add = true, strides = array<i32>} : memref<64x256xf32, #tpu.memory_space<vmem>>, vector<16xf32>,
        %swap3A_617 = arith.index_cast %add3A_561 : i32 to index
        %swap3A_618 = arith.constant 48 : index
        %swap3A_619 = tpu.vector_load %arg12[%swap3A_617, %swap3A_618] {strides = array<i32>} : memref<64x256xf32, #tpu.memory_space<vmem>>, vector<16xf32>,
        tpu.vector_store %arg12[%swap3A_617, %swap3A_618], %gather3A_572 {add = true, strides = array<i32>} : memref<64x256xf32, #tpu.memory_space<vmem>>, vector<16xf32>,
        %swap3A_620 = arith.index_cast %add3A_561 : i32 to index
        %swap3A_621 = arith.constant 64 : index
        %swap3A_622 = tpu.vector_load %arg12[%swap3A_620, %swap3A_621] {strides = array<i32>} : memref<64x256xf32, #tpu.memory_space<vmem>>, vector<16xf32>,
        tpu.vector_store %arg12[%swap3A_620, %swap3A_621], %gather3A_575 {add = true, strides = array<i32>} : memref<64x256xf32, #tpu.memory_space<vmem>>, vector<16xf32>,
        %swap3A_623 = arith.index_cast %add3A_561 : i32 to index
        %swap3A_624 = arith.constant 80 : index
        %swap3A_625 = tpu.vector_load %arg12[%swap3A_623, %swap3A_624] {strides = array<i32>} : memref<64x256xf32, #tpu.memory_space<vmem>>, vector<16xf32>,
        tpu.vector_store %arg12[%swap3A_623, %swap3A_624], %gather3A_578 {add = true, strides = array<i32>} : memref<64x256xf32, #tpu.memory_space<vmem>>, vector<16xf32>,
        %swap3A_626 = arith.index_cast %add3A_561 : i32 to index
        %swap3A_627 = arith.constant 96 : index
        %swap3A_628 = tpu.vector_load %arg12[%swap3A_626, %swap3A_627] {strides = array<i32>} : memref<64x256xf32, #tpu.memory_space<vmem>>, vector<16xf32>,
        tpu.vector_store %arg12[%swap3A_626, %swap3A_627], %gather3A_581 {add = true, strides = array<i32>} : memref<64x256xf32, #tpu.memory_space<vmem>>, vector<16xf32>,
        %swap3A_629 = arith.index_cast %add3A_561 : i32 to index
        %swap3A_630 = arith.constant 112 : index
        %swap3A_631 = tpu.vector_load %arg12[%swap3A_629, %swap3A_630] {strides = array<i32>} : memref<64x256xf32, #tpu.memory_space<vmem>>, vector<16xf32>,
        tpu.vector_store %arg12[%swap3A_629, %swap3A_630], %gather3A_584 {add = true, strides = array<i32>} : memref<64x256xf32, #tpu.memory_space<vmem>>, vector<16xf32>,
        %swap3A_632 = arith.index_cast %add3A_561 : i32 to index
        %swap3A_633 = arith.constant 128 : index
        %swap3A_634 = tpu.vector_load %arg12[%swap3A_632, %swap3A_633] {strides = array<i32>} : memref<64x256xf32, #tpu.memory_space<vmem>>, vector<16xf32>,
        tpu.vector_store %arg12[%swap3A_632, %swap3A_633], %gather3A_587 {add = true, strides = array<i32>} : memref<64x256xf32, #tpu.memory_space<vmem>>, vector<16xf32>,
        %swap3A_635 = arith.index_cast %add3A_561 : i32 to index
        %swap3A_636 = arith.constant 144 : index
        %swap3A_637 = tpu.vector_load %arg12[%swap3A_635, %swap3A_636] {strides = array<i32>} : memref<64x256xf32, #tpu.memory_space<vmem>>, vector<16xf32>,
        tpu.vector_store %arg12[%swap3A_635, %swap3A_636], %gather3A_590 {add = true, strides = array<i32>} : memref<64x256xf32, #tpu.memory_space<vmem>>, vector<16xf32>,
        %swap3A_638 = arith.index_cast %add3A_561 : i32 to index
        %swap3A_639 = arith.constant 160 : index
        %swap3A_640 = tpu.vector_load %arg12[%swap3A_638, %swap3A_639] {strides = array<i32>} : memref<64x256xf32, #tpu.memory_space<vmem>>, vector<16xf32>,
        tpu.vector_store %arg12[%swap3A_638, %swap3A_639], %gather3A_593 {add = true, strides = array<i32>} : memref<64x256xf32, #tpu.memory_space<vmem>>, vector<16xf32>,
        %swap3A_641 = arith.index_cast %add3A_561 : i32 to index
        %swap3A_642 = arith.constant 176 : index
        %swap3A_643 = tpu.vector_load %arg12[%swap3A_641, %swap3A_642] {strides = array<i32>} : memref<64x256xf32, #tpu.memory_space<vmem>>, vector<16xf32>,
        tpu.vector_store %arg12[%swap3A_641, %swap3A_642], %gather3A_596 {add = true, strides = array<i32>} : memref<64x256xf32, #tpu.memory_space<vmem>>, vector<16xf32>,
        %swap3A_644 = arith.index_cast %add3A_561 : i32 to index
        %swap3A_645 = arith.constant 192 : index
        %swap3A_646 = tpu.vector_load %arg12[%swap3A_644, %swap3A_645] {strides = array<i32>} : memref<64x256xf32, #tpu.memory_space<vmem>>, vector<16xf32>,
        tpu.vector_store %arg12[%swap3A_644, %swap3A_645], %gather3A_599 {add = true, strides = array<i32>} : memref<64x256xf32, #tpu.memory_space<vmem>>, vector<16xf32>,
        %swap3A_647 = arith.index_cast %add3A_561 : i32 to index
        %swap3A_648 = arith.constant 208 : index
        %swap3A_649 = tpu.vector_load %arg12[%swap3A_647, %swap3A_648] {strides = array<i32>} : memref<64x256xf32, #tpu.memory_space<vmem>>, vector<16xf32>,
        tpu.vector_store %arg12[%swap3A_647, %swap3A_648], %gather3A_602 {add = true, strides = array<i32>} : memref<64x256xf32, #tpu.memory_space<vmem>>, vector<16xf32>,
        %swap3A_650 = arith.index_cast %add3A_561 : i32 to index
        %swap3A_651 = arith.constant 224 : index
        %swap3A_652 = tpu.vector_load %arg12[%swap3A_650, %swap3A_651] {strides = array<i32>} : memref<64x256xf32, #tpu.memory_space<vmem>>, vector<16xf32>,
        tpu.vector_store %arg12[%swap3A_650, %swap3A_651], %gather3A_605 {add = true, strides = array<i32>} : memref<64x256xf32, #tpu.memory_space<vmem>>, vector<16xf32>,
        %swap3A_653 = arith.index_cast %add3A_561 : i32 to index
        %swap3A_654 = arith.constant 240 : index
        %swap3A_655 = tpu.vector_load %arg12[%swap3A_653, %swap3A_654] {strides = array<i32>} : memref<64x256xf32, #tpu.memory_space<vmem>>, vector<16xf32>,
        tpu.vector_store %arg12[%swap3A_653, %swap3A_654], %gather3A_608 {add = true, strides = array<i32>} : memref<64x256xf32, #tpu.memory_space<vmem>>, vector<16xf32>,
        %add3A_656 = arith.constant 1 : i32
        %add3A_657 = arith.addi %add3A_559, %add3A_656 : i32
        %add3A_658 = vector.broadcast %add3A_657 : i32 to vector<16xi32>
        %add3A_659 = arith.addi %mul3A_460, %add3A_658 : vector<16xi32>
        %gather3A_660 = tpu.vector_load_idx %arg6[%add3A_659] : memref<28992xf32, #tpu.memory_space<vmem>>[vector<16xi32>], vector<16xf32>,
        %add3A_661 = vector.broadcast %add3A_657 : i32 to vector<16xi32>
        %add3A_662 = arith.addi %mul3A_465, %add3A_661 : vector<16xi32>
        %gather3A_663 = tpu.vector_load_idx %arg6[%add3A_662] : memref<28992xf32, #tpu.memory_space<vmem>>[vector<16xi32>], vector<16xf32>,
        %add3A_664 = vector.broadcast %add3A_657 : i32 to vector<16xi32>
        %add3A_665 = arith.addi %mul3A_470, %add3A_664 : vector<16xi32>
        %gather3A_666 = tpu.vector_load_idx %arg6[%add3A_665] : memref<28992xf32, #tpu.memory_space<vmem>>[vector<16xi32>], vector<16xf32>,
        %add3A_667 = vector.broadcast %add3A_657 : i32 to vector<16xi32>
        %add3A_668 = arith.addi %mul3A_475, %add3A_667 : vector<16xi32>
        %gather3A_669 = tpu.vector_load_idx %arg6[%add3A_668] : memref<28992xf32, #tpu.memory_space<vmem>>[vector<16xi32>], vector<16xf32>,
        %add3A_670 = vector.broadcast %add3A_657 : i32 to vector<16xi32>
        %add3A_671 = arith.addi %mul3A_480, %add3A_670 : vector<16xi32>
        %gather3A_672 = tpu.vector_load_idx %arg6[%add3A_671] : memref<28992xf32, #tpu.memory_space<vmem>>[vector<16xi32>], vector<16xf32>,
        %add3A_673 = vector.broadcast %add3A_657 : i32 to vector<16xi32>
        %add3A_674 = arith.addi %mul3A_485, %add3A_673 : vector<16xi32>
        %gather3A_675 = tpu.vector_load_idx %arg6[%add3A_674] : memref<28992xf32, #tpu.memory_space<vmem>>[vector<16xi32>], vector<16xf32>,
        %add3A_676 = vector.broadcast %add3A_657 : i32 to vector<16xi32>
        %add3A_677 = arith.addi %mul3A_490, %add3A_676 : vector<16xi32>
        %gather3A_678 = tpu.vector_load_idx %arg6[%add3A_677] : memref<28992xf32, #tpu.memory_space<vmem>>[vector<16xi32>], vector<16xf32>,
        %add3A_679 = vector.broadcast %add3A_657 : i32 to vector<16xi32>
        %add3A_680 = arith.addi %mul3A_495, %add3A_679 : vector<16xi32>
        %gather3A_681 = tpu.vector_load_idx %arg6[%add3A_680] : memref<28992xf32, #tpu.memory_space<vmem>>[vector<16xi32>], vector<16xf32>,
        %add3A_682 = vector.broadcast %add3A_657 : i32 to vector<16xi32>
        %add3A_683 = arith.addi %mul3A_500, %add3A_682 : vector<16xi32>
        %gather3A_684 = tpu.vector_load_idx %arg6[%add3A_683] : memref<28992xf32, #tpu.memory_space<vmem>>[vector<16xi32>], vector<16xf32>,
        %add3A_685 = vector.broadcast %add3A_657 : i32 to vector<16xi32>
        %add3A_686 = arith.addi %mul3A_505, %add3A_685 : vector<16xi32>
        %gather3A_687 = tpu.vector_load_idx %arg6[%add3A_686] : memref<28992xf32, #tpu.memory_space<vmem>>[vector<16xi32>], vector<16xf32>,
        %add3A_688 = vector.broadcast %add3A_657 : i32 to vector<16xi32>
        %add3A_689 = arith.addi %mul3A_510, %add3A_688 : vector<16xi32>
        %gather3A_690 = tpu.vector_load_idx %arg6[%add3A_689] : memref<28992xf32, #tpu.memory_space<vmem>>[vector<16xi32>], vector<16xf32>,
        %add3A_691 = vector.broadcast %add3A_657 : i32 to vector<16xi32>
        %add3A_692 = arith.addi %mul3A_515, %add3A_691 : vector<16xi32>
        %gather3A_693 = tpu.vector_load_idx %arg6[%add3A_692] : memref<28992xf32, #tpu.memory_space<vmem>>[vector<16xi32>], vector<16xf32>,
        %add3A_694 = vector.broadcast %add3A_657 : i32 to vector<16xi32>
        %add3A_695 = arith.addi %mul3A_520, %add3A_694 : vector<16xi32>
        %gather3A_696 = tpu.vector_load_idx %arg6[%add3A_695] : memref<28992xf32, #tpu.memory_space<vmem>>[vector<16xi32>], vector<16xf32>,
        %add3A_697 = vector.broadcast %add3A_657 : i32 to vector<16xi32>
        %add3A_698 = arith.addi %mul3A_525, %add3A_697 : vector<16xi32>
        %gather3A_699 = tpu.vector_load_idx %arg6[%add3A_698] : memref<28992xf32, #tpu.memory_space<vmem>>[vector<16xi32>], vector<16xf32>,
        %add3A_700 = vector.broadcast %add3A_657 : i32 to vector<16xi32>
        %add3A_701 = arith.addi %mul3A_530, %add3A_700 : vector<16xi32>
        %gather3A_702 = tpu.vector_load_idx %arg6[%add3A_701] : memref<28992xf32, #tpu.memory_space<vmem>>[vector<16xi32>], vector<16xf32>,
        %add3A_703 = vector.broadcast %add3A_657 : i32 to vector<16xi32>
        %add3A_704 = arith.addi %mul3A_535, %add3A_703 : vector<16xi32>
        %gather3A_705 = tpu.vector_load_idx %arg6[%add3A_704] : memref<28992xf32, #tpu.memory_space<vmem>>[vector<16xi32>], vector<16xf32>,
        %swap3A_706 = arith.index_cast %add3A_657 : i32 to index
        %swap3A_707 = arith.constant 0 : index
        %swap3A_708 = tpu.vector_load %arg12[%swap3A_706, %swap3A_707] {strides = array<i32>} : memref<64x256xf32, #tpu.memory_space<vmem>>, vector<16xf32>,
        tpu.vector_store %arg12[%swap3A_706, %swap3A_707], %gather3A_660 {add = true, strides = array<i32>} : memref<64x256xf32, #tpu.memory_space<vmem>>, vector<16xf32>,
        %swap3A_709 = arith.index_cast %add3A_657 : i32 to index
        %swap3A_710 = arith.constant 16 : index
        %swap3A_711 = tpu.vector_load %arg12[%swap3A_709, %swap3A_710] {strides = array<i32>} : memref<64x256xf32, #tpu.memory_space<vmem>>, vector<16xf32>,
        tpu.vector_store %arg12[%swap3A_709, %swap3A_710], %gather3A_663 {add = true, strides = array<i32>} : memref<64x256xf32, #tpu.memory_space<vmem>>, vector<16xf32>,
        %swap3A_712 = arith.index_cast %add3A_657 : i32 to index
        %swap3A_713 = arith.constant 32 : index
        %swap3A_714 = tpu.vector_load %arg12[%swap3A_712, %swap3A_713] {strides = array<i32>} : memref<64x256xf32, #tpu.memory_space<vmem>>, vector<16xf32>,
        tpu.vector_store %arg12[%swap3A_712, %swap3A_713], %gather3A_666 {add = true, strides = array<i32>} : memref<64x256xf32, #tpu.memory_space<vmem>>, vector<16xf32>,
        %swap3A_715 = arith.index_cast %add3A_657 : i32 to index
        %swap3A_716 = arith.constant 48 : index
        %swap3A_717 = tpu.vector_load %arg12[%swap3A_715, %swap3A_716] {strides = array<i32>} : memref<64x256xf32, #tpu.memory_space<vmem>>, vector<16xf32>,
        tpu.vector_store %arg12[%swap3A_715, %swap3A_716], %gather3A_669 {add = true, strides = array<i32>} : memref<64x256xf32, #tpu.memory_space<vmem>>, vector<16xf32>,
        %swap3A_718 = arith.index_cast %add3A_657 : i32 to index
        %swap3A_719 = arith.constant 64 : index
        %swap3A_720 = tpu.vector_load %arg12[%swap3A_718, %swap3A_719] {strides = array<i32>} : memref<64x256xf32, #tpu.memory_space<vmem>>, vector<16xf32>,
        tpu.vector_store %arg12[%swap3A_718, %swap3A_719], %gather3A_672 {add = true, strides = array<i32>} : memref<64x256xf32, #tpu.memory_space<vmem>>, vector<16xf32>,
        %swap3A_721 = arith.index_cast %add3A_657 : i32 to index
        %swap3A_722 = arith.constant 80 : index
        %swap3A_723 = tpu.vector_load %arg12[%swap3A_721, %swap3A_722] {strides = array<i32>} : memref<64x256xf32, #tpu.memory_space<vmem>>, vector<16xf32>,
        tpu.vector_store %arg12[%swap3A_721, %swap3A_722], %gather3A_675 {add = true, strides = array<i32>} : memref<64x256xf32, #tpu.memory_space<vmem>>, vector<16xf32>,
        %swap3A_724 = arith.index_cast %add3A_657 : i32 to index
        %swap3A_725 = arith.constant 96 : index
        %swap3A_726 = tpu.vector_load %arg12[%swap3A_724, %swap3A_725] {strides = array<i32>} : memref<64x256xf32, #tpu.memory_space<vmem>>, vector<16xf32>,
        tpu.vector_store %arg12[%swap3A_724, %swap3A_725], %gather3A_678 {add = true, strides = array<i32>} : memref<64x256xf32, #tpu.memory_space<vmem>>, vector<16xf32>,
        %swap3A_727 = arith.index_cast %add3A_657 : i32 to index
        %swap3A_728 = arith.constant 112 : index
        %swap3A_729 = tpu.vector_load %arg12[%swap3A_727, %swap3A_728] {strides = array<i32>} : memref<64x256xf32, #tpu.memory_space<vmem>>, vector<16xf32>,
        tpu.vector_store %arg12[%swap3A_727, %swap3A_728], %gather3A_681 {add = true, strides = array<i32>} : memref<64x256xf32, #tpu.memory_space<vmem>>, vector<16xf32>,
        %swap3A_730 = arith.index_cast %add3A_657 : i32 to index
        %swap3A_731 = arith.constant 128 : index
        %swap3A_732 = tpu.vector_load %arg12[%swap3A_730, %swap3A_731] {strides = array<i32>} : memref<64x256xf32, #tpu.memory_space<vmem>>, vector<16xf32>,
        tpu.vector_store %arg12[%swap3A_730, %swap3A_731], %gather3A_684 {add = true, strides = array<i32>} : memref<64x256xf32, #tpu.memory_space<vmem>>, vector<16xf32>,
        %swap3A_733 = arith.index_cast %add3A_657 : i32 to index
        %swap3A_734 = arith.constant 144 : index
        %swap3A_735 = tpu.vector_load %arg12[%swap3A_733, %swap3A_734] {strides = array<i32>} : memref<64x256xf32, #tpu.memory_space<vmem>>, vector<16xf32>,
        tpu.vector_store %arg12[%swap3A_733, %swap3A_734], %gather3A_687 {add = true, strides = array<i32>} : memref<64x256xf32, #tpu.memory_space<vmem>>, vector<16xf32>,
        %swap3A_736 = arith.index_cast %add3A_657 : i32 to index
        %swap3A_737 = arith.constant 160 : index
        %swap3A_738 = tpu.vector_load %arg12[%swap3A_736, %swap3A_737] {strides = array<i32>} : memref<64x256xf32, #tpu.memory_space<vmem>>, vector<16xf32>,
        tpu.vector_store %arg12[%swap3A_736, %swap3A_737], %gather3A_690 {add = true, strides = array<i32>} : memref<64x256xf32, #tpu.memory_space<vmem>>, vector<16xf32>,
        %swap3A_739 = arith.index_cast %add3A_657 : i32 to index
        %swap3A_740 = arith.constant 176 : index
        %swap3A_741 = tpu.vector_load %arg12[%swap3A_739, %swap3A_740] {strides = array<i32>} : memref<64x256xf32, #tpu.memory_space<vmem>>, vector<16xf32>,
        tpu.vector_store %arg12[%swap3A_739, %swap3A_740], %gather3A_693 {add = true, strides = array<i32>} : memref<64x256xf32, #tpu.memory_space<vmem>>, vector<16xf32>,
        %swap3A_742 = arith.index_cast %add3A_657 : i32 to index
        %swap3A_743 = arith.constant 192 : index
        %swap3A_744 = tpu.vector_load %arg12[%swap3A_742, %swap3A_743] {strides = array<i32>} : memref<64x256xf32, #tpu.memory_space<vmem>>, vector<16xf32>,
        tpu.vector_store %arg12[%swap3A_742, %swap3A_743], %gather3A_696 {add = true, strides = array<i32>} : memref<64x256xf32, #tpu.memory_space<vmem>>, vector<16xf32>,
        %swap3A_745 = arith.index_cast %add3A_657 : i32 to index
        %swap3A_746 = arith.constant 208 : index
        %swap3A_747 = tpu.vector_load %arg12[%swap3A_745, %swap3A_746] {strides = array<i32>} : memref<64x256xf32, #tpu.memory_space<vmem>>, vector<16xf32>,
        tpu.vector_store %arg12[%swap3A_745, %swap3A_746], %gather3A_699 {add = true, strides = array<i32>} : memref<64x256xf32, #tpu.memory_space<vmem>>, vector<16xf32>,
        %swap3A_748 = arith.index_cast %add3A_657 : i32 to index
        %swap3A_749 = arith.constant 224 : index
        %swap3A_750 = tpu.vector_load %arg12[%swap3A_748, %swap3A_749] {strides = array<i32>} : memref<64x256xf32, #tpu.memory_space<vmem>>, vector<16xf32>,
        tpu.vector_store %arg12[%swap3A_748, %swap3A_749], %gather3A_702 {add = true, strides = array<i32>} : memref<64x256xf32, #tpu.memory_space<vmem>>, vector<16xf32>,
        %swap3A_751 = arith.index_cast %add3A_657 : i32 to index
        %swap3A_752 = arith.constant 240 : index
        %swap3A_753 = tpu.vector_load %arg12[%swap3A_751, %swap3A_752] {strides = array<i32>} : memref<64x256xf32, #tpu.memory_space<vmem>>, vector<16xf32>,
        tpu.vector_store %arg12[%swap3A_751, %swap3A_752], %gather3A_705 {add = true, strides = array<i32>} : memref<64x256xf32, #tpu.memory_space<vmem>>, vector<16xf32>,
      }
      %scan3A_540 = arith.constant 32 : i32
      %add3A_541 = arith.addi %mul3A_34, %add3A_442 : i32
      %dma_start3A_542 = arith.constant 0 : i32
      %dma_start3A_543 = tpu.memref_slice %arg5[%add3A_541, %dma_start3A_542, %mul3A_11] : memref<200x64x4096xf32, #tpu.memory_space<hbm>> -> memref<1x64x256xf32, #tpu.memory_space<hbm>>
      %dma_start3A_544 = tpu.memref_squeeze %dma_start3A_543 : memref<1x64x256xf32, #tpu.memory_space<hbm>> -> memref<64x256xf32, #tpu.memory_space<hbm>>
      %dma_start3A_545 = arith.constant 0 : i32
      %dma_start3A_546 = tpu.memref_slice %arg5[%add3A_541, %dma_start3A_545, %mul3A_11] : memref<200x64x4096xf32, #tpu.memory_space<hbm>> -> memref<1x64x256xf32, #tpu.memory_space<hbm>>
      %dma_start3A_547 = tpu.memref_squeeze %dma_start3A_546 : memref<1x64x256xf32, #tpu.memory_space<hbm>> -> memref<64x256xf32, #tpu.memory_space<hbm>>
      tpu.enqueue_dma source(%arg12 : memref<64x256xf32, #tpu.memory_space<vmem>>) target(%dma_start3A_547 : memref<64x256xf32, #tpu.memory_space<hbm>>) target_semaphore(%arg19 : memref<!tpu.dma_semaphore, #tpu.memory_space<semaphore_mem>>)
      %add3A_548 = arith.constant 2 : i32
      %add3A_549 = arith.addi %add3A_442, %add3A_548 : i32
      %lt3A_550 = arith.constant 100 : i32
      %lt3A_551 = arith.cmpi slt, %add3A_549, %lt3A_550 : i32
      %convert_element_type3A_552 = arith.extui %lt3A_551 : i1 to i32
      %cond3A_553 = arith.constant 0 : i32
      %cond3A_554 = arith.cmpi ne, %convert_element_type3A_552, %cond3A_553 : i32
      scf.if %cond3A_554 {
        %dma_wait3A_555 = arith.constant 0 : i32
        %dma_wait3A_556 = arith.constant 0 : i32
        %dma_wait3A_557 = arith.constant 0 : i32
        %dma_wait3A_558 = tpu.memref_slice %arg2[%dma_wait3A_555, %dma_wait3A_556, %dma_wait3A_557] : memref<200x64x4096xf32, #tpu.memory_space<hbm>> -> memref<1x64x256xf32, #tpu.memory_space<hbm>>
        %dma_wait3A_559 = tpu.memref_squeeze %dma_wait3A_558 : memref<1x64x256xf32, #tpu.memory_space<hbm>> -> memref<64x256xf32, #tpu.memory_space<hbm>>
        %dma_wait3A_560 = arith.constant 0 : i32
        %dma_wait3A_561 = arith.constant 0 : i32
        %dma_wait3A_562 = tpu.memref_slice %arg2[%dma_wait3A_555, %dma_wait3A_560, %dma_wait3A_561] : memref<200x64x4096xf32, #tpu.memory_space<hbm>> -> memref<1x64x256xf32, #tpu.memory_space<hbm>>
        %dma_wait3A_563 = tpu.memref_squeeze %dma_wait3A_562 : memref<1x64x256xf32, #tpu.memory_space<hbm>> -> memref<64x256xf32, #tpu.memory_space<hbm>>
        tpu.wait_dma2 semaphore(%arg18 : memref<!tpu.dma_semaphore, #tpu.memory_space<semaphore_mem>>) src(%dma_wait3A_563 : memref<64x256xf32, #tpu.memory_space<hbm>>) dst(%arg11 : memref<64x256xf32, #tpu.memory_space<vmem>>)
        %add3A_564 = arith.addi %mul3A_34, %add3A_549 : i32
        %dma_start3A_565 = arith.constant 0 : i32
        %dma_start3A_566 = tpu.memref_slice %arg2[%add3A_564, %dma_start3A_565, %mul3A_11] : memref<200x64x4096xf32, #tpu.memory_space<hbm>> -> memref<1x64x256xf32, #tpu.memory_space<hbm>>
        %dma_start3A_567 = tpu.memref_squeeze %dma_start3A_566 : memref<1x64x256xf32, #tpu.memory_space<hbm>> -> memref<64x256xf32, #tpu.memory_space<hbm>>
        %dma_start3A_568 = arith.constant 0 : i32
        %dma_start3A_569 = tpu.memref_slice %arg2[%add3A_564, %dma_start3A_568, %mul3A_11] : memref<200x64x4096xf32, #tpu.memory_space<hbm>> -> memref<1x64x256xf32, #tpu.memory_space<hbm>>
        %dma_start3A_570 = tpu.memref_squeeze %dma_start3A_569 : memref<1x64x256xf32, #tpu.memory_space<hbm>> -> memref<64x256xf32, #tpu.memory_space<hbm>>
        tpu.enqueue_dma source(%dma_start3A_570 : memref<64x256xf32, #tpu.memory_space<hbm>>) target(%arg11 : memref<64x256xf32, #tpu.memory_space<vmem>>) target_semaphore(%arg15 : memref<!tpu.dma_semaphore, #tpu.memory_space<semaphore_mem>>)
        %mul3A_571 = arith.constant 4096 : i32
        %mul3A_572 = arith.muli %add3A_564, %mul3A_571 : i32
        %add3A_573 = arith.addi %mul3A_572, %mul3A_11 : i32
        %dma_start3A_574 = tpu.memref_slice %arg3[%add3A_573] : memref<819200xi32, #tpu.memory_space<hbm>> -> memref<256xi32, #tpu.memory_space<hbm>>
        %dma_start3A_575 = tpu.memref_slice %arg3[%add3A_573] : memref<819200xi32, #tpu.memory_space<hbm>> -> memref<256xi32, #tpu.memory_space<hbm>>
        tpu.enqueue_dma source(%dma_start3A_575 : memref<256xi32, #tpu.memory_space<hbm>>) target(%arg8 : memref<256xi32, #tpu.memory_space<vmem>>) target_semaphore(%arg15 : memref<!tpu.dma_semaphore, #tpu.memory_space<semaphore_mem>>)
      } else {
      }
    }
    %scan3A_76 = arith.constant 33 : i32
    %dma_wait3A = arith.constant 0 : i32
    %dma_wait3A_77 = arith.constant 0 : i32
    %dma_wait3A_78 = arith.constant 0 : i32
    %dma_wait3A_79 = tpu.memref_slice %arg2[%dma_wait3A, %dma_wait3A_77, %dma_wait3A_78] : memref<200x64x4096xf32, #tpu.memory_space<hbm>> -> memref<1x64x256xf32, #tpu.memory_space<hbm>>
    %dma_wait3A_80 = tpu.memref_squeeze %dma_wait3A_79 : memref<1x64x256xf32, #tpu.memory_space<hbm>> -> memref<64x256xf32, #tpu.memory_space<hbm>>
    %dma_wait3A_81 = arith.constant 0 : i32
    %dma_wait3A_82 = arith.constant 0 : i32
    %dma_wait3A_83 = tpu.memref_slice %arg2[%dma_wait3A, %dma_wait3A_81, %dma_wait3A_82] : memref<200x64x4096xf32, #tpu.memory_space<hbm>> -> memref<1x64x256xf32, #tpu.memory_space<hbm>>
    %dma_wait3A_84 = tpu.memref_squeeze %dma_wait3A_83 : memref<1x64x256xf32, #tpu.memory_space<hbm>> -> memref<64x256xf32, #tpu.memory_space<hbm>>
    tpu.wait_dma2 semaphore(%arg14 : memref<!tpu.dma_semaphore, #tpu.memory_space<semaphore_mem>>) src(%dma_wait3A_84 : memref<64x256xf32, #tpu.memory_space<hbm>>) dst(%arg10 : memref<64x256xf32, #tpu.memory_space<vmem>>)
    %dma_wait3A_85 = arith.constant 0 : i32
    %dma_wait3A_86 = tpu.memref_slice %arg3[%dma_wait3A_85] : memref<819200xi32, #tpu.memory_space<hbm>> -> memref<256xi32, #tpu.memory_space<hbm>>
    %dma_wait3A_87 = arith.constant 0 : i32
    %dma_wait3A_88 = tpu.memref_slice %arg3[%dma_wait3A_87] : memref<819200xi32, #tpu.memory_space<hbm>> -> memref<256xi32, #tpu.memory_space<hbm>>
    tpu.wait_dma2 semaphore(%arg14 : memref<!tpu.dma_semaphore, #tpu.memory_space<semaphore_mem>>) src(%dma_wait3A_88 : memref<256xi32, #tpu.memory_space<hbm>>) dst(%arg7 : memref<256xi32, #tpu.memory_space<vmem>>)
    %get3A = arith.constant 0 : index
    %get3A_89 = tpu.vector_load %arg7[%get3A] {strides = array<i32>} : memref<256xi32, #tpu.memory_space<vmem>>, vector<16xi32>,
    %mul3A_90 = arith.constant 65 : i32
    %mul3A_91 = vector.broadcast %mul3A_90 : i32 to vector<16xi32>
    %mul3A_92 = arith.muli %get3A_89, %mul3A_91 : vector<16xi32>
    %get3A_93 = arith.constant 16 : index
    %get3A_94 = tpu.vector_load %arg7[%get3A_93] {strides = array<i32>} : memref<256xi32, #tpu.memory_space<vmem>>, vector<16xi32>,
    %mul3A_95 = arith.constant 65 : i32
    %mul3A_96 = vector.broadcast %mul3A_95 : i32 to vector<16xi32>
    %mul3A_97 = arith.muli %get3A_94, %mul3A_96 : vector<16xi32>
    %get3A_98 = arith.constant 32 : index
    %get3A_99 = tpu.vector_load %arg7[%get3A_98] {strides = array<i32>} : memref<256xi32, #tpu.memory_space<vmem>>, vector<16xi32>,
    %mul3A_100 = arith.constant 65 : i32
    %mul3A_101 = vector.broadcast %mul3A_100 : i32 to vector<16xi32>
    %mul3A_102 = arith.muli %get3A_99, %mul3A_101 : vector<16xi32>
    %get3A_103 = arith.constant 48 : index
    %get3A_104 = tpu.vector_load %arg7[%get3A_103] {strides = array<i32>} : memref<256xi32, #tpu.memory_space<vmem>>, vector<16xi32>,
    %mul3A_105 = arith.constant 65 : i32
    %mul3A_106 = vector.broadcast %mul3A_105 : i32 to vector<16xi32>
    %mul3A_107 = arith.muli %get3A_104, %mul3A_106 : vector<16xi32>
    %get3A_108 = arith.constant 64 : index
    %get3A_109 = tpu.vector_load %arg7[%get3A_108] {strides = array<i32>} : memref<256xi32, #tpu.memory_space<vmem>>, vector<16xi32>,
    %mul3A_110 = arith.constant 65 : i32
    %mul3A_111 = vector.broadcast %mul3A_110 : i32 to vector<16xi32>
    %mul3A_112 = arith.muli %get3A_109, %mul3A_111 : vector<16xi32>
    %get3A_113 = arith.constant 80 : index
    %get3A_114 = tpu.vector_load %arg7[%get3A_113] {strides = array<i32>} : memref<256xi32, #tpu.memory_space<vmem>>, vector<16xi32>,
    %mul3A_115 = arith.constant 65 : i32
    %mul3A_116 = vector.broadcast %mul3A_115 : i32 to vector<16xi32>
    %mul3A_117 = arith.muli %get3A_114, %mul3A_116 : vector<16xi32>
    %get3A_118 = arith.constant 96 : index
    %get3A_119 = tpu.vector_load %arg7[%get3A_118] {strides = array<i32>} : memref<256xi32, #tpu.memory_space<vmem>>, vector<16xi32>,
    %mul3A_120 = arith.constant 65 : i32
    %mul3A_121 = vector.broadcast %mul3A_120 : i32 to vector<16xi32>
    %mul3A_122 = arith.muli %get3A_119, %mul3A_121 : vector<16xi32>
    %get3A_123 = arith.constant 112 : index
    %get3A_124 = tpu.vector_load %arg7[%get3A_123] {strides = array<i32>} : memref<256xi32, #tpu.memory_space<vmem>>, vector<16xi32>,
    %mul3A_125 = arith.constant 65 : i32
    %mul3A_126 = vector.broadcast %mul3A_125 : i32 to vector<16xi32>
    %mul3A_127 = arith.muli %get3A_124, %mul3A_126 : vector<16xi32>
    %get3A_128 = arith.constant 128 : index
    %get3A_129 = tpu.vector_load %arg7[%get3A_128] {strides = array<i32>} : memref<256xi32, #tpu.memory_space<vmem>>, vector<16xi32>,
    %mul3A_130 = arith.constant 65 : i32
    %mul3A_131 = vector.broadcast %mul3A_130 : i32 to vector<16xi32>
    %mul3A_132 = arith.muli %get3A_129, %mul3A_131 : vector<16xi32>
    %get3A_133 = arith.constant 144 : index
    %get3A_134 = tpu.vector_load %arg7[%get3A_133] {strides = array<i32>} : memref<256xi32, #tpu.memory_space<vmem>>, vector<16xi32>,
    %mul3A_135 = arith.constant 65 : i32
    %mul3A_136 = vector.broadcast %mul3A_135 : i32 to vector<16xi32>
    %mul3A_137 = arith.muli %get3A_134, %mul3A_136 : vector<16xi32>
    %get3A_138 = arith.constant 160 : index
    %get3A_139 = tpu.vector_load %arg7[%get3A_138] {strides = array<i32>} : memref<256xi32, #tpu.memory_space<vmem>>, vector<16xi32>,
    %mul3A_140 = arith.constant 65 : i32
    %mul3A_141 = vector.broadcast %mul3A_140 : i32 to vector<16xi32>
    %mul3A_142 = arith.muli %get3A_139, %mul3A_141 : vector<16xi32>
    %get3A_143 = arith.constant 176 : index
    %get3A_144 = tpu.vector_load %arg7[%get3A_143] {strides = array<i32>} : memref<256xi32, #tpu.memory_space<vmem>>, vector<16xi32>,
    %mul3A_145 = arith.constant 65 : i32
    %mul3A_146 = vector.broadcast %mul3A_145 : i32 to vector<16xi32>
    %mul3A_147 = arith.muli %get3A_144, %mul3A_146 : vector<16xi32>
    %get3A_148 = arith.constant 192 : index
    %get3A_149 = tpu.vector_load %arg7[%get3A_148] {strides = array<i32>} : memref<256xi32, #tpu.memory_space<vmem>>, vector<16xi32>,
    %mul3A_150 = arith.constant 65 : i32
    %mul3A_151 = vector.broadcast %mul3A_150 : i32 to vector<16xi32>
    %mul3A_152 = arith.muli %get3A_149, %mul3A_151 : vector<16xi32>
    %get3A_153 = arith.constant 208 : index
    %get3A_154 = tpu.vector_load %arg7[%get3A_153] {strides = array<i32>} : memref<256xi32, #tpu.memory_space<vmem>>, vector<16xi32>,
    %mul3A_155 = arith.constant 65 : i32
    %mul3A_156 = vector.broadcast %mul3A_155 : i32 to vector<16xi32>
    %mul3A_157 = arith.muli %get3A_154, %mul3A_156 : vector<16xi32>
    %get3A_158 = arith.constant 224 : index
    %get3A_159 = tpu.vector_load %arg7[%get3A_158] {strides = array<i32>} : memref<256xi32, #tpu.memory_space<vmem>>, vector<16xi32>,
    %mul3A_160 = arith.constant 65 : i32
    %mul3A_161 = vector.broadcast %mul3A_160 : i32 to vector<16xi32>
    %mul3A_162 = arith.muli %get3A_159, %mul3A_161 : vector<16xi32>
    %get3A_163 = arith.constant 240 : index
    %get3A_164 = tpu.vector_load %arg7[%get3A_163] {strides = array<i32>} : memref<256xi32, #tpu.memory_space<vmem>>, vector<16xi32>,
    %mul3A_165 = arith.constant 65 : i32
    %mul3A_166 = vector.broadcast %mul3A_165 : i32 to vector<16xi32>
    %mul3A_167 = arith.muli %get3A_164, %mul3A_166 : vector<16xi32>
    %scan3A_168 = arith.constant 0 : i32
    %scan3A_169 = arith.constant 32 : i32
    %scan3A_170 = arith.addi %scan3A_168, %scan3A_169 : i32
    %scan3A_171 = arith.constant 1 : i32
    scf.for %scan3A_208 = %scan3A_168 to %scan3A_170 step %scan3A_171  : i32 {
      %mul3A_209 = arith.constant 2 : i32
      %mul3A_210 = arith.muli %scan3A_208, %mul3A_209 : i32
      %add3A_211 = arith.constant 0 : i32
      %add3A_212 = arith.addi %add3A_211, %mul3A_210 : i32
      %add3A_213 = arith.constant 0 : i32
      %add3A_214 = arith.addi %add3A_212, %add3A_213 : i32
      %add3A_215 = vector.broadcast %add3A_214 : i32 to vector<16xi32>
      %add3A_216 = arith.addi %mul3A_92, %add3A_215 : vector<16xi32>
      %gather3A = tpu.vector_load_idx %arg6[%add3A_216] : memref<28992xf32, #tpu.memory_space<vmem>>[vector<16xi32>], vector<16xf32>,
      %add3A_217 = vector.broadcast %add3A_214 : i32 to vector<16xi32>
      %add3A_218 = arith.addi %mul3A_97, %add3A_217 : vector<16xi32>
      %gather3A_219 = tpu.vector_load_idx %arg6[%add3A_218] : memref<28992xf32, #tpu.memory_space<vmem>>[vector<16xi32>], vector<16xf32>,
      %add3A_220 = vector.broadcast %add3A_214 : i32 to vector<16xi32>
      %add3A_221 = arith.addi %mul3A_102, %add3A_220 : vector<16xi32>
      %gather3A_222 = tpu.vector_load_idx %arg6[%add3A_221] : memref<28992xf32, #tpu.memory_space<vmem>>[vector<16xi32>], vector<16xf32>,
      %add3A_223 = vector.broadcast %add3A_214 : i32 to vector<16xi32>
      %add3A_224 = arith.addi %mul3A_107, %add3A_223 : vector<16xi32>
      %gather3A_225 = tpu.vector_load_idx %arg6[%add3A_224] : memref<28992xf32, #tpu.memory_space<vmem>>[vector<16xi32>], vector<16xf32>,
      %add3A_226 = vector.broadcast %add3A_214 : i32 to vector<16xi32>
      %add3A_227 = arith.addi %mul3A_112, %add3A_226 : vector<16xi32>
      %gather3A_228 = tpu.vector_load_idx %arg6[%add3A_227] : memref<28992xf32, #tpu.memory_space<vmem>>[vector<16xi32>], vector<16xf32>,
      %add3A_229 = vector.broadcast %add3A_214 : i32 to vector<16xi32>
      %add3A_230 = arith.addi %mul3A_117, %add3A_229 : vector<16xi32>
      %gather3A_231 = tpu.vector_load_idx %arg6[%add3A_230] : memref<28992xf32, #tpu.memory_space<vmem>>[vector<16xi32>], vector<16xf32>,
      %add3A_232 = vector.broadcast %add3A_214 : i32 to vector<16xi32>
      %add3A_233 = arith.addi %mul3A_122, %add3A_232 : vector<16xi32>
      %gather3A_234 = tpu.vector_load_idx %arg6[%add3A_233] : memref<28992xf32, #tpu.memory_space<vmem>>[vector<16xi32>], vector<16xf32>,
      %add3A_235 = vector.broadcast %add3A_214 : i32 to vector<16xi32>
      %add3A_236 = arith.addi %mul3A_127, %add3A_235 : vector<16xi32>
      %gather3A_237 = tpu.vector_load_idx %arg6[%add3A_236] : memref<28992xf32, #tpu.memory_space<vmem>>[vector<16xi32>], vector<16xf32>,
      %add3A_238 = vector.broadcast %add3A_214 : i32 to vector<16xi32>
      %add3A_239 = arith.addi %mul3A_132, %add3A_238 : vector<16xi32>
      %gather3A_240 = tpu.vector_load_idx %arg6[%add3A_239] : memref<28992xf32, #tpu.memory_space<vmem>>[vector<16xi32>], vector<16xf32>,
      %add3A_241 = vector.broadcast %add3A_214 : i32 to vector<16xi32>
      %add3A_242 = arith.addi %mul3A_137, %add3A_241 : vector<16xi32>
      %gather3A_243 = tpu.vector_load_idx %arg6[%add3A_242] : memref<28992xf32, #tpu.memory_space<vmem>>[vector<16xi32>], vector<16xf32>,
      %add3A_244 = vector.broadcast %add3A_214 : i32 to vector<16xi32>
      %add3A_245 = arith.addi %mul3A_142, %add3A_244 : vector<16xi32>
      %gather3A_246 = tpu.vector_load_idx %arg6[%add3A_245] : memref<28992xf32, #tpu.memory_space<vmem>>[vector<16xi32>], vector<16xf32>,
      %add3A_247 = vector.broadcast %add3A_214 : i32 to vector<16xi32>
      %add3A_248 = arith.addi %mul3A_147, %add3A_247 : vector<16xi32>
      %gather3A_249 = tpu.vector_load_idx %arg6[%add3A_248] : memref<28992xf32, #tpu.memory_space<vmem>>[vector<16xi32>], vector<16xf32>,
      %add3A_250 = vector.broadcast %add3A_214 : i32 to vector<16xi32>
      %add3A_251 = arith.addi %mul3A_152, %add3A_250 : vector<16xi32>
      %gather3A_252 = tpu.vector_load_idx %arg6[%add3A_251] : memref<28992xf32, #tpu.memory_space<vmem>>[vector<16xi32>], vector<16xf32>,
      %add3A_253 = vector.broadcast %add3A_214 : i32 to vector<16xi32>
      %add3A_254 = arith.addi %mul3A_157, %add3A_253 : vector<16xi32>
      %gather3A_255 = tpu.vector_load_idx %arg6[%add3A_254] : memref<28992xf32, #tpu.memory_space<vmem>>[vector<16xi32>], vector<16xf32>,
      %add3A_256 = vector.broadcast %add3A_214 : i32 to vector<16xi32>
      %add3A_257 = arith.addi %mul3A_162, %add3A_256 : vector<16xi32>
      %gather3A_258 = tpu.vector_load_idx %arg6[%add3A_257] : memref<28992xf32, #tpu.memory_space<vmem>>[vector<16xi32>], vector<16xf32>,
      %add3A_259 = vector.broadcast %add3A_214 : i32 to vector<16xi32>
      %add3A_260 = arith.addi %mul3A_167, %add3A_259 : vector<16xi32>
      %gather3A_261 = tpu.vector_load_idx %arg6[%add3A_260] : memref<28992xf32, #tpu.memory_space<vmem>>[vector<16xi32>], vector<16xf32>,
      %swap3A = arith.index_cast %add3A_214 : i32 to index
      %swap3A_262 = arith.constant 0 : index
      %swap3A_263 = tpu.vector_load %arg10[%swap3A, %swap3A_262] {strides = array<i32>} : memref<64x256xf32, #tpu.memory_space<vmem>>, vector<16xf32>,
      tpu.vector_store %arg10[%swap3A, %swap3A_262], %gather3A {add = true, strides = array<i32>} : memref<64x256xf32, #tpu.memory_space<vmem>>, vector<16xf32>,
      %swap3A_264 = arith.index_cast %add3A_214 : i32 to index
      %swap3A_265 = arith.constant 16 : index
      %swap3A_266 = tpu.vector_load %arg10[%swap3A_264, %swap3A_265] {strides = array<i32>} : memref<64x256xf32, #tpu.memory_space<vmem>>, vector<16xf32>,
      tpu.vector_store %arg10[%swap3A_264, %swap3A_265], %gather3A_219 {add = true, strides = array<i32>} : memref<64x256xf32, #tpu.memory_space<vmem>>, vector<16xf32>,
      %swap3A_267 = arith.index_cast %add3A_214 : i32 to index
      %swap3A_268 = arith.constant 32 : index
      %swap3A_269 = tpu.vector_load %arg10[%swap3A_267, %swap3A_268] {strides = array<i32>} : memref<64x256xf32, #tpu.memory_space<vmem>>, vector<16xf32>,
      tpu.vector_store %arg10[%swap3A_267, %swap3A_268], %gather3A_222 {add = true, strides = array<i32>} : memref<64x256xf32, #tpu.memory_space<vmem>>, vector<16xf32>,
      %swap3A_270 = arith.index_cast %add3A_214 : i32 to index
      %swap3A_271 = arith.constant 48 : index
      %swap3A_272 = tpu.vector_load %arg10[%swap3A_270, %swap3A_271] {strides = array<i32>} : memref<64x256xf32, #tpu.memory_space<vmem>>, vector<16xf32>,
      tpu.vector_store %arg10[%swap3A_270, %swap3A_271], %gather3A_225 {add = true, strides = array<i32>} : memref<64x256xf32, #tpu.memory_space<vmem>>, vector<16xf32>,
      %swap3A_273 = arith.index_cast %add3A_214 : i32 to index
      %swap3A_274 = arith.constant 64 : index
      %swap3A_275 = tpu.vector_load %arg10[%swap3A_273, %swap3A_274] {strides = array<i32>} : memref<64x256xf32, #tpu.memory_space<vmem>>, vector<16xf32>,
      tpu.vector_store %arg10[%swap3A_273, %swap3A_274], %gather3A_228 {add = true, strides = array<i32>} : memref<64x256xf32, #tpu.memory_space<vmem>>, vector<16xf32>,
      %swap3A_276 = arith.index_cast %add3A_214 : i32 to index
      %swap3A_277 = arith.constant 80 : index
      %swap3A_278 = tpu.vector_load %arg10[%swap3A_276, %swap3A_277] {strides = array<i32>} : memref<64x256xf32, #tpu.memory_space<vmem>>, vector<16xf32>,
      tpu.vector_store %arg10[%swap3A_276, %swap3A_277], %gather3A_231 {add = true, strides = array<i32>} : memref<64x256xf32, #tpu.memory_space<vmem>>, vector<16xf32>,
      %swap3A_279 = arith.index_cast %add3A_214 : i32 to index
      %swap3A_280 = arith.constant 96 : index
      %swap3A_281 = tpu.vector_load %arg10[%swap3A_279, %swap3A_280] {strides = array<i32>} : memref<64x256xf32, #tpu.memory_space<vmem>>, vector<16xf32>,
      tpu.vector_store %arg10[%swap3A_279, %swap3A_280], %gather3A_234 {add = true, strides = array<i32>} : memref<64x256xf32, #tpu.memory_space<vmem>>, vector<16xf32>,
      %swap3A_282 = arith.index_cast %add3A_214 : i32 to index
      %swap3A_283 = arith.constant 112 : index
      %swap3A_284 = tpu.vector_load %arg10[%swap3A_282, %swap3A_283] {strides = array<i32>} : memref<64x256xf32, #tpu.memory_space<vmem>>, vector<16xf32>,
      tpu.vector_store %arg10[%swap3A_282, %swap3A_283], %gather3A_237 {add = true, strides = array<i32>} : memref<64x256xf32, #tpu.memory_space<vmem>>, vector<16xf32>,
      %swap3A_285 = arith.index_cast %add3A_214 : i32 to index
      %swap3A_286 = arith.constant 128 : index
      %swap3A_287 = tpu.vector_load %arg10[%swap3A_285, %swap3A_286] {strides = array<i32>} : memref<64x256xf32, #tpu.memory_space<vmem>>, vector<16xf32>,
      tpu.vector_store %arg10[%swap3A_285, %swap3A_286], %gather3A_240 {add = true, strides = array<i32>} : memref<64x256xf32, #tpu.memory_space<vmem>>, vector<16xf32>,
      %swap3A_288 = arith.index_cast %add3A_214 : i32 to index
      %swap3A_289 = arith.constant 144 : index
      %swap3A_290 = tpu.vector_load %arg10[%swap3A_288, %swap3A_289] {strides = array<i32>} : memref<64x256xf32, #tpu.memory_space<vmem>>, vector<16xf32>,
      tpu.vector_store %arg10[%swap3A_288, %swap3A_289], %gather3A_243 {add = true, strides = array<i32>} : memref<64x256xf32, #tpu.memory_space<vmem>>, vector<16xf32>,
      %swap3A_291 = arith.index_cast %add3A_214 : i32 to index
      %swap3A_292 = arith.constant 160 : index
      %swap3A_293 = tpu.vector_load %arg10[%swap3A_291, %swap3A_292] {strides = array<i32>} : memref<64x256xf32, #tpu.memory_space<vmem>>, vector<16xf32>,
      tpu.vector_store %arg10[%swap3A_291, %swap3A_292], %gather3A_246 {add = true, strides = array<i32>} : memref<64x256xf32, #tpu.memory_space<vmem>>, vector<16xf32>,
      %swap3A_294 = arith.index_cast %add3A_214 : i32 to index
      %swap3A_295 = arith.constant 176 : index
      %swap3A_296 = tpu.vector_load %arg10[%swap3A_294, %swap3A_295] {strides = array<i32>} : memref<64x256xf32, #tpu.memory_space<vmem>>, vector<16xf32>,
      tpu.vector_store %arg10[%swap3A_294, %swap3A_295], %gather3A_249 {add = true, strides = array<i32>} : memref<64x256xf32, #tpu.memory_space<vmem>>, vector<16xf32>,
      %swap3A_297 = arith.index_cast %add3A_214 : i32 to index
      %swap3A_298 = arith.constant 192 : index
      %swap3A_299 = tpu.vector_load %arg10[%swap3A_297, %swap3A_298] {strides = array<i32>} : memref<64x256xf32, #tpu.memory_space<vmem>>, vector<16xf32>,
      tpu.vector_store %arg10[%swap3A_297, %swap3A_298], %gather3A_252 {add = true, strides = array<i32>} : memref<64x256xf32, #tpu.memory_space<vmem>>, vector<16xf32>,
      %swap3A_300 = arith.index_cast %add3A_214 : i32 to index
      %swap3A_301 = arith.constant 208 : index
      %swap3A_302 = tpu.vector_load %arg10[%swap3A_300, %swap3A_301] {strides = array<i32>} : memref<64x256xf32, #tpu.memory_space<vmem>>, vector<16xf32>,
      tpu.vector_store %arg10[%swap3A_300, %swap3A_301], %gather3A_255 {add = true, strides = array<i32>} : memref<64x256xf32, #tpu.memory_space<vmem>>, vector<16xf32>,
      %swap3A_303 = arith.index_cast %add3A_214 : i32 to index
      %swap3A_304 = arith.constant 224 : index
      %swap3A_305 = tpu.vector_load %arg10[%swap3A_303, %swap3A_304] {strides = array<i32>} : memref<64x256xf32, #tpu.memory_space<vmem>>, vector<16xf32>,
      tpu.vector_store %arg10[%swap3A_303, %swap3A_304], %gather3A_258 {add = true, strides = array<i32>} : memref<64x256xf32, #tpu.memory_space<vmem>>, vector<16xf32>,
      %swap3A_306 = arith.index_cast %add3A_214 : i32 to index
      %swap3A_307 = arith.constant 240 : index
      %swap3A_308 = tpu.vector_load %arg10[%swap3A_306, %swap3A_307] {strides = array<i32>} : memref<64x256xf32, #tpu.memory_space<vmem>>, vector<16xf32>,
      tpu.vector_store %arg10[%swap3A_306, %swap3A_307], %gather3A_261 {add = true, strides = array<i32>} : memref<64x256xf32, #tpu.memory_space<vmem>>, vector<16xf32>,
      %add3A_309 = arith.constant 1 : i32
      %add3A_310 = arith.addi %add3A_212, %add3A_309 : i32
      %add3A_311 = vector.broadcast %add3A_310 : i32 to vector<16xi32>
      %add3A_312 = arith.addi %mul3A_92, %add3A_311 : vector<16xi32>
      %gather3A_313 = tpu.vector_load_idx %arg6[%add3A_312] : memref<28992xf32, #tpu.memory_space<vmem>>[vector<16xi32>], vector<16xf32>,
      %add3A_314 = vector.broadcast %add3A_310 : i32 to vector<16xi32>
      %add3A_315 = arith.addi %mul3A_97, %add3A_314 : vector<16xi32>
      %gather3A_316 = tpu.vector_load_idx %arg6[%add3A_315] : memref<28992xf32, #tpu.memory_space<vmem>>[vector<16xi32>], vector<16xf32>,
      %add3A_317 = vector.broadcast %add3A_310 : i32 to vector<16xi32>
      %add3A_318 = arith.addi %mul3A_102, %add3A_317 : vector<16xi32>
      %gather3A_319 = tpu.vector_load_idx %arg6[%add3A_318] : memref<28992xf32, #tpu.memory_space<vmem>>[vector<16xi32>], vector<16xf32>,
      %add3A_320 = vector.broadcast %add3A_310 : i32 to vector<16xi32>
      %add3A_321 = arith.addi %mul3A_107, %add3A_320 : vector<16xi32>
      %gather3A_322 = tpu.vector_load_idx %arg6[%add3A_321] : memref<28992xf32, #tpu.memory_space<vmem>>[vector<16xi32>], vector<16xf32>,
      %add3A_323 = vector.broadcast %add3A_310 : i32 to vector<16xi32>
      %add3A_324 = arith.addi %mul3A_112, %add3A_323 : vector<16xi32>
      %gather3A_325 = tpu.vector_load_idx %arg6[%add3A_324] : memref<28992xf32, #tpu.memory_space<vmem>>[vector<16xi32>], vector<16xf32>,
      %add3A_326 = vector.broadcast %add3A_310 : i32 to vector<16xi32>
      %add3A_327 = arith.addi %mul3A_117, %add3A_326 : vector<16xi32>
      %gather3A_328 = tpu.vector_load_idx %arg6[%add3A_327] : memref<28992xf32, #tpu.memory_space<vmem>>[vector<16xi32>], vector<16xf32>,
      %add3A_329 = vector.broadcast %add3A_310 : i32 to vector<16xi32>
      %add3A_330 = arith.addi %mul3A_122, %add3A_329 : vector<16xi32>
      %gather3A_331 = tpu.vector_load_idx %arg6[%add3A_330] : memref<28992xf32, #tpu.memory_space<vmem>>[vector<16xi32>], vector<16xf32>,
      %add3A_332 = vector.broadcast %add3A_310 : i32 to vector<16xi32>
      %add3A_333 = arith.addi %mul3A_127, %add3A_332 : vector<16xi32>
      %gather3A_334 = tpu.vector_load_idx %arg6[%add3A_333] : memref<28992xf32, #tpu.memory_space<vmem>>[vector<16xi32>], vector<16xf32>,
      %add3A_335 = vector.broadcast %add3A_310 : i32 to vector<16xi32>
      %add3A_336 = arith.addi %mul3A_132, %add3A_335 : vector<16xi32>
      %gather3A_337 = tpu.vector_load_idx %arg6[%add3A_336] : memref<28992xf32, #tpu.memory_space<vmem>>[vector<16xi32>], vector<16xf32>,
      %add3A_338 = vector.broadcast %add3A_310 : i32 to vector<16xi32>
      %add3A_339 = arith.addi %mul3A_137, %add3A_338 : vector<16xi32>
      %gather3A_340 = tpu.vector_load_idx %arg6[%add3A_339] : memref<28992xf32, #tpu.memory_space<vmem>>[vector<16xi32>], vector<16xf32>,
      %add3A_341 = vector.broadcast %add3A_310 : i32 to vector<16xi32>
      %add3A_342 = arith.addi %mul3A_142, %add3A_341 : vector<16xi32>
      %gather3A_343 = tpu.vector_load_idx %arg6[%add3A_342] : memref<28992xf32, #tpu.memory_space<vmem>>[vector<16xi32>], vector<16xf32>,
      %add3A_344 = vector.broadcast %add3A_310 : i32 to vector<16xi32>
      %add3A_345 = arith.addi %mul3A_147, %add3A_344 : vector<16xi32>
      %gather3A_346 = tpu.vector_load_idx %arg6[%add3A_345] : memref<28992xf32, #tpu.memory_space<vmem>>[vector<16xi32>], vector<16xf32>,
      %add3A_347 = vector.broadcast %add3A_310 : i32 to vector<16xi32>
      %add3A_348 = arith.addi %mul3A_152, %add3A_347 : vector<16xi32>
      %gather3A_349 = tpu.vector_load_idx %arg6[%add3A_348] : memref<28992xf32, #tpu.memory_space<vmem>>[vector<16xi32>], vector<16xf32>,
      %add3A_350 = vector.broadcast %add3A_310 : i32 to vector<16xi32>
      %add3A_351 = arith.addi %mul3A_157, %add3A_350 : vector<16xi32>
      %gather3A_352 = tpu.vector_load_idx %arg6[%add3A_351] : memref<28992xf32, #tpu.memory_space<vmem>>[vector<16xi32>], vector<16xf32>,
      %add3A_353 = vector.broadcast %add3A_310 : i32 to vector<16xi32>
      %add3A_354 = arith.addi %mul3A_162, %add3A_353 : vector<16xi32>
      %gather3A_355 = tpu.vector_load_idx %arg6[%add3A_354] : memref<28992xf32, #tpu.memory_space<vmem>>[vector<16xi32>], vector<16xf32>,
      %add3A_356 = vector.broadcast %add3A_310 : i32 to vector<16xi32>
      %add3A_357 = arith.addi %mul3A_167, %add3A_356 : vector<16xi32>
      %gather3A_358 = tpu.vector_load_idx %arg6[%add3A_357] : memref<28992xf32, #tpu.memory_space<vmem>>[vector<16xi32>], vector<16xf32>,
      %swap3A_359 = arith.index_cast %add3A_310 : i32 to index
      %swap3A_360 = arith.constant 0 : index
      %swap3A_361 = tpu.vector_load %arg10[%swap3A_359, %swap3A_360] {strides = array<i32>} : memref<64x256xf32, #tpu.memory_space<vmem>>, vector<16xf32>,
      tpu.vector_store %arg10[%swap3A_359, %swap3A_360], %gather3A_313 {add = true, strides = array<i32>} : memref<64x256xf32, #tpu.memory_space<vmem>>, vector<16xf32>,
      %swap3A_362 = arith.index_cast %add3A_310 : i32 to index
      %swap3A_363 = arith.constant 16 : index
      %swap3A_364 = tpu.vector_load %arg10[%swap3A_362, %swap3A_363] {strides = array<i32>} : memref<64x256xf32, #tpu.memory_space<vmem>>, vector<16xf32>,
      tpu.vector_store %arg10[%swap3A_362, %swap3A_363], %gather3A_316 {add = true, strides = array<i32>} : memref<64x256xf32, #tpu.memory_space<vmem>>, vector<16xf32>,
      %swap3A_365 = arith.index_cast %add3A_310 : i32 to index
      %swap3A_366 = arith.constant 32 : index
      %swap3A_367 = tpu.vector_load %arg10[%swap3A_365, %swap3A_366] {strides = array<i32>} : memref<64x256xf32, #tpu.memory_space<vmem>>, vector<16xf32>,
      tpu.vector_store %arg10[%swap3A_365, %swap3A_366], %gather3A_319 {add = true, strides = array<i32>} : memref<64x256xf32, #tpu.memory_space<vmem>>, vector<16xf32>,
      %swap3A_368 = arith.index_cast %add3A_310 : i32 to index
      %swap3A_369 = arith.constant 48 : index
      %swap3A_370 = tpu.vector_load %arg10[%swap3A_368, %swap3A_369] {strides = array<i32>} : memref<64x256xf32, #tpu.memory_space<vmem>>, vector<16xf32>,
      tpu.vector_store %arg10[%swap3A_368, %swap3A_369], %gather3A_322 {add = true, strides = array<i32>} : memref<64x256xf32, #tpu.memory_space<vmem>>, vector<16xf32>,
      %swap3A_371 = arith.index_cast %add3A_310 : i32 to index
      %swap3A_372 = arith.constant 64 : index
      %swap3A_373 = tpu.vector_load %arg10[%swap3A_371, %swap3A_372] {strides = array<i32>} : memref<64x256xf32, #tpu.memory_space<vmem>>, vector<16xf32>,
      tpu.vector_store %arg10[%swap3A_371, %swap3A_372], %gather3A_325 {add = true, strides = array<i32>} : memref<64x256xf32, #tpu.memory_space<vmem>>, vector<16xf32>,
      %swap3A_374 = arith.index_cast %add3A_310 : i32 to index
      %swap3A_375 = arith.constant 80 : index
      %swap3A_376 = tpu.vector_load %arg10[%swap3A_374, %swap3A_375] {strides = array<i32>} : memref<64x256xf32, #tpu.memory_space<vmem>>, vector<16xf32>,
      tpu.vector_store %arg10[%swap3A_374, %swap3A_375], %gather3A_328 {add = true, strides = array<i32>} : memref<64x256xf32, #tpu.memory_space<vmem>>, vector<16xf32>,
      %swap3A_377 = arith.index_cast %add3A_310 : i32 to index
      %swap3A_378 = arith.constant 96 : index
      %swap3A_379 = tpu.vector_load %arg10[%swap3A_377, %swap3A_378] {strides = array<i32>} : memref<64x256xf32, #tpu.memory_space<vmem>>, vector<16xf32>,
      tpu.vector_store %arg10[%swap3A_377, %swap3A_378], %gather3A_331 {add = true, strides = array<i32>} : memref<64x256xf32, #tpu.memory_space<vmem>>, vector<16xf32>,
      %swap3A_380 = arith.index_cast %add3A_310 : i32 to index
      %swap3A_381 = arith.constant 112 : index
      %swap3A_382 = tpu.vector_load %arg10[%swap3A_380, %swap3A_381] {strides = array<i32>} : memref<64x256xf32, #tpu.memory_space<vmem>>, vector<16xf32>,
      tpu.vector_store %arg10[%swap3A_380, %swap3A_381], %gather3A_334 {add = true, strides = array<i32>} : memref<64x256xf32, #tpu.memory_space<vmem>>, vector<16xf32>,
      %swap3A_383 = arith.index_cast %add3A_310 : i32 to index
      %swap3A_384 = arith.constant 128 : index
      %swap3A_385 = tpu.vector_load %arg10[%swap3A_383, %swap3A_384] {strides = array<i32>} : memref<64x256xf32, #tpu.memory_space<vmem>>, vector<16xf32>,
      tpu.vector_store %arg10[%swap3A_383, %swap3A_384], %gather3A_337 {add = true, strides = array<i32>} : memref<64x256xf32, #tpu.memory_space<vmem>>, vector<16xf32>,
      %swap3A_386 = arith.index_cast %add3A_310 : i32 to index
      %swap3A_387 = arith.constant 144 : index
      %swap3A_388 = tpu.vector_load %arg10[%swap3A_386, %swap3A_387] {strides = array<i32>} : memref<64x256xf32, #tpu.memory_space<vmem>>, vector<16xf32>,
      tpu.vector_store %arg10[%swap3A_386, %swap3A_387], %gather3A_340 {add = true, strides = array<i32>} : memref<64x256xf32, #tpu.memory_space<vmem>>, vector<16xf32>,
      %swap3A_389 = arith.index_cast %add3A_310 : i32 to index
      %swap3A_390 = arith.constant 160 : index
      %swap3A_391 = tpu.vector_load %arg10[%swap3A_389, %swap3A_390] {strides = array<i32>} : memref<64x256xf32, #tpu.memory_space<vmem>>, vector<16xf32>,
      tpu.vector_store %arg10[%swap3A_389, %swap3A_390], %gather3A_343 {add = true, strides = array<i32>} : memref<64x256xf32, #tpu.memory_space<vmem>>, vector<16xf32>,
      %swap3A_392 = arith.index_cast %add3A_310 : i32 to index
      %swap3A_393 = arith.constant 176 : index
      %swap3A_394 = tpu.vector_load %arg10[%swap3A_392, %swap3A_393] {strides = array<i32>} : memref<64x256xf32, #tpu.memory_space<vmem>>, vector<16xf32>,
      tpu.vector_store %arg10[%swap3A_392, %swap3A_393], %gather3A_346 {add = true, strides = array<i32>} : memref<64x256xf32, #tpu.memory_space<vmem>>, vector<16xf32>,
      %swap3A_395 = arith.index_cast %add3A_310 : i32 to index
      %swap3A_396 = arith.constant 192 : index
      %swap3A_397 = tpu.vector_load %arg10[%swap3A_395, %swap3A_396] {strides = array<i32>} : memref<64x256xf32, #tpu.memory_space<vmem>>, vector<16xf32>,
      tpu.vector_store %arg10[%swap3A_395, %swap3A_396], %gather3A_349 {add = true, strides = array<i32>} : memref<64x256xf32, #tpu.memory_space<vmem>>, vector<16xf32>,
      %swap3A_398 = arith.index_cast %add3A_310 : i32 to index
      %swap3A_399 = arith.constant 208 : index
      %swap3A_400 = tpu.vector_load %arg10[%swap3A_398, %swap3A_399] {strides = array<i32>} : memref<64x256xf32, #tpu.memory_space<vmem>>, vector<16xf32>,
      tpu.vector_store %arg10[%swap3A_398, %swap3A_399], %gather3A_352 {add = true, strides = array<i32>} : memref<64x256xf32, #tpu.memory_space<vmem>>, vector<16xf32>,
      %swap3A_401 = arith.index_cast %add3A_310 : i32 to index
      %swap3A_402 = arith.constant 224 : index
      %swap3A_403 = tpu.vector_load %arg10[%swap3A_401, %swap3A_402] {strides = array<i32>} : memref<64x256xf32, #tpu.memory_space<vmem>>, vector<16xf32>,
      tpu.vector_store %arg10[%swap3A_401, %swap3A_402], %gather3A_355 {add = true, strides = array<i32>} : memref<64x256xf32, #tpu.memory_space<vmem>>, vector<16xf32>,
      %swap3A_404 = arith.index_cast %add3A_310 : i32 to index
      %swap3A_405 = arith.constant 240 : index
      %swap3A_406 = tpu.vector_load %arg10[%swap3A_404, %swap3A_405] {strides = array<i32>} : memref<64x256xf32, #tpu.memory_space<vmem>>, vector<16xf32>,
      tpu.vector_store %arg10[%swap3A_404, %swap3A_405], %gather3A_358 {add = true, strides = array<i32>} : memref<64x256xf32, #tpu.memory_space<vmem>>, vector<16xf32>,
    }
    %scan3A_172 = arith.constant 32 : i32
    %add3A_173 = arith.constant 99 : i32
    %add3A_174 = arith.addi %mul3A_34, %add3A_173 : i32
    %dma_start3A_175 = arith.constant 0 : i32
    %dma_start3A_176 = tpu.memref_slice %arg5[%add3A_174, %dma_start3A_175, %mul3A_11] : memref<200x64x4096xf32, #tpu.memory_space<hbm>> -> memref<1x64x256xf32, #tpu.memory_space<hbm>>
    %dma_start3A_177 = tpu.memref_squeeze %dma_start3A_176 : memref<1x64x256xf32, #tpu.memory_space<hbm>> -> memref<64x256xf32, #tpu.memory_space<hbm>>
    %dma_start3A_178 = arith.constant 0 : i32
    %dma_start3A_179 = tpu.memref_slice %arg5[%add3A_174, %dma_start3A_178, %mul3A_11] : memref<200x64x4096xf32, #tpu.memory_space<hbm>> -> memref<1x64x256xf32, #tpu.memory_space<hbm>>
    %dma_start3A_180 = tpu.memref_squeeze %dma_start3A_179 : memref<1x64x256xf32, #tpu.memory_space<hbm>> -> memref<64x256xf32, #tpu.memory_space<hbm>>
    tpu.enqueue_dma source(%arg10 : memref<64x256xf32, #tpu.memory_space<vmem>>) target(%dma_start3A_180 : memref<64x256xf32, #tpu.memory_space<hbm>>) target_semaphore(%arg17 : memref<!tpu.dma_semaphore, #tpu.memory_space<semaphore_mem>>)
    %dma_wait3A_181 = arith.constant 0 : i32
    %dma_wait3A_182 = arith.constant 0 : i32
    %dma_wait3A_183 = arith.constant 0 : i32
    %dma_wait3A_184 = tpu.memref_slice %arg2[%dma_wait3A_181, %dma_wait3A_182, %dma_wait3A_183] : memref<200x64x4096xf32, #tpu.memory_space<hbm>> -> memref<1x64x256xf32, #tpu.memory_space<hbm>>
    %dma_wait3A_185 = tpu.memref_squeeze %dma_wait3A_184 : memref<1x64x256xf32, #tpu.memory_space<hbm>> -> memref<64x256xf32, #tpu.memory_space<hbm>>
    %dma_wait3A_186 = arith.constant 0 : i32
    %dma_wait3A_187 = arith.constant 0 : i32
    %dma_wait3A_188 = tpu.memref_slice %arg2[%dma_wait3A_181, %dma_wait3A_186, %dma_wait3A_187] : memref<200x64x4096xf32, #tpu.memory_space<hbm>> -> memref<1x64x256xf32, #tpu.memory_space<hbm>>
    %dma_wait3A_189 = tpu.memref_squeeze %dma_wait3A_188 : memref<1x64x256xf32, #tpu.memory_space<hbm>> -> memref<64x256xf32, #tpu.memory_space<hbm>>
    tpu.wait_dma2 semaphore(%arg17 : memref<!tpu.dma_semaphore, #tpu.memory_space<semaphore_mem>>) src(%dma_wait3A_189 : memref<64x256xf32, #tpu.memory_space<hbm>>) dst(%arg10 : memref<64x256xf32, #tpu.memory_space<vmem>>)
    %dma_wait3A_190 = arith.constant 0 : i32
    %dma_wait3A_191 = arith.constant 0 : i32
    %dma_wait3A_192 = arith.constant 0 : i32
    %dma_wait3A_193 = tpu.memref_slice %arg2[%dma_wait3A_190, %dma_wait3A_191, %dma_wait3A_192] : memref<200x64x4096xf32, #tpu.memory_space<hbm>> -> memref<1x64x256xf32, #tpu.memory_space<hbm>>
    %dma_wait3A_194 = tpu.memref_squeeze %dma_wait3A_193 : memref<1x64x256xf32, #tpu.memory_space<hbm>> -> memref<64x256xf32, #tpu.memory_space<hbm>>
    %dma_wait3A_195 = arith.constant 0 : i32
    %dma_wait3A_196 = arith.constant 0 : i32
    %dma_wait3A_197 = tpu.memref_slice %arg2[%dma_wait3A_190, %dma_wait3A_195, %dma_wait3A_196] : memref<200x64x4096xf32, #tpu.memory_space<hbm>> -> memref<1x64x256xf32, #tpu.memory_space<hbm>>
    %dma_wait3A_198 = tpu.memref_squeeze %dma_wait3A_197 : memref<1x64x256xf32, #tpu.memory_space<hbm>> -> memref<64x256xf32, #tpu.memory_space<hbm>>
    tpu.wait_dma2 semaphore(%arg19 : memref<!tpu.dma_semaphore, #tpu.memory_space<semaphore_mem>>) src(%dma_wait3A_198 : memref<64x256xf32, #tpu.memory_space<hbm>>) dst(%arg12 : memref<64x256xf32, #tpu.memory_space<vmem>>)
    %dma_wait3A_199 = arith.constant 0 : i32
    %dma_wait3A_200 = arith.constant 0 : i32
    %dma_wait3A_201 = arith.constant 0 : i32
    %dma_wait3A_202 = tpu.memref_slice %arg2[%dma_wait3A_199, %dma_wait3A_200, %dma_wait3A_201] : memref<200x64x4096xf32, #tpu.memory_space<hbm>> -> memref<1x64x256xf32, #tpu.memory_space<hbm>>
    %dma_wait3A_203 = tpu.memref_squeeze %dma_wait3A_202 : memref<1x64x256xf32, #tpu.memory_space<hbm>> -> memref<64x256xf32, #tpu.memory_space<hbm>>
    %dma_wait3A_204 = arith.constant 0 : i32
    %dma_wait3A_205 = arith.constant 0 : i32
    %dma_wait3A_206 = tpu.memref_slice %arg2[%dma_wait3A_199, %dma_wait3A_204, %dma_wait3A_205] : memref<200x64x4096xf32, #tpu.memory_space<hbm>> -> memref<1x64x256xf32, #tpu.memory_space<hbm>>
    %dma_wait3A_207 = tpu.memref_squeeze %dma_wait3A_206 : memref<1x64x256xf32, #tpu.memory_space<hbm>> -> memref<64x256xf32, #tpu.memory_space<hbm>>
    tpu.wait_dma2 semaphore(%arg18 : memref<!tpu.dma_semaphore, #tpu.memory_space<semaphore_mem>>) src(%dma_wait3A_207 : memref<64x256xf32, #tpu.memory_space<hbm>>) dst(%arg11 : memref<64x256xf32, #tpu.memory_space<vmem>>)
    return
  }
}

</mosaic_0001>

<sc_bundles>
// kernel: kernel.3.cloned.1.call-start
scs
__scs_entry_jumppad:
0x0: {  	(pc) =	sbr.rel $0x88, $3  }
0x1: {  	(tag) =	ssettag $0x0;
	lr =	simm.s32 $0x1  }
0x2: {  	[smem:$0x3F9E] =	sst lr;
	_ =	strace $0xD0000000  }
0x3: {  	_ = 	snop  }
0x4: {  	_ = 	snop  }
0x5: {  	_ = 	snop  }
0x6: {  	_ = 	snop  }
0x7: {  	_ = 	snop  }
__scs_overlays_trampoline_lowered:
0x8: {  	[smem:$0x3FAD] =	sst s0  }
0x9: {  	[smem:$0x3FAE] =	sst s1  }
0xa: {  	[smem:$0x3FAF] =	sst s2  }
0xb: {  	[smem:$0x3FB0] =	sst s3  }
0xc: {  	[smem:$0x3FB1] =	sst s4  }
0xd: {  	[smem:$0x3FB2] =	sst s5  }
0xe: {  	[smem:$0x3FB3] =	sst s6  }
0xf: {  	[smem:$0x3FB4] =	sst s7  }
0x10: {  	[smem:$0x3FB5] =	sst s8  }
0x11: {  	[smem:$0x3FB6] =	sst s9;
	s0 =	simm.s32 @!p0 $0x0  }
0x12: {  	s1 =	sld [smem:$0x3F9C];
	s0 =	simm.s32 @p0 $0x1  }
0x13: {  	[smem:$0x3FB7] =	sst s0;
	s0 =	simm.s32 @!p1 $0x0  }
0x14: {  	s2 =	sld [smem:$0x3F9B];
	s0 =	simm.s32 @p1 $0x1  }
0x15: {  	[smem:$0x3FB8] =	sst s0;
	s0 =	simm.s32 @!p2 $0x0  }
0x16: {  	s3 =	sld [smem:$0x3FDB];
	s0 =	simm.s32 @p2 $0x1  }
0x17: {  	s4 =	simm.s32 $0x1BF5;
	[smem:$0x3FBA] =	sst s0  }
0x18: {  	s0 =	sld [smem:$0x3F9D];
	_ =	swait.ge [sflag:s4], $0x0  }
0x19: {  	s7 =	sld [smem:$0x3F9E]  }
0x1a: {  	s8 =	sadd.s32 $0xFFFFE003, lr  }
0x1b: {  	s9 =	sadd.s32 $0xFFFFFEF7, lr;
	s5 =	simm.s32 $0xFFFFFFFF;
	p2 =	slt.u32 s8, $0xFFFFF086  }
0x1c: {  	p1 =	slt.u32 s9, $0xF7A;
	s5 =	simm.s32 @!p2 $0x0  }
0x1d: {  	s5 =	simm.s32 @p1 $0x1;
	p0 =	seq.s32 s7, s2  }
0x1e: {  	s7 =	smul.u32 @!p0 $0xF7A, s2;
	p2 =	seq.s32 @!p0 s5, $0x0  }
0x1f: {  	s9 =	smul.u32 $0xF7A, s1;
	s8 =	simm.s32 @!p0 $0x1BF5;
	p2 =	por !p2, p0  }
0x20: {  	[sflag:s8] =	ssyncset.s32 @!p0 $0xFFFFF086;
	s6 =	sadd.s32 @!p0 s3, s7;
	s7 =	simm.s32 @!p0 $0x108  }
0x21: {  	s3 =	sadd.s32 s3, s9;
	s6 =	sadd.s32 @!p0 $0x88, s6;
	s7 =	simm.s32 @p2 $0x1082  }
0x22: {  	[simem:s7], [sflag:s8] =	dma.local @!p0 [hbm:s6], $0xF7A  }
0x23: {  	s9 =	sor.u32 $0xD0000000, s2;
	s6 =	simm.s32 $0x108;
	_ =	swait.ge @!p0 [sflag:s8], $0x0  }
0x24: {  	s3 =	sadd.s32 $0x88, s3;
	s6 =	simm.s32 @!p1 $0x1082;
	[sflag:s4] =	ssyncset.s32 $0xFFFFF086  }
0x25: {  	[simem:s6], [sflag:s4] =	dma.local [hbm:s3], $0xF7A  }
0x26: {  	[smem:$0x3F9E] =	sst s1;
	(tag) =	ssettag s2;
	_ =	strace s9  }
0x27: {  	s1 =	sld [smem:$0x3FAE]  }
0x28: {  	s2 =	sld [smem:$0x3FAF]  }
0x29: {  	s4 =	sld [smem:$0x3FB1]  }
0x2a: {  	p0 =	seq.s32 s5, $0x0;
	s5 =	sld [smem:$0x3FB2]  }
0x2b: {  	s6 =	sld [smem:$0x3FB3]  }
0x2c: {  	s7 =	sld [smem:$0x3FB4]  }
0x2d: {  	s3 =	simm.s32 $0x108;
	s8 =	sld [smem:$0x3FB5]  }
0x2e: {  	s3 =	simm.s32 @!p0 $0x1082;
	s9 =	sld [smem:$0x3FB6]  }
0x2f: {  	lr =	sadd.s32 s0, s3;
	s0 =	sld [smem:$0x3FAD]  }
0x30: {  	s3 =	sld [smem:$0x3FB0]  }
0x31: {  	[smem:$0x3FB9] =	sst s10  }
0x32: {  	s10 =	sld [smem:$0x3FB7];
	_ =	sdelay $0x3  }
0x33: {  	p0 =	seq.s32 s10, $0x1;
	s10 =	sld [smem:$0x3FB9];
	_ =	sdelay $0x3  }
0x34: {  	[smem:$0x3FB9] =	sst s10  }
0x35: {  	s10 =	sld [smem:$0x3FB8];
	_ =	sdelay $0x3  }
0x36: {  	p1 =	seq.s32 s10, $0x1;
	s10 =	sld [smem:$0x3FB9];
	_ =	sdelay $0x3  }
0x37: {  	[smem:$0x3FB9] =	sst s10  }
0x38: {  	s10 =	sld [smem:$0x3FBA]  }
0x39: {  	_ = 	snop;
	(pc) =	sbr.ind lr, $3  }
0x3a: {  	_ = 	snop  }
0x3b: {  	_ = 	snop  }
0x3c: {  	p2 =	seq.s32 s10, $0x1;
	s10 =	sld [smem:$0x3FB9]  }
0x3d: {  	_ =	shalt  }
0x3e: {  	_ =	shalt  }
0x3f: {  	_ =	shalt  }
0x40: {  	_ =	shalt  }
0x41: {  	_ =	shalt  }
0x42: {  	_ =	shalt  }
0x43: {  	_ =	shalt  }
0x44: {  	_ =	shalt  }
0x45: {  	_ =	shalt  }
0x46: {  	_ =	shalt  }
0x47: {  	_ =	shalt  }
0x48: {  	_ =	shalt  }
0x49: {  	_ =	shalt  }
0x4a: {  	_ =	shalt  }
0x4b: {  	_ =	shalt  }
0x4c: {  	_ =	shalt  }
0x4d: {  	_ =	shalt  }
0x4e: {  	_ =	shalt  }
0x4f: {  	_ =	shalt  }
0x50: {  	_ =	shalt  }
0x51: {  	_ =	shalt  }
0x52: {  	_ =	shalt  }
0x53: {  	_ =	shalt  }
0x54: {  	_ =	shalt  }
0x55: {  	_ =	shalt  }
0x56: {  	_ =	shalt  }
0x57: {  	_ =	shalt  }
0x58: {  	_ =	shalt  }
0x59: {  	_ =	shalt  }
0x5a: {  	_ =	shalt  }
0x5b: {  	_ =	shalt  }
0x5c: {  	_ =	shalt  }
0x5d: {  	_ =	shalt  }
0x5e: {  	_ =	shalt  }
0x5f: {  	_ =	shalt  }
0x60: {  	_ =	shalt  }
0x61: {  	_ =	shalt  }
0x62: {  	_ =	shalt  }
0x63: {  	_ =	shalt  }
0x64: {  	_ =	shalt  }
0x65: {  	_ =	shalt  }
0x66: {  	_ =	shalt  }
0x67: {  	_ =	shalt  }
0x68: {  	_ =	shalt  }
0x69: {  	_ =	shalt  }
0x6a: {  	_ =	shalt  }
0x6b: {  	_ =	shalt  }
0x6c: {  	_ =	shalt  }
0x6d: {  	_ =	shalt  }
0x6e: {  	_ =	shalt  }
0x6f: {  	_ =	shalt  }
0x70: {  	_ =	shalt  }
0x71: {  	_ =	shalt  }
0x72: {  	_ =	shalt  }
0x73: {  	_ =	shalt  }
0x74: {  	_ =	shalt  }
0x75: {  	_ =	shalt  }
0x76: {  	_ =	shalt  }
0x77: {  	_ =	shalt  }
0x78: {  	_ =	shalt  }
0x79: {  	_ =	shalt  }
0x7a: {  	_ =	shalt  }
0x7b: {  	_ =	shalt  }
0x7c: {  	_ =	shalt  }
0x7d: {  	_ =	shalt  }
0x7e: {  	_ =	shalt  }
0x7f: {  	_ =	shalt  }
0x80: {  	_ =	shalt  }
0x81: {  	_ =	shalt  }
0x82: {  	_ =	shalt  }
0x83: {  	_ =	shalt  }
0x84: {  	_ =	shalt  }
0x85: {  	_ =	shalt  }
0x86: {  	_ =	shalt  }
0x87: {  	_ =	shalt  }
.Lfunc_end0:
.L_simem_size_0:
called_computation_lowered:
.L_overlay_start_0:
0x88: {  	s2 =	sld [smem:$0x3FD9]  }
0x89: {  	s3 =	sld [smem:$0x3FFE];
	_ =	sdelay $0x1  }
0x8a: {  	s1 =	srdreg.scid  }
0x8b: {  	s0 =	sand.u32 $0x1, s1  }
0x8c: {  	s17 =	sshll.u32 s0, $0xA;
	s2 =	sadd.s32 s3, s2  }
0x8d: {  	s2 =	sadd.s32 s2, s17  }
0x8e: {  	[smem:$0x3FC5] =	sst s2  }
0x8f: {  	_ = 	snop  }
0x90: {  	s2 =	sld [smem:$0x3FC9]  }
0x91: {  	s18 =	sld [smem:$0x3FD0];
	(tm) =	ssettm $0x1  }
0x92: {  	s4 =	sld [smem:$0x3FFB];
	_ =	sdelay $0x3  }
0x93: {  	_ =	strace s4  }
0x94: {  	s4 =	sld [smem:$0x3FFC];
	_ =	sdelay $0x3  }
0x95: {  	_ =	strace s4  }
0x96: {  	s4 =	sld [smem:$0x3FFD];
	_ =	sdelay $0x3  }
0x97: {  	_ =	strace s4  }
0x98: {  	_ =	strace $0x8FFFFFFF  }
0x99: {  	s19 =	sld [smem:$0x3FDB];
	_ =	sdelay $0x1  }
0x9a: {  	s5 =	simm.s32 $_scs_section_size  }
0x9b: {  	s6 =	simm.s32 $_size__tile_overlayer_lowered;
	s7 =	simm.s32 $_tile_overlayer_lowered  }
0x9c: {  	s22 =	simm.s32 $0x1BFF;
	s21 =	sshll.u32 s7, $0x1;
	s4 =	sadd.s32 s5, s19  }
0x9d: {  	s8 =	simm.s32 $0x0;
	s20 =	sshll.u32 s6, $0x1;
	s6 =	sadd.s32 s21, s4  }
0x9e: {  	[timem:s8], [sflag:s22] =	dma.local [hbm:s6], s20  }
0x9f: {  	_ =	swait.ge [sflag:s22], s20  }
0xa0: {  	s5 =	ssub.s32 $0x0, s20;
	[sflag:s22] =	ssyncset.done $0x0  }
0xa1: {  	[sflag:s22] =	ssyncadd.s32 s5;
	_ =	sdelay $0x1  }
0xa2: {  	s23 =	simm.s32 $0x1B8B  }
0xa3: {  	_ =	swait.ge [sflag:s23], $0x1  }
0xa4: {  	[sflag:s23] =	ssyncset.done $0x0  }
0xa5: {  	s25 =	simm.s32 $0x1B8E;
	s24 =	sld [smem:$0x3FFE];
	[sflag:s23] =	ssyncadd.s32 $0xFFFFFFFF  }
0xa6: {  	s26 =	simm.s32 $execute0_lowered;
	[smem:$0x3FD2] =	sst s25  }
0xa7: {  	s6 =	sshll.u32 s26, $0x1;
	_ =	strace $0x80000046;
	[dreg:$0x1] =	wrdreg $0xFFFFFFFF  }
0xa8: {  	s28 =	simm.s32 $_size_execute0_lowered;
	s4 =	sadd.s32 s4, s6;
	[dreg:$0x0] =	wrdreg $0x0  }
0xa9: {  	s6 =	sshll.u32 s28, $0x1;
	[dreg:$0x2] =	wrdreg s4  }
0xaa: {  	[dreg:$0x3] =	wrdreg s6  }
0xab: {  	[dreg:$0x4] =	wrdreg $0xC0  }
0xac: {  	_ =	task [dreg:s8], $0x5FFFF  }
0xad: {  	[dreg:$0x1] =	wrdreg $0xFFFFFFFF  }
0xae: {  	[dreg:$0x0] =	wrdreg $0x60  }
0xaf: {  	[dreg:$0x2] =	wrdreg s2  }
0xb0: {  	[dreg:$0x3] =	wrdreg s24  }
0xb1: {  	[dreg:$0x4] =	wrdreg s18  }
0xb2: {  	[dreg:$0x5] =	wrdreg $0x9  }
0xb3: {  	_ =	task.clear_ibuf [dreg:s8], $0x6FFFF;
	_ =	strace $0x90000046  }
0xb4: {  	s29 =	simm.s32 $0x9;
	_ =	strace $0x80000048  }
0xb5: {  	_ =	swait.ge [sflag:s29], $0x1  }
0xb6: {  	[sflag:s29] =	ssyncadd.s32 $0xFFFFFFFF  }
0xb7: {  	_ =	strace $0x90000048  }
0xb8: {  	_ =	sfence  }
0xb9: {  	s30 =	sld [smem:$0x0];
	_ =	sdelay $0x2  }
0xba: {  	s31 =	sshll.u32 s1, $0xD;
	s1 =	sshrl.u32 s1, $0x2  }
0xbb: {  	s3 =	sand.u32 $0x4000, s31;
	s1 =	sadd.s32 s1, s30  }
0xbc: {  	s0 =	sor.u32 s3, s0;
	s1 =	sshll.u32 s1, $0x11  }
0xbd: {  	s0 =	sor.u32 s1, s0  }
0xbe: {  	s0 =	sadd.s32 $0x8F2B, s0  }
0xbf: {  	[sflag:s0] =	ssyncadd.remote.s32 $0x1  }
0xc0: {  	_ =	sfence.sel $0xFFFF  }
0xc1: {  	[dreg:$0x0] =	wrdreg $0xFFFFFFFF;
	(pc) =	sbr.abs _section_cstart, $3  }
0xc2: {  	[dreg:$0x1] =	wrdreg $0xFFFFFFFF  }
0xc3: {  	_ =	task.clear_ibuf [dreg:s8], $0x2FFFF;
	_ =	strace $0x9FFFFFFF  }
0xc4: {  	(tm) =	ssettm $0x7FFFFFFF  }
0xc5: {  	_ =	shalt  }
tec
execute0_lowered:
.L_overlay_start_1:
0x0: {  	(tag) =	ssettag $0x1  }
0x1: {  	s0 =	rddreg [dreg:$0x0]  }
0x2: {  	s2 =	rddreg [dreg:$0x1]  }
0x3: {  	s4 =	rddreg [dreg:$0x2];
	s1 =	simm.s32 $0x0;
	s6 =	stileid.u32  }
0x4: {  	s13 =	srdreg.scid;
	s28 =	simm.s32 $0xF480;
	s30 =	simm.s32 $0x2  }
0x5: {  	[smem:$0x7FF] =	sst s1;
	s3 =	sadd.s32 $0x1400, s2;
	s7 =	sshrl.u32 s6, $0x3  }
0x6: {  	s2 =	sadd.s32 $0x400, s2;
	s5 =	sshll.u32 s6, $0x1;
	s8 =	smul.u32 $0x320000, s7  }
0x7: {  	_ =	strace $0x80000047;
	[dreg:$0x4] =	wrdreg s2;
	s10 =	smul.u32 $0x64000, s7  }
0x8: {  	s2 =	sand.u32 $0x1, s13;
	s5 =	sand.u32 $0xE, s5;
	s6 =	smul.u32 $0x64, s7  }
0x9: {  	s7 =	smul.u32 $0x1900000, s7;
	s9 =	ssub.s32 $0x2, s2;
	s2 =	sor.u32 s2, s5  }
0xa: {  	s31 =	simm.s32 $0x3;
	s11 =	sshrl.u32 s9, $0x1;
	s5 =	sshll.u32 s2, $0x8  }
0xb: {  	s8 =	sadd.s32 s0, s8;
	s22 =	sor.u32 $0x2, s6;
	s26 =	sshrl.u32 s7, $0x3  }
0xc: {  	s16 =	sor.u32 $0x3, s6;
	s17 =	sadd.s32 $0x4, s6;
	s2 =	simm.s32 $0x4  }
0xd: {  	s14 =	ssub.s32 s9, s11;
	s18 =	sor.u32 s10, s5;
	s8 =	sadd.s32 s5, s8  }
0xe: {  	s10 =	sadd.s32 s0, s5;
	s23 =	sshll.u32 s22, $0xC;
	s11 =	sshll.u32 s22, $0xF  }
0xf: {  	s15 =	sadd.s32 s4, s5;
	s22 =	simm.s32 $0x8000;
	s4 =	simm.s32 $0x6  }
0x10: {  	[dreg:$0x5] =	wrdreg s8;
	s9 =	sshrl.u32 s18, $0x3;
	s8 =	sor.u32 $0x1, s6  }
0x11: {  	s24 =	sadd.s32 s11, s10;
	s29 =	smax.u32 s14, $0x1;
	s9 =	sadd.s32 s3, s9  }
0x12: {  	s19 =	sshll.u32 s8, $0xF;
	s20 =	sshll.u32 s8, $0xC;
	[dreg:$0x9] =	wrdreg s24  }
0x13: {  	[dreg:$0x6] =	wrdreg s9;
	s21 =	sor.u32 s5, s20;
	s9 =	sadd.s32 s19, s10  }
0x14: {  	[dreg:$0x7] =	wrdreg s9;
	s0 =	sshrl.u32 s21, $0x3;
	s9 =	sor.u32 s5, s23  }
0x15: {  	[dreg:$0xc] =	wrdreg s29;
	s0 =	sadd.s32 s3, s0;
	s25 =	sshrl.u32 s9, $0x3  }
0x16: {  	s24 =	simm.s32 $0x7180;
	[dreg:$0x8] =	wrdreg s0;
	s0 =	sadd.s32 s3, s25  }
0x17: {  	s21 =	simm.s32 $0x800;
	[dreg:$0xa] =	wrdreg s0;
	s0 =	sadd.s32 s15, s26  }
0x18: {  	s23 =	simm.s32 $0x7480;
	s9 =	simm.s32 $0x0;
	s0 =	sadd.s32 $0x318000, s0  }
0x19: {  	s25 =	simm.s32 $0xB480;
	[dreg:$0xb] =	wrdreg s0;
	s0 =	simm.s32 $0x5  }
.LBB2_1:
0x1a: {  	[dreg:$0xd] =	wrdreg s9  }
0x1b: {  	s7 =	rddreg [dreg:$0x4];
	s11 =	simm.s32 $0x1  }
0x1c: {  	[tilespmem:s1], [sflag:$0x1] =	stream.linear.gather [hbm4b:s7+s1], $0x7180, $0x38;
	[tilespmem:$0x13480] =	vst v63  }
0x1d: {  	_ =	swait.ge [sflag:s11], $0x7180  }
0x1e: {  	[sflag:s11] =	ssyncset.done $0x0  }
0x1f: {  	s12 =	rddreg [dreg:$0x5];
	[sflag:s11] =	ssyncadd.s32 $0xFFFF8E80  }
0x20: {  	[tilespmem:s23], [sflag:$0x2] =	stream.strided.gather [hbm4b:s12+s21], $0x4000, s22, s21, $0x38;
	[tilespmem:$0x13480] =	vst v63  }
0x21: {  	s13 =	rddreg [dreg:$0x6]  }
0x22: {  	[tilespmem:s24], [sflag:$0x2] =	stream.linear.gather [hbm4b:s13+s1], $0x100, $0x38;
	[tilespmem:$0x13480] =	vst v63  }
0x23: {  	s14 =	rddreg [dreg:$0x7]  }
0x24: {  	[tilespmem:s25], [sflag:$0x3] =	stream.strided.gather [hbm4b:s14+s21], $0x4000, s22, s21, $0x38;
	[tilespmem:$0x13480] =	vst v63  }
0x25: {  	s19 =	simm.s32 $0x7280;
	s18 =	rddreg [dreg:$0x8]  }
0x26: {  	[tilespmem:s19], [sflag:$0x3] =	stream.linear.gather [hbm4b:s18+s1], $0x100, $0x38;
	[tilespmem:$0x13480] =	vst v63  }
0x27: {  	s20 =	rddreg [dreg:$0x9]  }
0x28: {  	[tilespmem:s28], [sflag:$0x4] =	stream.strided.gather [hbm4b:s20+s21], $0x4000, s22, s21, $0x38;
	[tilespmem:$0x13480] =	vst v63  }
0x29: {  	s29 =	simm.s32 $0x7380;
	s9 =	simm.s32 $0x0;
	s26 =	rddreg [dreg:$0xa]  }
0x2a: {  	[tilespmem:s29], [sflag:$0x4] =	stream.linear.gather [hbm4b:s26+s1], $0x100, $0x38;
	[tilespmem:$0x13480] =	vst v63  }
.LBB2_2:
0x2b: {  	_ =	swait.ge [sflag:s30], $0x4000  }
0x2c: {  	[sflag:s30] =	ssyncset.done $0x0  }
0x2d: {  	[sflag:s30] =	ssyncadd.s32 $0xFFFFC000  }
0x2e: {  	_ =	swait.ge [sflag:s30], $0x100  }
0x2f: {  	[sflag:s30] =	ssyncset.done $0x0  }
0x30: {  	[sflag:s30] =	ssyncadd.s32 $0xFFFFFF00  }
0x31: {  	v5 =	vld [tilespmem:$0x7180]  }
0x32: {  	v8 =	vld [tilespmem:$0x7190]  }
0x33: {  	v6 =	vld [tilespmem:$0x71A0]  }
0x34: {  	v7 =	vld [tilespmem:$0x71B0]  }
0x35: {  	v4 =	vld [tilespmem:$0x71C0]  }
0x36: {  	v0 =	vld [tilespmem:$0x7260]  }
0x37: {  	v2 =	vld [tilespmem:$0x7220]  }
0x38: {  	v3 =	vld [tilespmem:$0x7200]  }
0x39: {  	v9 =	vld [tilespmem:$0x71F0]  }
0x3a: {  	v14 =	vld [tilespmem:$0x71D0]  }
0x3b: {  	v15 =	vld [tilespmem:$0x71E0];
	v1 =	vmul.u32 $0x41, v0  }
0x3c: {  	v12 =	vld [tilespmem:$0x7210];
	v2 =	vmul.u32 $0x41, v2  }
0x3d: {  	v13 =	vld [tilespmem:$0x7230];
	v0 =	vmul.u32 $0x41, v3  }
0x3e: {  	v11 =	vld [tilespmem:$0x7270];
	v3 =	vmul.u32 $0x41, v9  }
0x3f: {  	v16 =	vld [tilespmem:$0x7240];
	v4 =	vmul.u32 $0x41, v4  }
0x40: {  	v17 =	vld [tilespmem:$0x7250];
	v7 =	vmul.u32 $0x41, v7  }
0x41: {  	v10 =	vmul.u32 $0x41, v6;
	v25 =	vld.idx.msk [tilespmem:v1+s1+$0x0], $0xffff  }
0x42: {  	v9 =	vmul.u32 $0x41, v5;
	v32 =	vld.idx.msk [tilespmem:v2+s1+$0x0], $0xffff  }
0x43: {  	v6 =	vmul.u32 $0x41, v11;
	v34 =	vld.idx.msk [tilespmem:v0+s1+$0x0], $0xffff  }
0x44: {  	v11 =	vmul.u32 $0x41, v8;
	v19 =	vld.idx.msk [tilespmem:v3+s1+$0x0], $0xffff  }
0x45: {  	v5 =	vmul.u32 $0x41, v12;
	v18 =	vld.idx.msk [tilespmem:v4+s1+$0x0], $0xffff  }
0x46: {  	v13 =	vmul.u32 $0x41, v13;
	v20 =	vld.idx.msk [tilespmem:v7+s1+$0x0], $0xffff  }
0x47: {  	v8 =	vmul.u32 $0x41, v16;
	v16 =	vld.idx.msk [tilespmem:v10+s1+$0x0], $0xffff  }
0x48: {  	v12 =	vmul.u32 $0x41, v17;
	v17 =	vld.idx.msk [tilespmem:v9+s1+$0x0], $0xffff  }
0x49: {  	v14 =	vmul.u32 $0x41, v14;
	v30 =	vld.idx.msk [tilespmem:v6+s1+$0x0], $0xffff  }
0x4a: {  	v15 =	vmul.u32 $0x41, v15;
	v21 =	vld.idx.msk [tilespmem:v11+s1+$0x0], $0xffff  }
0x4b: {  	v36 =	vld.idx.msk [tilespmem:v5+s1+$0x0], $0xffff  }
0x4c: {  	v33 =	vld.idx.msk [tilespmem:v13+s1+$0x0], $0xffff  }
0x4d: {  	s11 =	simm.s32 $0x0;
	v28 =	vld.idx.msk [tilespmem:v8+s1+$0x0], $0xffff  }
0x4e: {  	s7 =	sand.u32 $0x3800, s11;
	v22 =	vld.idx.msk [tilespmem:v12+s1+$0x0], $0xffff  }
0x4f: {  	s12 =	sand.u32 $0x300, s11;
	s13 =	sadd.s32 $0x7480, s7;
	v23 =	vld.idx.msk [tilespmem:v14+s1+$0x0], $0xffff  }
0x50: {  	s7 =	sor.u32 s12, s13;
	v24 =	vld.idx.msk [tilespmem:v15+s1+$0x0], $0xffff  }
0x51: {  	s12 =	sor.u32 $0x10, s7;
	[tilespmem:s7+$0x0] =	vst.add.f32.msk $0xffff, v17  }
0x52: {  	s14 =	sor.u32 $0x20, s7;
	[tilespmem:s12+$0x0] =	vst.add.f32.msk $0xffff, v21  }
0x53: {  	s18 =	sor.u32 $0x30, s7;
	[tilespmem:s14+$0x0] =	vst.add.f32.msk $0xffff, v16  }
0x54: {  	s19 =	sor.u32 $0x40, s7;
	[tilespmem:s18+$0x0] =	vst.add.f32.msk $0xffff, v20  }
0x55: {  	s20 =	sor.u32 $0x50, s7;
	[tilespmem:s19+$0x0] =	vst.add.f32.msk $0xffff, v18  }
0x56: {  	s26 =	sor.u32 $0x60, s7;
	[tilespmem:s20+$0x0] =	vst.add.f32.msk $0xffff, v23  }
0x57: {  	s29 =	sor.u32 $0x70, s7;
	[tilespmem:s26+$0x0] =	vst.add.f32.msk $0xffff, v24  }
0x58: {  	v26 =	vadd.s32 $0x2, v2;
	v27 =	vadd.s32 $0x2, v13;
	v29 =	vadd.s32 $0x2, v12;
	[tilespmem:s29+$0x0] =	vst.add.f32.msk $0xffff, v19  }
0x59: {  	v31 =	vadd.s32 $0x2, v6;
	v43 =	vadd.s32 s11, v26;
	v17 =	vadd.s32 $0x2, v11;
	[tilespmem:s7+$0x450] =	vst.add.f32.msk $0xffff, v22  }
0x5a: {  	v21 =	vadd.s32 $0x2, v14;
	v16 =	vadd.s32 $0x2, v9;
	v20 =	vadd.s32 $0x2, v4;
	[tilespmem:s7+$0x460] =	vst.add.f32.msk $0xffff, v25  }
0x5b: {  	v41 =	vadd.s32 s11, v21;
	v18 =	vadd.s32 $0x2, v10;
	v49 =	vadd.s32 s11, v20;
	s20 =	simm.s32 $0x1;
	[tilespmem:s7+$0x440] =	vst.add.f32.msk $0xffff, v28  }
0x5c: {  	v23 =	vadd.s32 $0x2, v3;
	v24 =	vadd.s32 $0x2, v0;
	v39 =	vadd.s32 s20, v13;
	[tilespmem:s7+$0x470] =	vst.add.f32.msk $0xffff, v30  }
0x5d: {  	v40 =	vadd.s32 s20, v3;
	v47 =	vadd.s32 s20, v11;
	v46 =	vadd.s32 s20, v1;
	[tilespmem:s7+$0x430] =	vst.add.f32.msk $0xffff, v33  }
0x5e: {  	v55 =	vadd.s32 s20, v2;
	v51 =	vadd.s32 s20, v14;
	v50 =	vadd.s32 s20, v15;
	[tilespmem:s7+$0x420] =	vst.add.f32.msk $0xffff, v32  }
0x5f: {  	v44 =	vadd.s32 s11, v23;
	v52 =	vadd.s32 s20, v4;
	v53 =	vadd.s32 s20, v7;
	[tilespmem:s7+$0x400] =	vst.add.f32.msk $0xffff, v34  }
0x60: {  	v54 =	vadd.s32 s20, v10;
	v19 =	vadd.s32 $0x2, v7;
	v45 =	vadd.s32 s11, v24;
	[tilespmem:s7+$0x410] =	vst.add.f32.msk $0xffff, v36  }
0x61: {  	v22 =	vadd.s32 $0x2, v15;
	v25 =	vadd.s32 $0x2, v5;
	v28 =	vadd.s32 $0x2, v8;
	v36 =	vld.idx.msk [tilespmem:v39+s1+$0x0], $0xffff  }
0x62: {  	v30 =	vadd.s32 $0x2, v1;
	v33 =	vadd.s32 s11, v31;
	v32 =	vadd.s32 s11, v29;
	v42 =	vld.idx.msk [tilespmem:v40+s1+$0x0], $0xffff  }
0x63: {  	s12 =	simm.s32 $0x80;
	v34 =	vadd.s32 s11, v27;
	v48 =	vadd.s32 s11, v19;
	v38 =	vadd.s32 s11, v30;
	v39 =	vld.idx.msk [tilespmem:v46+s1+$0x0], $0xffff  }
0x64: {  	s14 =	simm.s32 $0x2;
	s18 =	simm.s32 $0x0;
	s19 =	simm.s32 $0x0;
	v35 =	vadd.s32 s11, v28;
	v37 =	vadd.s32 s11, v25;
	v40 =	vadd.s32 s11, v22;
	v46 =	vld.idx.msk [tilespmem:v55+s1+$0x0], $0xffff  }
.LBB2_3:
0x65: {  	p0 =	sne.s32 s14, $0x3E;
	v55 =	vadd.s32 s11, v16;
	v56 =	vadd.s32 s11, v17;
	v57 =	vadd.s32 s11, v18;
	v51 =	vld.idx.msk [tilespmem:v51+s1+$0x0], $0xffff;
	s18 =	sadd.s32 $0x100, s18;
	s19 =	sadd.s32 $0x200, s19  }
0x66: {  	v58 =	vadd.s32 s20, v9;
	s11 =	smov.u32 s14;
	s14 =	sadd.s32 $0x2, s14;
	s7 =	sadd.s32 $0x80, s18;
	v50 =	vld.idx.msk [tilespmem:v50+s1+$0x0], $0xffff  }
0x67: {  	v59 =	vadd.s32 s20, v12;
	v52 =	vld.idx.msk [tilespmem:v52+s1+$0x0], $0xffff  }
0x68: {  	v60 =	vadd.s32 s20, v6;
	v53 =	vld.idx.msk [tilespmem:v53+s1+$0x0], $0xffff  }
0x69: {  	v61 =	vadd.s32 s20, v0;
	v54 =	vld.idx.msk [tilespmem:v54+s1+$0x0], $0xffff  }
0x6a: {  	v62 =	vadd.s32 s20, v5;
	v47 =	vld.idx.msk [tilespmem:v47+s1+$0x0], $0xffff  }
0x6b: {  	v63 =	vadd.s32 s20, v8;
	v58 =	vld.idx.msk [tilespmem:v58+s1+$0x0], $0xffff  }
0x6c: {  	v59 =	vld.idx.msk [tilespmem:v59+s1+$0x0], $0xffff  }
0x6d: {  	v60 =	vld.idx.msk [tilespmem:v60+s1+$0x0], $0xffff  }
0x6e: {  	v61 =	vld.idx.msk [tilespmem:v61+s1+$0x0], $0xffff  }
0x6f: {  	s20 =	sand.u32 $0x380, s12;
	s12 =	smov.u32 s7;
	v62 =	vld.idx.msk [tilespmem:v62+s1+$0x0], $0xffff  }
0x70: {  	s7 =	sadd.s32 s20, s13;
	v63 =	vld.idx.msk [tilespmem:v63+s1+$0x0], $0xffff  }
0x71: {  	s13 =	sor.u32 $0x10, s7;
	[tilespmem:s7+$0x0] =	vst.add.f32.msk $0xffff, v58  }
0x72: {  	[tilespmem:s13+$0x0] =	vst.add.f32.msk $0xffff, v47;
	s13 =	sor.u32 $0x20, s7  }
0x73: {  	[tilespmem:s13+$0x0] =	vst.add.f32.msk $0xffff, v54;
	s13 =	sor.u32 $0x30, s7  }
0x74: {  	[tilespmem:s13+$0x0] =	vst.add.f32.msk $0xffff, v53;
	s13 =	sor.u32 $0x40, s7  }
0x75: {  	[tilespmem:s13+$0x0] =	vst.add.f32.msk $0xffff, v52;
	s13 =	sor.u32 $0x50, s7  }
0x76: {  	[tilespmem:s13+$0x0] =	vst.add.f32.msk $0xffff, v51;
	s13 =	sor.u32 $0x60, s7  }
0x77: {  	[tilespmem:s13+$0x0] =	vst.add.f32.msk $0xffff, v50;
	s13 =	sor.u32 $0x70, s7  }
0x78: {  	[tilespmem:s13+$0x0] =	vst.add.f32.msk $0xffff, v42  }
0x79: {  	[tilespmem:s7+$0x400] =	vst.add.f32.msk $0xffff, v61  }
0x7a: {  	[tilespmem:s7+$0x410] =	vst.add.f32.msk $0xffff, v62  }
0x7b: {  	[tilespmem:s7+$0x420] =	vst.add.f32.msk $0xffff, v46  }
0x7c: {  	[tilespmem:s7+$0x430] =	vst.add.f32.msk $0xffff, v36  }
0x7d: {  	[tilespmem:s7+$0x440] =	vst.add.f32.msk $0xffff, v63  }
0x7e: {  	[tilespmem:s7+$0x450] =	vst.add.f32.msk $0xffff, v59  }
0x7f: {  	[tilespmem:s7+$0x460] =	vst.add.f32.msk $0xffff, v39  }
0x80: {  	[tilespmem:s7+$0x470] =	vst.add.f32.msk $0xffff, v60  }
0x81: {  	v36 =	vld.idx.msk [tilespmem:v38+s1+$0x0], $0xffff  }
0x82: {  	v38 =	vld.idx.msk [tilespmem:v43+s1+$0x0], $0xffff  }
0x83: {  	v39 =	vld.idx.msk [tilespmem:v45+s1+$0x0], $0xffff  }
0x84: {  	v42 =	vld.idx.msk [tilespmem:v44+s1+$0x0], $0xffff  }
0x85: {  	v43 =	vld.idx.msk [tilespmem:v49+s1+$0x0], $0xffff  }
0x86: {  	v44 =	vld.idx.msk [tilespmem:v48+s1+$0x0], $0xffff  }
0x87: {  	v45 =	vld.idx.msk [tilespmem:v57+s1+$0x0], $0xffff  }
0x88: {  	v46 =	vld.idx.msk [tilespmem:v55+s1+$0x0], $0xffff  }
0x89: {  	v33 =	vld.idx.msk [tilespmem:v33+s1+$0x0], $0xffff  }
0x8a: {  	v47 =	vld.idx.msk [tilespmem:v56+s1+$0x0], $0xffff  }
0x8b: {  	v37 =	vld.idx.msk [tilespmem:v37+s1+$0x0], $0xffff  }
0x8c: {  	v34 =	vld.idx.msk [tilespmem:v34+s1+$0x0], $0xffff  }
0x8d: {  	v35 =	vld.idx.msk [tilespmem:v35+s1+$0x0], $0xffff  }
0x8e: {  	s7 =	sand.u32 $0x3800, s19;
	v32 =	vld.idx.msk [tilespmem:v32+s1+$0x0], $0xffff  }
0x8f: {  	s20 =	sand.u32 $0x300, s18;
	s13 =	sadd.s32 $0x7480, s7;
	v41 =	vld.idx.msk [tilespmem:v41+s1+$0x0], $0xffff  }
0x90: {  	s7 =	sor.u32 s20, s13;
	v40 =	vld.idx.msk [tilespmem:v40+s1+$0x0], $0xffff  }
0x91: {  	s20 =	sor.u32 $0x10, s7;
	[tilespmem:s7+$0x0] =	vst.add.f32.msk $0xffff, v46  }
0x92: {  	[tilespmem:s20+$0x0] =	vst.add.f32.msk $0xffff, v47;
	s20 =	sor.u32 $0x20, s7  }
0x93: {  	[tilespmem:s20+$0x0] =	vst.add.f32.msk $0xffff, v45;
	s20 =	sor.u32 $0x30, s7  }
0x94: {  	[tilespmem:s20+$0x0] =	vst.add.f32.msk $0xffff, v44;
	s20 =	sor.u32 $0x40, s7  }
0x95: {  	[tilespmem:s20+$0x0] =	vst.add.f32.msk $0xffff, v43;
	s20 =	sor.u32 $0x50, s7  }
0x96: {  	[tilespmem:s20+$0x0] =	vst.add.f32.msk $0xffff, v41;
	s20 =	sor.u32 $0x60, s7  }
0x97: {  	[tilespmem:s20+$0x0] =	vst.add.f32.msk $0xffff, v40;
	s20 =	sor.u32 $0x70, s7  }
0x98: {  	[tilespmem:s20+$0x0] =	vst.add.f32.msk $0xffff, v42  }
0x99: {  	[tilespmem:s7+$0x450] =	vst.add.f32.msk $0xffff, v32  }
0x9a: {  	[tilespmem:s7+$0x460] =	vst.add.f32.msk $0xffff, v36  }
0x9b: {  	s20 =	sadd.s32 $0x1, s11;
	[tilespmem:s7+$0x440] =	vst.add.f32.msk $0xffff, v35  }
0x9c: {  	v47 =	vadd.s32 s20, v11;
	v36 =	vadd.s32 s20, v13;
	[tilespmem:s7+$0x470] =	vst.add.f32.msk $0xffff, v33  }
0x9d: {  	v40 =	vadd.s32 s20, v3;
	[tilespmem:s7+$0x430] =	vst.add.f32.msk $0xffff, v34  }
0x9e: {  	v46 =	vadd.s32 s20, v1;
	v33 =	vadd.s32 s11, v31;
	[tilespmem:s7+$0x420] =	vst.add.f32.msk $0xffff, v38  }
0x9f: {  	v32 =	vadd.s32 s11, v29;
	v55 =	vadd.s32 s20, v2;
	v38 =	vadd.s32 s11, v30;
	[tilespmem:s7+$0x400] =	vst.add.f32.msk $0xffff, v39  }
.Ltmp0:
0xa0: {  	v51 =	vadd.s32 s20, v14;
	v35 =	vadd.s32 s11, v28;
	v34 =	vadd.s32 s11, v27;
	[tilespmem:s7+$0x410] =	vst.add.f32.msk $0xffff, v37;
	(pc) =	sbr.rel @p0 .LBB2_3-.Ltmp0, $4  }
0xa1: {  	v43 =	vadd.s32 s11, v26;
	v50 =	vadd.s32 s20, v15;
	v37 =	vadd.s32 s11, v25;
	v36 =	vld.idx.msk [tilespmem:v36+s1+$0x0], $0xffff  }
0xa2: {  	v45 =	vadd.s32 s11, v24;
	v44 =	vadd.s32 s11, v23;
	v52 =	vadd.s32 s20, v4;
	v42 =	vld.idx.msk [tilespmem:v40+s1+$0x0], $0xffff  }
0xa3: {  	v41 =	vadd.s32 s11, v21;
	v53 =	vadd.s32 s20, v7;
	v40 =	vadd.s32 s11, v22;
	v39 =	vld.idx.msk [tilespmem:v46+s1+$0x0], $0xffff  }
0xa4: {  	v49 =	vadd.s32 s11, v20;
	v48 =	vadd.s32 s11, v19;
	v54 =	vadd.s32 s20, v10;
	v46 =	vld.idx.msk [tilespmem:v55+s1+$0x0], $0xffff  }
0xa5: {  	_ =	sdelay $0x3  }
0xa6: {  	v1 =	vld.idx.msk [tilespmem:v51+s1+$0x0], $0xffff  }
0xa7: {  	v2 =	vadd.s32 s20, v9;
	v3 =	vld.idx.msk [tilespmem:v50+s1+$0x0], $0xffff  }
0xa8: {  	v4 =	vld.idx.msk [tilespmem:v52+s1+$0x0], $0xffff;
	v7 =	vadd.s32 s20, v12  }
0xa9: {  	v9 =	vld.idx.msk [tilespmem:v53+s1+$0x0], $0xffff;
	v6 =	vadd.s32 s20, v6  }
0xaa: {  	v10 =	vld.idx.msk [tilespmem:v54+s1+$0x0], $0xffff;
	v0 =	vadd.s32 s20, v0  }
0xab: {  	v11 =	vld.idx.msk [tilespmem:v47+s1+$0x0], $0xffff;
	v5 =	vadd.s32 s20, v5  }
0xac: {  	v8 =	vadd.s32 s20, v8;
	v2 =	vld.idx.msk [tilespmem:v2+s1+$0x0], $0xffff  }
0xad: {  	v7 =	vld.idx.msk [tilespmem:v7+s1+$0x0], $0xffff  }
0xae: {  	v6 =	vld.idx.msk [tilespmem:v6+s1+$0x0], $0xffff  }
0xaf: {  	v0 =	vld.idx.msk [tilespmem:v0+s1+$0x0], $0xffff  }
0xb0: {  	s7 =	sand.u32 $0x380, s12;
	v5 =	vld.idx.msk [tilespmem:v5+s1+$0x0], $0xffff  }
0xb1: {  	s7 =	sadd.s32 s7, s13;
	v8 =	vld.idx.msk [tilespmem:v8+s1+$0x0], $0xffff  }
0xb2: {  	s11 =	sor.u32 $0x10, s7;
	[tilespmem:s7+$0x0] =	vst.add.f32.msk $0xffff, v2  }
0xb3: {  	s18 =	sor.u32 $0x20, s7;
	[tilespmem:s11+$0x0] =	vst.add.f32.msk $0xffff, v11  }
0xb4: {  	s19 =	sor.u32 $0x30, s7;
	[tilespmem:s18+$0x0] =	vst.add.f32.msk $0xffff, v10  }
0xb5: {  	s20 =	sor.u32 $0x40, s7;
	[tilespmem:s19+$0x0] =	vst.add.f32.msk $0xffff, v9  }
0xb6: {  	s26 =	sor.u32 $0x50, s7;
	[tilespmem:s20+$0x0] =	vst.add.f32.msk $0xffff, v4  }
0xb7: {  	s12 =	sor.u32 $0x60, s7;
	[tilespmem:s26+$0x0] =	vst.add.f32.msk $0xffff, v1  }
0xb8: {  	s13 =	sor.u32 $0x70, s7;
	[tilespmem:s12+$0x0] =	vst.add.f32.msk $0xffff, v3  }
0xb9: {  	[tilespmem:s13+$0x0] =	vst.add.f32.msk $0xffff, v42  }
0xba: {  	[tilespmem:s7+$0x400] =	vst.add.f32.msk $0xffff, v0  }
0xbb: {  	[tilespmem:s7+$0x410] =	vst.add.f32.msk $0xffff, v5  }
0xbc: {  	[tilespmem:s7+$0x420] =	vst.add.f32.msk $0xffff, v46  }
0xbd: {  	s11 =	smul.u32 $0x3, s9;
	[tilespmem:s7+$0x430] =	vst.add.f32.msk $0xffff, v36  }
0xbe: {  	[tilespmem:s7+$0x440] =	vst.add.f32.msk $0xffff, v8  }
0xbf: {  	s14 =	sadd.s32 s6, s11;
	[tilespmem:s7+$0x450] =	vst.add.f32.msk $0xffff, v7  }
0xc0: {  	p0 =	seq.s32 s9, $0x0;
	s12 =	sshll.u32 s14, $0xF;
	[tilespmem:s7+$0x460] =	vst.add.f32.msk $0xffff, v39  }
0xc1: {  	s18 =	sadd.s32 s12, s15;
	s12 =	sadd.s32 $0x2, s11;
	[tilespmem:s7+$0x470] =	vst.add.f32.msk $0xffff, v6;
	s7 =	simm.s32 @!p0 $0x7  }
0xc2: {  	[hbm4b:s18+s21] =	stream.strided.scatter [tilespmem:s23], [sflag:$0x5], $0x4000, s22, s21, $0x38;
	[tilespmem:$0x13480] =	vst v63  }
0xc3: {  	s19 =	simm.s32 @!p0 $0xF480;
	s13 =	sadd.s32 @!p0 s6, s12;
	_ =	swait.ge @!p0 [sflag:s7], $0x4000  }
0xc4: {  	s14 =	sshll.u32 @!p0 s13, $0xF;
	s18 =	simm.s32 @!p0 $0x8000;
	[sflag:s7] =	ssyncset.done @!p0 $0x0  }
0xc5: {  	[sflag:s7] =	ssyncadd.s32 @!p0 $0xFFFFC000;
	s7 =	sadd.s32 @!p0 s14, s10;
	s14 =	simm.s32 @!p0 $0x800  }
0xc6: {  	[tilespmem:s19], [sflag:$0x4] =	stream.strided.gather @!p0 [hbm4b:s7+s14], $0x4000, s18, s14, $0x38;
	[tilespmem:$0x13480] =	vst v63  }
0xc7: {  	s7 =	sshll.u32 @!p0 s13, $0xC  }
0xc8: {  	s7 =	sor.u32 @!p0 s5, s7  }
0xc9: {  	s7 =	sshrl.u32 @!p0 s7, $0x3  }
0xca: {  	s13 =	simm.s32 @!p0 $0x0;
	s14 =	simm.s32 @!p0 $0x7380;
	s7 =	sadd.s32 @!p0 s3, s7  }
0xcb: {  	[tilespmem:s14], [sflag:$0x4] =	stream.linear.gather @!p0 [hbm4b:s7+s13], $0x100, $0x38;
	[tilespmem:$0x13480] =	vst v63  }
0xcc: {  	_ =	swait.ge [sflag:s31], $0x4000  }
0xcd: {  	[sflag:s31] =	ssyncset.done $0x0  }
0xce: {  	[sflag:s31] =	ssyncadd.s32 $0xFFFFC000  }
0xcf: {  	_ =	swait.ge [sflag:s31], $0x100  }
0xd0: {  	[sflag:s31] =	ssyncset.done $0x0  }
0xd1: {  	[sflag:s31] =	ssyncadd.s32 $0xFFFFFF00  }
0xd2: {  	v5 =	vld [tilespmem:$0x7280]  }
0xd3: {  	v8 =	vld [tilespmem:$0x7290]  }
0xd4: {  	v6 =	vld [tilespmem:$0x72A0]  }
0xd5: {  	v7 =	vld [tilespmem:$0x72B0]  }
0xd6: {  	v4 =	vld [tilespmem:$0x72C0]  }
0xd7: {  	v0 =	vld [tilespmem:$0x7360]  }
0xd8: {  	v2 =	vld [tilespmem:$0x7320]  }
0xd9: {  	v3 =	vld [tilespmem:$0x7300]  }
0xda: {  	v9 =	vld [tilespmem:$0x72F0]  }
0xdb: {  	v14 =	vld [tilespmem:$0x72D0]  }
0xdc: {  	v15 =	vld [tilespmem:$0x72E0];
	v1 =	vmul.u32 $0x41, v0  }
0xdd: {  	v12 =	vld [tilespmem:$0x7310];
	v2 =	vmul.u32 $0x41, v2  }
0xde: {  	v13 =	vld [tilespmem:$0x7330];
	v0 =	vmul.u32 $0x41, v3  }
0xdf: {  	v11 =	vld [tilespmem:$0x7370];
	v3 =	vmul.u32 $0x41, v9  }
0xe0: {  	v16 =	vld [tilespmem:$0x7340];
	v4 =	vmul.u32 $0x41, v4  }
0xe1: {  	v17 =	vld [tilespmem:$0x7350];
	v7 =	vmul.u32 $0x41, v7  }
0xe2: {  	v10 =	vmul.u32 $0x41, v6;
	v25 =	vld.idx.msk [tilespmem:v1+s1+$0x0], $0xffff  }
0xe3: {  	v9 =	vmul.u32 $0x41, v5;
	v32 =	vld.idx.msk [tilespmem:v2+s1+$0x0], $0xffff  }
0xe4: {  	v6 =	vmul.u32 $0x41, v11;
	v34 =	vld.idx.msk [tilespmem:v0+s1+$0x0], $0xffff  }
0xe5: {  	v11 =	vmul.u32 $0x41, v8;
	v19 =	vld.idx.msk [tilespmem:v3+s1+$0x0], $0xffff  }
0xe6: {  	v5 =	vmul.u32 $0x41, v12;
	v18 =	vld.idx.msk [tilespmem:v4+s1+$0x0], $0xffff  }
0xe7: {  	v13 =	vmul.u32 $0x41, v13;
	v20 =	vld.idx.msk [tilespmem:v7+s1+$0x0], $0xffff  }
0xe8: {  	v8 =	vmul.u32 $0x41, v16;
	v16 =	vld.idx.msk [tilespmem:v10+s1+$0x0], $0xffff  }
0xe9: {  	v12 =	vmul.u32 $0x41, v17;
	v17 =	vld.idx.msk [tilespmem:v9+s1+$0x0], $0xffff  }
0xea: {  	v14 =	vmul.u32 $0x41, v14;
	v30 =	vld.idx.msk [tilespmem:v6+s1+$0x0], $0xffff  }
0xeb: {  	v15 =	vmul.u32 $0x41, v15;
	v21 =	vld.idx.msk [tilespmem:v11+s1+$0x0], $0xffff  }
0xec: {  	v61 =	vld.idx.msk [tilespmem:v5+s1+$0x0], $0xffff  }
0xed: {  	v33 =	vld.idx.msk [tilespmem:v13+s1+$0x0], $0xffff  }
0xee: {  	s13 =	simm.s32 $0x0;
	v28 =	vld.idx.msk [tilespmem:v8+s1+$0x0], $0xffff  }
0xef: {  	s19 =	sand.u32 $0x3800, s13;
	v22 =	vld.idx.msk [tilespmem:v12+s1+$0x0], $0xffff  }
0xf0: {  	s20 =	sand.u32 $0x300, s13;
	s18 =	sadd.s32 $0xB480, s19;
	v23 =	vld.idx.msk [tilespmem:v14+s1+$0x0], $0xffff  }
0xf1: {  	s14 =	sor.u32 s20, s18;
	v24 =	vld.idx.msk [tilespmem:v15+s1+$0x0], $0xffff  }
0xf2: {  	s26 =	sor.u32 $0x10, s14;
	[tilespmem:s14+$0x0] =	vst.add.f32.msk $0xffff, v17  }
0xf3: {  	s19 =	sor.u32 $0x20, s14;
	[tilespmem:s26+$0x0] =	vst.add.f32.msk $0xffff, v21  }
0xf4: {  	s20 =	sor.u32 $0x30, s14;
	[tilespmem:s19+$0x0] =	vst.add.f32.msk $0xffff, v16  }
0xf5: {  	s26 =	sor.u32 $0x40, s14;
	[tilespmem:s20+$0x0] =	vst.add.f32.msk $0xffff, v20  }
0xf6: {  	s19 =	sor.u32 $0x50, s14;
	[tilespmem:s26+$0x0] =	vst.add.f32.msk $0xffff, v18  }
0xf7: {  	s20 =	sor.u32 $0x60, s14;
	[tilespmem:s19+$0x0] =	vst.add.f32.msk $0xffff, v23  }
0xf8: {  	s26 =	sor.u32 $0x70, s14;
	[tilespmem:s20+$0x0] =	vst.add.f32.msk $0xffff, v24  }
0xf9: {  	s7 =	simm.s32 $0x1;
	v26 =	vadd.s32 $0x2, v2;
	v27 =	vadd.s32 $0x2, v13;
	v29 =	vadd.s32 $0x2, v12;
	[tilespmem:s26+$0x0] =	vst.add.f32.msk $0xffff, v19  }
0xfa: {  	v62 =	vadd.s32 s7, v13;
	v31 =	vadd.s32 $0x2, v6;
	v40 =	vadd.s32 s7, v3;
	[tilespmem:s14+$0x450] =	vst.add.f32.msk $0xffff, v22  }
0xfb: {  	v47 =	vadd.s32 s7, v11;
	v63 =	vadd.s32 s7, v1;
	v55 =	vadd.s32 s7, v2;
	[tilespmem:s14+$0x460] =	vst.add.f32.msk $0xffff, v25  }
0xfc: {  	v51 =	vadd.s32 s7, v14;
	v50 =	vadd.s32 s7, v15;
	v52 =	vadd.s32 s7, v4;
	[tilespmem:s14+$0x440] =	vst.add.f32.msk $0xffff, v28  }
0xfd: {  	v53 =	vadd.s32 s7, v7;
	v54 =	vadd.s32 s7, v10;
	v43 =	vadd.s32 s13, v26;
	[tilespmem:s14+$0x470] =	vst.add.f32.msk $0xffff, v30  }
0xfe: {  	v17 =	vadd.s32 $0x2, v11;
	v21 =	vadd.s32 $0x2, v14;
	v16 =	vadd.s32 $0x2, v9;
	[tilespmem:s14+$0x430] =	vst.add.f32.msk $0xffff, v33  }
0xff: {  	v41 =	vadd.s32 s13, v21;
	v20 =	vadd.s32 $0x2, v4;
	v18 =	vadd.s32 $0x2, v10;
	[tilespmem:s14+$0x420] =	vst.add.f32.msk $0xffff, v32  }
0x100: {  	v49 =	vadd.s32 s13, v20;
	v23 =	vadd.s32 $0x2, v3;
	v24 =	vadd.s32 $0x2, v0;
	[tilespmem:s14+$0x400] =	vst.add.f32.msk $0xffff, v34  }
0x101: {  	v44 =	vadd.s32 s13, v23;
	v19 =	vadd.s32 $0x2, v7;
	v45 =	vadd.s32 s13, v24;
	[tilespmem:s14+$0x410] =	vst.add.f32.msk $0xffff, v61  }
0x102: {  	v22 =	vadd.s32 $0x2, v15;
	v25 =	vadd.s32 $0x2, v5;
	v28 =	vadd.s32 $0x2, v8;
	v36 =	vld.idx.msk [tilespmem:v62+s1+$0x0], $0xffff  }
0x103: {  	v30 =	vadd.s32 $0x2, v1;
	v33 =	vadd.s32 s13, v31;
	v32 =	vadd.s32 s13, v29;
	v42 =	vld.idx.msk [tilespmem:v40+s1+$0x0], $0xffff  }
0x104: {  	s29 =	simm.s32 $0x0;
	v34 =	vadd.s32 s13, v27;
	v48 =	vadd.s32 s13, v19;
	v38 =	vadd.s32 s13, v30;
	v39 =	vld.idx.msk [tilespmem:v63+s1+$0x0], $0xffff  }
0x105: {  	s19 =	simm.s32 $0x2;
	s20 =	simm.s32 $0x0;
	s14 =	simm.s32 $0x80;
	v35 =	vadd.s32 s13, v28;
	v37 =	vadd.s32 s13, v25;
	v40 =	vadd.s32 s13, v22;
	v46 =	vld.idx.msk [tilespmem:v55+s1+$0x0], $0xffff  }
.LBB2_5:
0x106: {  	p0 =	sne.s32 s19, $0x3E;
	v55 =	vadd.s32 s13, v16;
	v56 =	vadd.s32 s13, v17;
	v57 =	vadd.s32 s13, v18;
	v51 =	vld.idx.msk [tilespmem:v51+s1+$0x0], $0xffff;
	s20 =	sadd.s32 $0x100, s20;
	s29 =	sadd.s32 $0x200, s29  }
0x107: {  	v58 =	vadd.s32 s7, v9;
	s13 =	smov.u32 s19;
	s19 =	sadd.s32 $0x2, s19;
	s26 =	sadd.s32 $0x80, s20;
	v50 =	vld.idx.msk [tilespmem:v50+s1+$0x0], $0xffff  }
0x108: {  	v59 =	vadd.s32 s7, v12;
	v52 =	vld.idx.msk [tilespmem:v52+s1+$0x0], $0xffff  }
0x109: {  	v60 =	vadd.s32 s7, v6;
	v53 =	vld.idx.msk [tilespmem:v53+s1+$0x0], $0xffff  }
0x10a: {  	v61 =	vadd.s32 s7, v0;
	v54 =	vld.idx.msk [tilespmem:v54+s1+$0x0], $0xffff  }
0x10b: {  	v62 =	vadd.s32 s7, v5;
	v47 =	vld.idx.msk [tilespmem:v47+s1+$0x0], $0xffff  }
0x10c: {  	v63 =	vadd.s32 s7, v8;
	v58 =	vld.idx.msk [tilespmem:v58+s1+$0x0], $0xffff  }
0x10d: {  	v59 =	vld.idx.msk [tilespmem:v59+s1+$0x0], $0xffff  }
0x10e: {  	v60 =	vld.idx.msk [tilespmem:v60+s1+$0x0], $0xffff  }
0x10f: {  	v61 =	vld.idx.msk [tilespmem:v61+s1+$0x0], $0xffff  }
0x110: {  	s7 =	sand.u32 $0x380, s14;
	s14 =	smov.u32 s26;
	v62 =	vld.idx.msk [tilespmem:v62+s1+$0x0], $0xffff  }
0x111: {  	s7 =	sadd.s32 s7, s18;
	v63 =	vld.idx.msk [tilespmem:v63+s1+$0x0], $0xffff  }
0x112: {  	s18 =	sor.u32 $0x10, s7;
	[tilespmem:s7+$0x0] =	vst.add.f32.msk $0xffff, v58  }
0x113: {  	[tilespmem:s18+$0x0] =	vst.add.f32.msk $0xffff, v47;
	s18 =	sor.u32 $0x20, s7  }
0x114: {  	[tilespmem:s18+$0x0] =	vst.add.f32.msk $0xffff, v54;
	s18 =	sor.u32 $0x30, s7  }
0x115: {  	[tilespmem:s18+$0x0] =	vst.add.f32.msk $0xffff, v53;
	s18 =	sor.u32 $0x40, s7  }
0x116: {  	[tilespmem:s18+$0x0] =	vst.add.f32.msk $0xffff, v52;
	s18 =	sor.u32 $0x50, s7  }
0x117: {  	[tilespmem:s18+$0x0] =	vst.add.f32.msk $0xffff, v51;
	s18 =	sor.u32 $0x60, s7  }
0x118: {  	[tilespmem:s18+$0x0] =	vst.add.f32.msk $0xffff, v50;
	s18 =	sor.u32 $0x70, s7  }
0x119: {  	[tilespmem:s18+$0x0] =	vst.add.f32.msk $0xffff, v42  }
0x11a: {  	[tilespmem:s7+$0x400] =	vst.add.f32.msk $0xffff, v61  }
0x11b: {  	[tilespmem:s7+$0x410] =	vst.add.f32.msk $0xffff, v62  }
0x11c: {  	[tilespmem:s7+$0x420] =	vst.add.f32.msk $0xffff, v46  }
0x11d: {  	[tilespmem:s7+$0x430] =	vst.add.f32.msk $0xffff, v36  }
0x11e: {  	[tilespmem:s7+$0x440] =	vst.add.f32.msk $0xffff, v63  }
0x11f: {  	[tilespmem:s7+$0x450] =	vst.add.f32.msk $0xffff, v59  }
0x120: {  	[tilespmem:s7+$0x460] =	vst.add.f32.msk $0xffff, v39  }
0x121: {  	[tilespmem:s7+$0x470] =	vst.add.f32.msk $0xffff, v60  }
0x122: {  	v36 =	vld.idx.msk [tilespmem:v38+s1+$0x0], $0xffff  }
0x123: {  	v38 =	vld.idx.msk [tilespmem:v43+s1+$0x0], $0xffff  }
0x124: {  	v39 =	vld.idx.msk [tilespmem:v45+s1+$0x0], $0xffff  }
0x125: {  	v42 =	vld.idx.msk [tilespmem:v44+s1+$0x0], $0xffff  }
0x126: {  	v43 =	vld.idx.msk [tilespmem:v49+s1+$0x0], $0xffff  }
0x127: {  	v44 =	vld.idx.msk [tilespmem:v48+s1+$0x0], $0xffff  }
0x128: {  	v45 =	vld.idx.msk [tilespmem:v57+s1+$0x0], $0xffff  }
0x129: {  	v46 =	vld.idx.msk [tilespmem:v55+s1+$0x0], $0xffff  }
0x12a: {  	v33 =	vld.idx.msk [tilespmem:v33+s1+$0x0], $0xffff  }
0x12b: {  	v47 =	vld.idx.msk [tilespmem:v56+s1+$0x0], $0xffff  }
0x12c: {  	v37 =	vld.idx.msk [tilespmem:v37+s1+$0x0], $0xffff  }
0x12d: {  	v34 =	vld.idx.msk [tilespmem:v34+s1+$0x0], $0xffff  }
0x12e: {  	v35 =	vld.idx.msk [tilespmem:v35+s1+$0x0], $0xffff  }
0x12f: {  	s7 =	sand.u32 $0x3800, s29;
	v32 =	vld.idx.msk [tilespmem:v32+s1+$0x0], $0xffff  }
0x130: {  	s26 =	sand.u32 $0x300, s20;
	s18 =	sadd.s32 $0xB480, s7;
	v41 =	vld.idx.msk [tilespmem:v41+s1+$0x0], $0xffff  }
0x131: {  	s26 =	sor.u32 s26, s18;
	v40 =	vld.idx.msk [tilespmem:v40+s1+$0x0], $0xffff  }
0x132: {  	s7 =	sor.u32 $0x10, s26;
	[tilespmem:s26+$0x0] =	vst.add.f32.msk $0xffff, v46  }
0x133: {  	[tilespmem:s7+$0x0] =	vst.add.f32.msk $0xffff, v47;
	s7 =	sor.u32 $0x20, s26  }
0x134: {  	[tilespmem:s7+$0x0] =	vst.add.f32.msk $0xffff, v45;
	s7 =	sor.u32 $0x30, s26  }
0x135: {  	[tilespmem:s7+$0x0] =	vst.add.f32.msk $0xffff, v44;
	s7 =	sor.u32 $0x40, s26  }
0x136: {  	[tilespmem:s7+$0x0] =	vst.add.f32.msk $0xffff, v43;
	s7 =	sor.u32 $0x50, s26  }
0x137: {  	[tilespmem:s7+$0x0] =	vst.add.f32.msk $0xffff, v41;
	s7 =	sor.u32 $0x60, s26  }
0x138: {  	[tilespmem:s7+$0x0] =	vst.add.f32.msk $0xffff, v40;
	s7 =	sor.u32 $0x70, s26  }
0x139: {  	[tilespmem:s7+$0x0] =	vst.add.f32.msk $0xffff, v42  }
0x13a: {  	[tilespmem:s26+$0x450] =	vst.add.f32.msk $0xffff, v32  }
0x13b: {  	[tilespmem:s26+$0x460] =	vst.add.f32.msk $0xffff, v36  }
0x13c: {  	s7 =	sadd.s32 $0x1, s13;
	[tilespmem:s26+$0x440] =	vst.add.f32.msk $0xffff, v35  }
0x13d: {  	v47 =	vadd.s32 s7, v11;
	v36 =	vadd.s32 s7, v13;
	[tilespmem:s26+$0x470] =	vst.add.f32.msk $0xffff, v33  }
0x13e: {  	v40 =	vadd.s32 s7, v3;
	[tilespmem:s26+$0x430] =	vst.add.f32.msk $0xffff, v34  }
0x13f: {  	v46 =	vadd.s32 s7, v1;
	v33 =	vadd.s32 s13, v31;
	[tilespmem:s26+$0x420] =	vst.add.f32.msk $0xffff, v38  }
0x140: {  	v32 =	vadd.s32 s13, v29;
	v55 =	vadd.s32 s7, v2;
	v38 =	vadd.s32 s13, v30;
	[tilespmem:s26+$0x400] =	vst.add.f32.msk $0xffff, v39  }
.Ltmp1:
0x141: {  	v51 =	vadd.s32 s7, v14;
	v35 =	vadd.s32 s13, v28;
	v34 =	vadd.s32 s13, v27;
	[tilespmem:s26+$0x410] =	vst.add.f32.msk $0xffff, v37;
	(pc) =	sbr.rel @p0 .LBB2_5-.Ltmp1, $4  }
0x142: {  	v43 =	vadd.s32 s13, v26;
	v50 =	vadd.s32 s7, v15;
	v37 =	vadd.s32 s13, v25;
	v36 =	vld.idx.msk [tilespmem:v36+s1+$0x0], $0xffff  }
0x143: {  	v45 =	vadd.s32 s13, v24;
	v44 =	vadd.s32 s13, v23;
	v52 =	vadd.s32 s7, v4;
	v42 =	vld.idx.msk [tilespmem:v40+s1+$0x0], $0xffff  }
0x144: {  	v41 =	vadd.s32 s13, v21;
	v53 =	vadd.s32 s7, v7;
	v40 =	vadd.s32 s13, v22;
	v39 =	vld.idx.msk [tilespmem:v46+s1+$0x0], $0xffff  }
0x145: {  	v49 =	vadd.s32 s13, v20;
	v48 =	vadd.s32 s13, v19;
	v54 =	vadd.s32 s7, v10;
	v46 =	vld.idx.msk [tilespmem:v55+s1+$0x0], $0xffff  }
0x146: {  	_ =	sdelay $0x3  }
0x147: {  	v1 =	vld.idx.msk [tilespmem:v51+s1+$0x0], $0xffff  }
0x148: {  	v2 =	vadd.s32 s7, v9;
	v3 =	vld.idx.msk [tilespmem:v50+s1+$0x0], $0xffff  }
0x149: {  	v4 =	vld.idx.msk [tilespmem:v52+s1+$0x0], $0xffff;
	v7 =	vadd.s32 s7, v12  }
0x14a: {  	v9 =	vld.idx.msk [tilespmem:v53+s1+$0x0], $0xffff;
	v6 =	vadd.s32 s7, v6  }
0x14b: {  	v10 =	vld.idx.msk [tilespmem:v54+s1+$0x0], $0xffff;
	v0 =	vadd.s32 s7, v0  }
0x14c: {  	v11 =	vld.idx.msk [tilespmem:v47+s1+$0x0], $0xffff;
	v5 =	vadd.s32 s7, v5  }
0x14d: {  	v8 =	vadd.s32 s7, v8;
	v2 =	vld.idx.msk [tilespmem:v2+s1+$0x0], $0xffff  }
0x14e: {  	v7 =	vld.idx.msk [tilespmem:v7+s1+$0x0], $0xffff  }
0x14f: {  	v6 =	vld.idx.msk [tilespmem:v6+s1+$0x0], $0xffff  }
0x150: {  	v0 =	vld.idx.msk [tilespmem:v0+s1+$0x0], $0xffff  }
0x151: {  	s19 =	sand.u32 $0x380, s14;
	v5 =	vld.idx.msk [tilespmem:v5+s1+$0x0], $0xffff  }
0x152: {  	s7 =	sadd.s32 s19, s18;
	v8 =	vld.idx.msk [tilespmem:v8+s1+$0x0], $0xffff  }
0x153: {  	s13 =	sor.u32 $0x10, s7;
	[tilespmem:s7+$0x0] =	vst.add.f32.msk $0xffff, v2  }
0x154: {  	s20 =	sor.u32 $0x20, s7;
	[tilespmem:s13+$0x0] =	vst.add.f32.msk $0xffff, v11  }
0x155: {  	s26 =	sor.u32 $0x30, s7;
	[tilespmem:s20+$0x0] =	vst.add.f32.msk $0xffff, v10  }
0x156: {  	s14 =	sor.u32 $0x40, s7;
	[tilespmem:s26+$0x0] =	vst.add.f32.msk $0xffff, v9  }
0x157: {  	s18 =	sor.u32 $0x50, s7;
	[tilespmem:s14+$0x0] =	vst.add.f32.msk $0xffff, v4  }
0x158: {  	s19 =	sor.u32 $0x60, s7;
	[tilespmem:s18+$0x0] =	vst.add.f32.msk $0xffff, v1  }
0x159: {  	s20 =	sor.u32 $0x70, s7;
	[tilespmem:s19+$0x0] =	vst.add.f32.msk $0xffff, v3  }
0x15a: {  	[tilespmem:s20+$0x0] =	vst.add.f32.msk $0xffff, v42  }
0x15b: {  	[tilespmem:s7+$0x400] =	vst.add.f32.msk $0xffff, v0  }
0x15c: {  	[tilespmem:s7+$0x410] =	vst.add.f32.msk $0xffff, v5  }
0x15d: {  	[tilespmem:s7+$0x420] =	vst.add.f32.msk $0xffff, v46  }
0x15e: {  	[tilespmem:s7+$0x430] =	vst.add.f32.msk $0xffff, v36  }
0x15f: {  	[tilespmem:s7+$0x440] =	vst.add.f32.msk $0xffff, v8  }
0x160: {  	s26 =	sadd.s32 s11, s8;
	[tilespmem:s7+$0x450] =	vst.add.f32.msk $0xffff, v7  }
0x161: {  	s13 =	sshll.u32 s26, $0xF;
	[tilespmem:s7+$0x460] =	vst.add.f32.msk $0xffff, v39  }
0x162: {  	s14 =	sadd.s32 s11, s16;
	s13 =	sadd.s32 s13, s15;
	[tilespmem:s7+$0x470] =	vst.add.f32.msk $0xffff, v6  }
0x163: {  	[hbm4b:s13+s21] =	stream.strided.scatter [tilespmem:s25], [sflag:$0x6], $0x4000, s22, s21, $0x38;
	[tilespmem:$0x13480] =	vst v63  }
0x164: {  	s7 =	sshll.u32 s14, $0xC;
	_ =	swait.ge [sflag:s0], $0x4000  }
0x165: {  	s18 =	sshll.u32 s14, $0xF;
	s7 =	sor.u32 s5, s7;
	[sflag:s0] =	ssyncset.done $0x0  }
0x166: {  	s13 =	sadd.s32 s18, s10;
	s7 =	sshrl.u32 s7, $0x3;
	[sflag:s0] =	ssyncadd.s32 $0xFFFFC000  }
0x167: {  	[tilespmem:s23], [sflag:$0x2] =	stream.strided.gather [hbm4b:s13+s21], $0x4000, s22, s21, $0x38;
	[tilespmem:$0x13480] =	vst v63  }
0x168: {  	s7 =	sadd.s32 s3, s7;
	s13 =	simm.s32 $0x0  }
0x169: {  	[tilespmem:s24], [sflag:$0x2] =	stream.linear.gather [hbm4b:s7+s13], $0x100, $0x38;
	[tilespmem:$0x13480] =	vst v63  }
0x16a: {  	_ =	swait.ge [sflag:s2], $0x4000  }
0x16b: {  	[sflag:s2] =	ssyncset.done $0x0  }
0x16c: {  	[sflag:s2] =	ssyncadd.s32 $0xFFFFC000  }
0x16d: {  	_ =	swait.ge [sflag:s2], $0x100  }
0x16e: {  	[sflag:s2] =	ssyncset.done $0x0  }
0x16f: {  	[sflag:s2] =	ssyncadd.s32 $0xFFFFFF00  }
0x170: {  	v5 =	vld [tilespmem:$0x7380]  }
0x171: {  	v8 =	vld [tilespmem:$0x7390]  }
0x172: {  	v6 =	vld [tilespmem:$0x73A0]  }
0x173: {  	v7 =	vld [tilespmem:$0x73B0]  }
0x174: {  	v4 =	vld [tilespmem:$0x73C0]  }
0x175: {  	v0 =	vld [tilespmem:$0x7460]  }
0x176: {  	v2 =	vld [tilespmem:$0x7420]  }
0x177: {  	v3 =	vld [tilespmem:$0x7400]  }
0x178: {  	v9 =	vld [tilespmem:$0x73F0]  }
0x179: {  	v14 =	vld [tilespmem:$0x73D0]  }
0x17a: {  	v15 =	vld [tilespmem:$0x73E0];
	v1 =	vmul.u32 $0x41, v0  }
0x17b: {  	v12 =	vld [tilespmem:$0x7410];
	v2 =	vmul.u32 $0x41, v2  }
0x17c: {  	v13 =	vld [tilespmem:$0x7430];
	v0 =	vmul.u32 $0x41, v3  }
0x17d: {  	v11 =	vld [tilespmem:$0x7470];
	v3 =	vmul.u32 $0x41, v9  }
0x17e: {  	v16 =	vld [tilespmem:$0x7440];
	v4 =	vmul.u32 $0x41, v4  }
0x17f: {  	v17 =	vld [tilespmem:$0x7450];
	v7 =	vmul.u32 $0x41, v7  }
0x180: {  	v10 =	vmul.u32 $0x41, v6;
	v25 =	vld.idx.msk [tilespmem:v1+s1+$0x0], $0xffff  }
0x181: {  	v9 =	vmul.u32 $0x41, v5;
	v32 =	vld.idx.msk [tilespmem:v2+s1+$0x0], $0xffff  }
0x182: {  	v6 =	vmul.u32 $0x41, v11;
	v34 =	vld.idx.msk [tilespmem:v0+s1+$0x0], $0xffff  }
0x183: {  	v11 =	vmul.u32 $0x41, v8;
	v19 =	vld.idx.msk [tilespmem:v3+s1+$0x0], $0xffff  }
0x184: {  	v5 =	vmul.u32 $0x41, v12;
	v18 =	vld.idx.msk [tilespmem:v4+s1+$0x0], $0xffff  }
0x185: {  	v13 =	vmul.u32 $0x41, v13;
	v20 =	vld.idx.msk [tilespmem:v7+s1+$0x0], $0xffff  }
0x186: {  	v8 =	vmul.u32 $0x41, v16;
	v16 =	vld.idx.msk [tilespmem:v10+s1+$0x0], $0xffff  }
0x187: {  	v12 =	vmul.u32 $0x41, v17;
	v17 =	vld.idx.msk [tilespmem:v9+s1+$0x0], $0xffff  }
0x188: {  	v14 =	vmul.u32 $0x41, v14;
	v30 =	vld.idx.msk [tilespmem:v6+s1+$0x0], $0xffff  }
0x189: {  	v15 =	vmul.u32 $0x41, v15;
	v21 =	vld.idx.msk [tilespmem:v11+s1+$0x0], $0xffff  }
0x18a: {  	v61 =	vld.idx.msk [tilespmem:v5+s1+$0x0], $0xffff  }
0x18b: {  	v33 =	vld.idx.msk [tilespmem:v13+s1+$0x0], $0xffff  }
0x18c: {  	v28 =	vld.idx.msk [tilespmem:v8+s1+$0x0], $0xffff  }
0x18d: {  	s19 =	sand.u32 $0x3800, s13;
	v22 =	vld.idx.msk [tilespmem:v12+s1+$0x0], $0xffff  }
0x18e: {  	s20 =	sand.u32 $0x300, s13;
	s18 =	sadd.s32 $0xF480, s19;
	v23 =	vld.idx.msk [tilespmem:v14+s1+$0x0], $0xffff  }
0x18f: {  	s14 =	sor.u32 s20, s18;
	v24 =	vld.idx.msk [tilespmem:v15+s1+$0x0], $0xffff  }
0x190: {  	s26 =	sor.u32 $0x10, s14;
	[tilespmem:s14+$0x0] =	vst.add.f32.msk $0xffff, v17  }
0x191: {  	s19 =	sor.u32 $0x20, s14;
	[tilespmem:s26+$0x0] =	vst.add.f32.msk $0xffff, v21  }
0x192: {  	s20 =	sor.u32 $0x30, s14;
	[tilespmem:s19+$0x0] =	vst.add.f32.msk $0xffff, v16  }
0x193: {  	s26 =	sor.u32 $0x40, s14;
	[tilespmem:s20+$0x0] =	vst.add.f32.msk $0xffff, v20  }
0x194: {  	s19 =	sor.u32 $0x50, s14;
	[tilespmem:s26+$0x0] =	vst.add.f32.msk $0xffff, v18  }
0x195: {  	s20 =	sor.u32 $0x60, s14;
	[tilespmem:s19+$0x0] =	vst.add.f32.msk $0xffff, v23  }
0x196: {  	s26 =	sor.u32 $0x70, s14;
	[tilespmem:s20+$0x0] =	vst.add.f32.msk $0xffff, v24  }
0x197: {  	s7 =	simm.s32 $0x1;
	v26 =	vadd.s32 $0x2, v2;
	v27 =	vadd.s32 $0x2, v13;
	v29 =	vadd.s32 $0x2, v12;
	[tilespmem:s26+$0x0] =	vst.add.f32.msk $0xffff, v19  }
0x198: {  	v62 =	vadd.s32 s7, v13;
	v31 =	vadd.s32 $0x2, v6;
	v40 =	vadd.s32 s7, v3;
	[tilespmem:s14+$0x450] =	vst.add.f32.msk $0xffff, v22  }
0x199: {  	v47 =	vadd.s32 s7, v11;
	v63 =	vadd.s32 s7, v1;
	v55 =	vadd.s32 s7, v2;
	[tilespmem:s14+$0x460] =	vst.add.f32.msk $0xffff, v25  }
0x19a: {  	v51 =	vadd.s32 s7, v14;
	v50 =	vadd.s32 s7, v15;
	v52 =	vadd.s32 s7, v4;
	[tilespmem:s14+$0x440] =	vst.add.f32.msk $0xffff, v28  }
0x19b: {  	v53 =	vadd.s32 s7, v7;
	v54 =	vadd.s32 s7, v10;
	v43 =	vadd.s32 s13, v26;
	[tilespmem:s14+$0x470] =	vst.add.f32.msk $0xffff, v30  }
0x19c: {  	v17 =	vadd.s32 $0x2, v11;
	v21 =	vadd.s32 $0x2, v14;
	v16 =	vadd.s32 $0x2, v9;
	[tilespmem:s14+$0x430] =	vst.add.f32.msk $0xffff, v33  }
0x19d: {  	v41 =	vadd.s32 s13, v21;
	v20 =	vadd.s32 $0x2, v4;
	v18 =	vadd.s32 $0x2, v10;
	[tilespmem:s14+$0x420] =	vst.add.f32.msk $0xffff, v32  }
0x19e: {  	v49 =	vadd.s32 s13, v20;
	v23 =	vadd.s32 $0x2, v3;
	v24 =	vadd.s32 $0x2, v0;
	[tilespmem:s14+$0x400] =	vst.add.f32.msk $0xffff, v34  }
0x19f: {  	v44 =	vadd.s32 s13, v23;
	v19 =	vadd.s32 $0x2, v7;
	v45 =	vadd.s32 s13, v24;
	[tilespmem:s14+$0x410] =	vst.add.f32.msk $0xffff, v61  }
0x1a0: {  	v22 =	vadd.s32 $0x2, v15;
	v25 =	vadd.s32 $0x2, v5;
	v28 =	vadd.s32 $0x2, v8;
	v36 =	vld.idx.msk [tilespmem:v62+s1+$0x0], $0xffff  }
0x1a1: {  	v30 =	vadd.s32 $0x2, v1;
	v33 =	vadd.s32 s13, v31;
	v32 =	vadd.s32 s13, v29;
	v42 =	vld.idx.msk [tilespmem:v40+s1+$0x0], $0xffff  }
0x1a2: {  	s29 =	simm.s32 $0x0;
	v34 =	vadd.s32 s13, v27;
	v48 =	vadd.s32 s13, v19;
	v38 =	vadd.s32 s13, v30;
	v39 =	vld.idx.msk [tilespmem:v63+s1+$0x0], $0xffff  }
0x1a3: {  	s19 =	simm.s32 $0x2;
	s20 =	simm.s32 $0x0;
	s14 =	simm.s32 $0x80;
	v35 =	vadd.s32 s13, v28;
	v37 =	vadd.s32 s13, v25;
	v40 =	vadd.s32 s13, v22;
	v46 =	vld.idx.msk [tilespmem:v55+s1+$0x0], $0xffff  }
.LBB2_7:
0x1a4: {  	p0 =	sne.s32 s19, $0x3E;
	v55 =	vadd.s32 s13, v16;
	v56 =	vadd.s32 s13, v17;
	v57 =	vadd.s32 s13, v18;
	v51 =	vld.idx.msk [tilespmem:v51+s1+$0x0], $0xffff;
	s20 =	sadd.s32 $0x100, s20;
	s29 =	sadd.s32 $0x200, s29  }
0x1a5: {  	v58 =	vadd.s32 s7, v9;
	s13 =	smov.u32 s19;
	s19 =	sadd.s32 $0x2, s19;
	s26 =	sadd.s32 $0x80, s20;
	v50 =	vld.idx.msk [tilespmem:v50+s1+$0x0], $0xffff  }
0x1a6: {  	v59 =	vadd.s32 s7, v12;
	v52 =	vld.idx.msk [tilespmem:v52+s1+$0x0], $0xffff  }
0x1a7: {  	v60 =	vadd.s32 s7, v6;
	v53 =	vld.idx.msk [tilespmem:v53+s1+$0x0], $0xffff  }
0x1a8: {  	v61 =	vadd.s32 s7, v0;
	v54 =	vld.idx.msk [tilespmem:v54+s1+$0x0], $0xffff  }
0x1a9: {  	v62 =	vadd.s32 s7, v5;
	v47 =	vld.idx.msk [tilespmem:v47+s1+$0x0], $0xffff  }
0x1aa: {  	v63 =	vadd.s32 s7, v8;
	v58 =	vld.idx.msk [tilespmem:v58+s1+$0x0], $0xffff  }
0x1ab: {  	v59 =	vld.idx.msk [tilespmem:v59+s1+$0x0], $0xffff  }
0x1ac: {  	v60 =	vld.idx.msk [tilespmem:v60+s1+$0x0], $0xffff  }
0x1ad: {  	v61 =	vld.idx.msk [tilespmem:v61+s1+$0x0], $0xffff  }
0x1ae: {  	s7 =	sand.u32 $0x380, s14;
	s14 =	smov.u32 s26;
	v62 =	vld.idx.msk [tilespmem:v62+s1+$0x0], $0xffff  }
0x1af: {  	s7 =	sadd.s32 s7, s18;
	v63 =	vld.idx.msk [tilespmem:v63+s1+$0x0], $0xffff  }
0x1b0: {  	s18 =	sor.u32 $0x10, s7;
	[tilespmem:s7+$0x0] =	vst.add.f32.msk $0xffff, v58  }
0x1b1: {  	[tilespmem:s18+$0x0] =	vst.add.f32.msk $0xffff, v47;
	s18 =	sor.u32 $0x20, s7  }
0x1b2: {  	[tilespmem:s18+$0x0] =	vst.add.f32.msk $0xffff, v54;
	s18 =	sor.u32 $0x30, s7  }
0x1b3: {  	[tilespmem:s18+$0x0] =	vst.add.f32.msk $0xffff, v53;
	s18 =	sor.u32 $0x40, s7  }
0x1b4: {  	[tilespmem:s18+$0x0] =	vst.add.f32.msk $0xffff, v52;
	s18 =	sor.u32 $0x50, s7  }
0x1b5: {  	[tilespmem:s18+$0x0] =	vst.add.f32.msk $0xffff, v51;
	s18 =	sor.u32 $0x60, s7  }
0x1b6: {  	[tilespmem:s18+$0x0] =	vst.add.f32.msk $0xffff, v50;
	s18 =	sor.u32 $0x70, s7  }
0x1b7: {  	[tilespmem:s18+$0x0] =	vst.add.f32.msk $0xffff, v42  }
0x1b8: {  	[tilespmem:s7+$0x400] =	vst.add.f32.msk $0xffff, v61  }
0x1b9: {  	[tilespmem:s7+$0x410] =	vst.add.f32.msk $0xffff, v62  }
0x1ba: {  	[tilespmem:s7+$0x420] =	vst.add.f32.msk $0xffff, v46  }
0x1bb: {  	[tilespmem:s7+$0x430] =	vst.add.f32.msk $0xffff, v36  }
0x1bc: {  	[tilespmem:s7+$0x440] =	vst.add.f32.msk $0xffff, v63  }
0x1bd: {  	[tilespmem:s7+$0x450] =	vst.add.f32.msk $0xffff, v59  }
0x1be: {  	[tilespmem:s7+$0x460] =	vst.add.f32.msk $0xffff, v39  }
0x1bf: {  	[tilespmem:s7+$0x470] =	vst.add.f32.msk $0xffff, v60  }
0x1c0: {  	v36 =	vld.idx.msk [tilespmem:v38+s1+$0x0], $0xffff  }
0x1c1: {  	v38 =	vld.idx.msk [tilespmem:v43+s1+$0x0], $0xffff  }
0x1c2: {  	v39 =	vld.idx.msk [tilespmem:v45+s1+$0x0], $0xffff  }
0x1c3: {  	v42 =	vld.idx.msk [tilespmem:v44+s1+$0x0], $0xffff  }
0x1c4: {  	v43 =	vld.idx.msk [tilespmem:v49+s1+$0x0], $0xffff  }
0x1c5: {  	v44 =	vld.idx.msk [tilespmem:v48+s1+$0x0], $0xffff  }
0x1c6: {  	v45 =	vld.idx.msk [tilespmem:v57+s1+$0x0], $0xffff  }
0x1c7: {  	v46 =	vld.idx.msk [tilespmem:v55+s1+$0x0], $0xffff  }
0x1c8: {  	v33 =	vld.idx.msk [tilespmem:v33+s1+$0x0], $0xffff  }
0x1c9: {  	v47 =	vld.idx.msk [tilespmem:v56+s1+$0x0], $0xffff  }
0x1ca: {  	v37 =	vld.idx.msk [tilespmem:v37+s1+$0x0], $0xffff  }
0x1cb: {  	v34 =	vld.idx.msk [tilespmem:v34+s1+$0x0], $0xffff  }
0x1cc: {  	v35 =	vld.idx.msk [tilespmem:v35+s1+$0x0], $0xffff  }
0x1cd: {  	s7 =	sand.u32 $0x3800, s29;
	v32 =	vld.idx.msk [tilespmem:v32+s1+$0x0], $0xffff  }
0x1ce: {  	s26 =	sand.u32 $0x300, s20;
	s18 =	sadd.s32 $0xF480, s7;
	v41 =	vld.idx.msk [tilespmem:v41+s1+$0x0], $0xffff  }
0x1cf: {  	s26 =	sor.u32 s26, s18;
	v40 =	vld.idx.msk [tilespmem:v40+s1+$0x0], $0xffff  }
0x1d0: {  	s7 =	sor.u32 $0x10, s26;
	[tilespmem:s26+$0x0] =	vst.add.f32.msk $0xffff, v46  }
0x1d1: {  	[tilespmem:s7+$0x0] =	vst.add.f32.msk $0xffff, v47;
	s7 =	sor.u32 $0x20, s26  }
0x1d2: {  	[tilespmem:s7+$0x0] =	vst.add.f32.msk $0xffff, v45;
	s7 =	sor.u32 $0x30, s26  }
0x1d3: {  	[tilespmem:s7+$0x0] =	vst.add.f32.msk $0xffff, v44;
	s7 =	sor.u32 $0x40, s26  }
0x1d4: {  	[tilespmem:s7+$0x0] =	vst.add.f32.msk $0xffff, v43;
	s7 =	sor.u32 $0x50, s26  }
0x1d5: {  	[tilespmem:s7+$0x0] =	vst.add.f32.msk $0xffff, v41;
	s7 =	sor.u32 $0x60, s26  }
0x1d6: {  	[tilespmem:s7+$0x0] =	vst.add.f32.msk $0xffff, v40;
	s7 =	sor.u32 $0x70, s26  }
0x1d7: {  	[tilespmem:s7+$0x0] =	vst.add.f32.msk $0xffff, v42  }
0x1d8: {  	[tilespmem:s26+$0x450] =	vst.add.f32.msk $0xffff, v32  }
0x1d9: {  	[tilespmem:s26+$0x460] =	vst.add.f32.msk $0xffff, v36  }
0x1da: {  	s7 =	sadd.s32 $0x1, s13;
	[tilespmem:s26+$0x440] =	vst.add.f32.msk $0xffff, v35  }
0x1db: {  	v47 =	vadd.s32 s7, v11;
	v36 =	vadd.s32 s7, v13;
	[tilespmem:s26+$0x470] =	vst.add.f32.msk $0xffff, v33  }
0x1dc: {  	v40 =	vadd.s32 s7, v3;
	[tilespmem:s26+$0x430] =	vst.add.f32.msk $0xffff, v34  }
0x1dd: {  	v46 =	vadd.s32 s7, v1;
	v33 =	vadd.s32 s13, v31;
	[tilespmem:s26+$0x420] =	vst.add.f32.msk $0xffff, v38  }
0x1de: {  	v32 =	vadd.s32 s13, v29;
	v55 =	vadd.s32 s7, v2;
	v38 =	vadd.s32 s13, v30;
	[tilespmem:s26+$0x400] =	vst.add.f32.msk $0xffff, v39  }
.Ltmp2:
0x1df: {  	v51 =	vadd.s32 s7, v14;
	v35 =	vadd.s32 s13, v28;
	v34 =	vadd.s32 s13, v27;
	[tilespmem:s26+$0x410] =	vst.add.f32.msk $0xffff, v37;
	(pc) =	sbr.rel @p0 .LBB2_7-.Ltmp2, $4  }
0x1e0: {  	v43 =	vadd.s32 s13, v26;
	v50 =	vadd.s32 s7, v15;
	v37 =	vadd.s32 s13, v25;
	v36 =	vld.idx.msk [tilespmem:v36+s1+$0x0], $0xffff  }
0x1e1: {  	v45 =	vadd.s32 s13, v24;
	v44 =	vadd.s32 s13, v23;
	v52 =	vadd.s32 s7, v4;
	v42 =	vld.idx.msk [tilespmem:v40+s1+$0x0], $0xffff  }
0x1e2: {  	v41 =	vadd.s32 s13, v21;
	v53 =	vadd.s32 s7, v7;
	v40 =	vadd.s32 s13, v22;
	v39 =	vld.idx.msk [tilespmem:v46+s1+$0x0], $0xffff  }
0x1e3: {  	v49 =	vadd.s32 s13, v20;
	v48 =	vadd.s32 s13, v19;
	v54 =	vadd.s32 s7, v10;
	v46 =	vld.idx.msk [tilespmem:v55+s1+$0x0], $0xffff  }
0x1e4: {  	_ =	sdelay $0x3  }
0x1e5: {  	v1 =	vld.idx.msk [tilespmem:v51+s1+$0x0], $0xffff  }
0x1e6: {  	v2 =	vadd.s32 s7, v9;
	v3 =	vld.idx.msk [tilespmem:v50+s1+$0x0], $0xffff  }
0x1e7: {  	v4 =	vld.idx.msk [tilespmem:v52+s1+$0x0], $0xffff;
	v7 =	vadd.s32 s7, v12  }
0x1e8: {  	v63 =	vld.idx.msk [tilespmem:v53+s1+$0x0], $0xffff;
	v6 =	vadd.s32 s7, v6  }
0x1e9: {  	v10 =	vld.idx.msk [tilespmem:v54+s1+$0x0], $0xffff;
	v0 =	vadd.s32 s7, v0  }
0x1ea: {  	v11 =	vld.idx.msk [tilespmem:v47+s1+$0x0], $0xffff;
	v5 =	vadd.s32 s7, v5  }
0x1eb: {  	v8 =	vadd.s32 s7, v8;
	v2 =	vld.idx.msk [tilespmem:v2+s1+$0x0], $0xffff  }
0x1ec: {  	v7 =	vld.idx.msk [tilespmem:v7+s1+$0x0], $0xffff  }
0x1ed: {  	v6 =	vld.idx.msk [tilespmem:v6+s1+$0x0], $0xffff  }
0x1ee: {  	v0 =	vld.idx.msk [tilespmem:v0+s1+$0x0], $0xffff  }
0x1ef: {  	s26 =	sand.u32 $0x380, s14;
	v5 =	vld.idx.msk [tilespmem:v5+s1+$0x0], $0xffff  }
0x1f0: {  	s7 =	sadd.s32 s26, s18;
	v8 =	vld.idx.msk [tilespmem:v8+s1+$0x0], $0xffff  }
0x1f1: {  	s13 =	sor.u32 $0x10, s7;
	[tilespmem:s7+$0x0] =	vst.add.f32.msk $0xffff, v2  }
0x1f2: {  	s29 =	sor.u32 $0x20, s7;
	[tilespmem:s13+$0x0] =	vst.add.f32.msk $0xffff, v11  }
0x1f3: {  	s14 =	sor.u32 $0x30, s7;
	[tilespmem:s29+$0x0] =	vst.add.f32.msk $0xffff, v10  }
0x1f4: {  	s18 =	sor.u32 $0x40, s7;
	[tilespmem:s14+$0x0] =	vst.add.f32.msk $0xffff, v63  }
0x1f5: {  	s19 =	sor.u32 $0x50, s7;
	[tilespmem:s18+$0x0] =	vst.add.f32.msk $0xffff, v4  }
0x1f6: {  	s20 =	sor.u32 $0x60, s7;
	[tilespmem:s19+$0x0] =	vst.add.f32.msk $0xffff, v1  }
0x1f7: {  	s26 =	sor.u32 $0x70, s7;
	[tilespmem:s20+$0x0] =	vst.add.f32.msk $0xffff, v3  }
0x1f8: {  	[tilespmem:s26+$0x0] =	vst.add.f32.msk $0xffff, v42  }
0x1f9: {  	[tilespmem:s7+$0x400] =	vst.add.f32.msk $0xffff, v0  }
0x1fa: {  	[tilespmem:s7+$0x410] =	vst.add.f32.msk $0xffff, v5  }
0x1fb: {  	[tilespmem:s7+$0x420] =	vst.add.f32.msk $0xffff, v46  }
0x1fc: {  	p0 =	seq.s32 s9, $0x20;
	[tilespmem:s7+$0x430] =	vst.add.f32.msk $0xffff, v36  }
.Ltmp3:
0x1fd: {  	[tilespmem:s7+$0x440] =	vst.add.f32.msk $0xffff, v8;
	(pc) =	sbr.rel @p0 .LBB2_10-.Ltmp3, $4  }
0x1fe: {  	s12 =	sadd.s32 s6, s12;
	[tilespmem:s7+$0x450] =	vst.add.f32.msk $0xffff, v7  }
0x1ff: {  	s12 =	sshll.u32 s12, $0xF;
	[tilespmem:s7+$0x460] =	vst.add.f32.msk $0xffff, v39  }
0x200: {  	s29 =	sadd.s32 s12, s15;
	[tilespmem:s7+$0x470] =	vst.add.f32.msk $0xffff, v6  }
0x201: {  	[hbm4b:s29+s21] =	stream.strided.scatter [tilespmem:s28], [sflag:$0x7], $0x4000, s22, s21, $0x38;
	[tilespmem:$0x13480] =	vst v63  }
0x202: {  	_ =	swait.ge [sflag:s4], $0x4000  }
0x203: {  	s7 =	sadd.s32 s11, s17;
	[sflag:s4] =	ssyncset.done $0x0  }
0x204: {  	s11 =	sshll.u32 s7, $0xF;
	s7 =	sshll.u32 s7, $0xC;
	[sflag:s4] =	ssyncadd.s32 $0xFFFFC000  }
.Ltmp4:
0x205: {  	s11 =	sadd.s32 s11, s10;
	s7 =	sor.u32 s5, s7;
	(pc) =	sbr.rel .LBB2_2-.Ltmp4, $4  }
0x206: {  	[tilespmem:s25], [sflag:$0x3] =	stream.strided.gather [hbm4b:s11+s21], $0x4000, s22, s21, $0x38;
	[tilespmem:$0x13480] =	vst v63  }
0x207: {  	s7 =	sshrl.u32 s7, $0x3  }
0x208: {  	s29 =	simm.s32 $0x7280;
	s9 =	sadd.s32 $0x1, s9;
	s7 =	sadd.s32 s3, s7  }
0x209: {  	[tilespmem:s29], [sflag:$0x3] =	stream.linear.gather [hbm4b:s7+s1], $0x100, $0x38;
	[tilespmem:$0x13480] =	vst v63  }
.LBB2_10:
0x20a: {  	_ =	swait.ge [sflag:s30], $0x4000  }
0x20b: {  	[sflag:s30] =	ssyncset.done $0x0  }
0x20c: {  	[sflag:s30] =	ssyncadd.s32 $0xFFFFC000  }
0x20d: {  	_ =	swait.ge [sflag:s30], $0x100  }
0x20e: {  	[sflag:s30] =	ssyncset.done $0x0  }
0x20f: {  	[sflag:s30] =	ssyncadd.s32 $0xFFFFFF00  }
0x210: {  	v5 =	vld [tilespmem:$0x7180]  }
0x211: {  	v8 =	vld [tilespmem:$0x7190]  }
0x212: {  	v6 =	vld [tilespmem:$0x71A0]  }
0x213: {  	v7 =	vld [tilespmem:$0x71B0]  }
0x214: {  	v4 =	vld [tilespmem:$0x71C0]  }
0x215: {  	v0 =	vld [tilespmem:$0x7260]  }
0x216: {  	v2 =	vld [tilespmem:$0x7220]  }
0x217: {  	v3 =	vld [tilespmem:$0x7200]  }
0x218: {  	v9 =	vld [tilespmem:$0x71F0]  }
0x219: {  	v14 =	vld [tilespmem:$0x71D0]  }
0x21a: {  	v15 =	vld [tilespmem:$0x71E0];
	v1 =	vmul.u32 $0x41, v0  }
0x21b: {  	v12 =	vld [tilespmem:$0x7210];
	v2 =	vmul.u32 $0x41, v2  }
0x21c: {  	v13 =	vld [tilespmem:$0x7230];
	v0 =	vmul.u32 $0x41, v3  }
0x21d: {  	v11 =	vld [tilespmem:$0x7270];
	v3 =	vmul.u32 $0x41, v9  }
0x21e: {  	v16 =	vld [tilespmem:$0x7240];
	v4 =	vmul.u32 $0x41, v4  }
0x21f: {  	v17 =	vld [tilespmem:$0x7250];
	v7 =	vmul.u32 $0x41, v7  }
0x220: {  	v10 =	vmul.u32 $0x41, v6;
	v25 =	vld.idx.msk [tilespmem:v1+s1+$0x0], $0xffff  }
0x221: {  	v9 =	vmul.u32 $0x41, v5;
	v32 =	vld.idx.msk [tilespmem:v2+s1+$0x0], $0xffff  }
0x222: {  	v6 =	vmul.u32 $0x41, v11;
	v34 =	vld.idx.msk [tilespmem:v0+s1+$0x0], $0xffff  }
0x223: {  	v11 =	vmul.u32 $0x41, v8;
	v19 =	vld.idx.msk [tilespmem:v3+s1+$0x0], $0xffff  }
0x224: {  	v5 =	vmul.u32 $0x41, v12;
	v18 =	vld.idx.msk [tilespmem:v4+s1+$0x0], $0xffff  }
0x225: {  	v13 =	vmul.u32 $0x41, v13;
	v20 =	vld.idx.msk [tilespmem:v7+s1+$0x0], $0xffff  }
0x226: {  	v8 =	vmul.u32 $0x41, v16;
	v16 =	vld.idx.msk [tilespmem:v10+s1+$0x0], $0xffff  }
0x227: {  	v12 =	vmul.u32 $0x41, v17;
	v17 =	vld.idx.msk [tilespmem:v9+s1+$0x0], $0xffff  }
0x228: {  	v14 =	vmul.u32 $0x41, v14;
	v30 =	vld.idx.msk [tilespmem:v6+s1+$0x0], $0xffff  }
0x229: {  	v15 =	vmul.u32 $0x41, v15;
	v21 =	vld.idx.msk [tilespmem:v11+s1+$0x0], $0xffff  }
0x22a: {  	v36 =	vld.idx.msk [tilespmem:v5+s1+$0x0], $0xffff  }
0x22b: {  	v33 =	vld.idx.msk [tilespmem:v13+s1+$0x0], $0xffff  }
0x22c: {  	s9 =	simm.s32 $0x0;
	v28 =	vld.idx.msk [tilespmem:v8+s1+$0x0], $0xffff  }
0x22d: {  	s7 =	sand.u32 $0x3800, s9;
	v22 =	vld.idx.msk [tilespmem:v12+s1+$0x0], $0xffff  }
0x22e: {  	s11 =	sand.u32 $0x300, s9;
	s12 =	sadd.s32 $0x7480, s7;
	v23 =	vld.idx.msk [tilespmem:v14+s1+$0x0], $0xffff  }
0x22f: {  	s11 =	sor.u32 s11, s12;
	v24 =	vld.idx.msk [tilespmem:v15+s1+$0x0], $0xffff  }
0x230: {  	s13 =	sor.u32 $0x10, s11;
	[tilespmem:s11+$0x0] =	vst.add.f32.msk $0xffff, v17  }
0x231: {  	s14 =	sor.u32 $0x20, s11;
	[tilespmem:s13+$0x0] =	vst.add.f32.msk $0xffff, v21  }
0x232: {  	s18 =	sor.u32 $0x30, s11;
	[tilespmem:s14+$0x0] =	vst.add.f32.msk $0xffff, v16  }
0x233: {  	s19 =	sor.u32 $0x40, s11;
	[tilespmem:s18+$0x0] =	vst.add.f32.msk $0xffff, v20  }
0x234: {  	s20 =	sor.u32 $0x50, s11;
	[tilespmem:s19+$0x0] =	vst.add.f32.msk $0xffff, v18  }
0x235: {  	s26 =	sor.u32 $0x60, s11;
	[tilespmem:s20+$0x0] =	vst.add.f32.msk $0xffff, v23  }
0x236: {  	s29 =	sor.u32 $0x70, s11;
	[tilespmem:s26+$0x0] =	vst.add.f32.msk $0xffff, v24  }
0x237: {  	s7 =	simm.s32 $0x1;
	v26 =	vadd.s32 $0x2, v2;
	v27 =	vadd.s32 $0x2, v13;
	v29 =	vadd.s32 $0x2, v12;
	[tilespmem:s29+$0x0] =	vst.add.f32.msk $0xffff, v19  }
0x238: {  	v39 =	vadd.s32 s7, v13;
	v31 =	vadd.s32 $0x2, v6;
	v40 =	vadd.s32 s7, v3;
	[tilespmem:s11+$0x450] =	vst.add.f32.msk $0xffff, v22  }
0x239: {  	v47 =	vadd.s32 s7, v11;
	v46 =	vadd.s32 s7, v1;
	v55 =	vadd.s32 s7, v2;
	[tilespmem:s11+$0x460] =	vst.add.f32.msk $0xffff, v25  }
0x23a: {  	v51 =	vadd.s32 s7, v14;
	v50 =	vadd.s32 s7, v15;
	v52 =	vadd.s32 s7, v4;
	[tilespmem:s11+$0x440] =	vst.add.f32.msk $0xffff, v28  }
0x23b: {  	v53 =	vadd.s32 s7, v7;
	v54 =	vadd.s32 s7, v10;
	v43 =	vadd.s32 s9, v26;
	[tilespmem:s11+$0x470] =	vst.add.f32.msk $0xffff, v30  }
0x23c: {  	v17 =	vadd.s32 $0x2, v11;
	v21 =	vadd.s32 $0x2, v14;
	v16 =	vadd.s32 $0x2, v9;
	[tilespmem:s11+$0x430] =	vst.add.f32.msk $0xffff, v33  }
0x23d: {  	v41 =	vadd.s32 s9, v21;
	v20 =	vadd.s32 $0x2, v4;
	v18 =	vadd.s32 $0x2, v10;
	[tilespmem:s11+$0x420] =	vst.add.f32.msk $0xffff, v32  }
0x23e: {  	v49 =	vadd.s32 s9, v20;
	v23 =	vadd.s32 $0x2, v3;
	v24 =	vadd.s32 $0x2, v0;
	[tilespmem:s11+$0x400] =	vst.add.f32.msk $0xffff, v34  }
0x23f: {  	v44 =	vadd.s32 s9, v23;
	v19 =	vadd.s32 $0x2, v7;
	v45 =	vadd.s32 s9, v24;
	[tilespmem:s11+$0x410] =	vst.add.f32.msk $0xffff, v36  }
0x240: {  	v22 =	vadd.s32 $0x2, v15;
	v25 =	vadd.s32 $0x2, v5;
	v28 =	vadd.s32 $0x2, v8;
	v36 =	vld.idx.msk [tilespmem:v39+s1+$0x0], $0xffff  }
0x241: {  	v30 =	vadd.s32 $0x2, v1;
	v33 =	vadd.s32 s9, v31;
	v32 =	vadd.s32 s9, v29;
	v42 =	vld.idx.msk [tilespmem:v40+s1+$0x0], $0xffff  }
0x242: {  	s13 =	simm.s32 $0x2;
	v34 =	vadd.s32 s9, v27;
	v48 =	vadd.s32 s9, v19;
	v38 =	vadd.s32 s9, v30;
	v39 =	vld.idx.msk [tilespmem:v46+s1+$0x0], $0xffff  }
0x243: {  	s14 =	simm.s32 $0x0;
	s18 =	simm.s32 $0x0;
	s11 =	simm.s32 $0x80;
	v35 =	vadd.s32 s9, v28;
	v37 =	vadd.s32 s9, v25;
	v40 =	vadd.s32 s9, v22;
	v46 =	vld.idx.msk [tilespmem:v55+s1+$0x0], $0xffff  }
.LBB2_11:
0x244: {  	p0 =	sne.s32 s13, $0x3E;
	v55 =	vadd.s32 s9, v16;
	v56 =	vadd.s32 s9, v17;
	v57 =	vadd.s32 s9, v18;
	v51 =	vld.idx.msk [tilespmem:v51+s1+$0x0], $0xffff;
	s14 =	sadd.s32 $0x100, s14;
	s18 =	sadd.s32 $0x200, s18  }
0x245: {  	v58 =	vadd.s32 s7, v9;
	s9 =	smov.u32 s13;
	s13 =	sadd.s32 $0x2, s13;
	s19 =	sadd.s32 $0x80, s14;
	v50 =	vld.idx.msk [tilespmem:v50+s1+$0x0], $0xffff  }
0x246: {  	v59 =	vadd.s32 s7, v12;
	v52 =	vld.idx.msk [tilespmem:v52+s1+$0x0], $0xffff  }
0x247: {  	v60 =	vadd.s32 s7, v6;
	v53 =	vld.idx.msk [tilespmem:v53+s1+$0x0], $0xffff  }
0x248: {  	v61 =	vadd.s32 s7, v0;
	v54 =	vld.idx.msk [tilespmem:v54+s1+$0x0], $0xffff  }
0x249: {  	v62 =	vadd.s32 s7, v5;
	v47 =	vld.idx.msk [tilespmem:v47+s1+$0x0], $0xffff  }
0x24a: {  	v63 =	vadd.s32 s7, v8;
	v58 =	vld.idx.msk [tilespmem:v58+s1+$0x0], $0xffff  }
0x24b: {  	v59 =	vld.idx.msk [tilespmem:v59+s1+$0x0], $0xffff  }
0x24c: {  	v60 =	vld.idx.msk [tilespmem:v60+s1+$0x0], $0xffff  }
0x24d: {  	v61 =	vld.idx.msk [tilespmem:v61+s1+$0x0], $0xffff  }
0x24e: {  	s7 =	sand.u32 $0x380, s11;
	s11 =	smov.u32 s19;
	v62 =	vld.idx.msk [tilespmem:v62+s1+$0x0], $0xffff  }
0x24f: {  	s7 =	sadd.s32 s7, s12;
	v63 =	vld.idx.msk [tilespmem:v63+s1+$0x0], $0xffff  }
0x250: {  	s12 =	sor.u32 $0x10, s7;
	[tilespmem:s7+$0x0] =	vst.add.f32.msk $0xffff, v58  }
0x251: {  	[tilespmem:s12+$0x0] =	vst.add.f32.msk $0xffff, v47;
	s12 =	sor.u32 $0x20, s7  }
0x252: {  	[tilespmem:s12+$0x0] =	vst.add.f32.msk $0xffff, v54;
	s12 =	sor.u32 $0x30, s7  }
0x253: {  	[tilespmem:s12+$0x0] =	vst.add.f32.msk $0xffff, v53;
	s12 =	sor.u32 $0x40, s7  }
0x254: {  	[tilespmem:s12+$0x0] =	vst.add.f32.msk $0xffff, v52;
	s12 =	sor.u32 $0x50, s7  }
0x255: {  	[tilespmem:s12+$0x0] =	vst.add.f32.msk $0xffff, v51;
	s12 =	sor.u32 $0x60, s7  }
0x256: {  	[tilespmem:s12+$0x0] =	vst.add.f32.msk $0xffff, v50;
	s12 =	sor.u32 $0x70, s7  }
0x257: {  	[tilespmem:s12+$0x0] =	vst.add.f32.msk $0xffff, v42  }
0x258: {  	[tilespmem:s7+$0x400] =	vst.add.f32.msk $0xffff, v61  }
0x259: {  	[tilespmem:s7+$0x410] =	vst.add.f32.msk $0xffff, v62  }
0x25a: {  	[tilespmem:s7+$0x420] =	vst.add.f32.msk $0xffff, v46  }
0x25b: {  	[tilespmem:s7+$0x430] =	vst.add.f32.msk $0xffff, v36  }
0x25c: {  	[tilespmem:s7+$0x440] =	vst.add.f32.msk $0xffff, v63  }
0x25d: {  	[tilespmem:s7+$0x450] =	vst.add.f32.msk $0xffff, v59  }
0x25e: {  	[tilespmem:s7+$0x460] =	vst.add.f32.msk $0xffff, v39  }
0x25f: {  	[tilespmem:s7+$0x470] =	vst.add.f32.msk $0xffff, v60  }
0x260: {  	v36 =	vld.idx.msk [tilespmem:v38+s1+$0x0], $0xffff  }
0x261: {  	v38 =	vld.idx.msk [tilespmem:v43+s1+$0x0], $0xffff  }
0x262: {  	v39 =	vld.idx.msk [tilespmem:v45+s1+$0x0], $0xffff  }
0x263: {  	v42 =	vld.idx.msk [tilespmem:v44+s1+$0x0], $0xffff  }
0x264: {  	v43 =	vld.idx.msk [tilespmem:v49+s1+$0x0], $0xffff  }
0x265: {  	v44 =	vld.idx.msk [tilespmem:v48+s1+$0x0], $0xffff  }
0x266: {  	v45 =	vld.idx.msk [tilespmem:v57+s1+$0x0], $0xffff  }
0x267: {  	v46 =	vld.idx.msk [tilespmem:v55+s1+$0x0], $0xffff  }
0x268: {  	v33 =	vld.idx.msk [tilespmem:v33+s1+$0x0], $0xffff  }
0x269: {  	v47 =	vld.idx.msk [tilespmem:v56+s1+$0x0], $0xffff  }
0x26a: {  	v37 =	vld.idx.msk [tilespmem:v37+s1+$0x0], $0xffff  }
0x26b: {  	v34 =	vld.idx.msk [tilespmem:v34+s1+$0x0], $0xffff  }
0x26c: {  	v35 =	vld.idx.msk [tilespmem:v35+s1+$0x0], $0xffff  }
0x26d: {  	s7 =	sand.u32 $0x3800, s18;
	v32 =	vld.idx.msk [tilespmem:v32+s1+$0x0], $0xffff  }
0x26e: {  	s19 =	sand.u32 $0x300, s14;
	s12 =	sadd.s32 $0x7480, s7;
	v41 =	vld.idx.msk [tilespmem:v41+s1+$0x0], $0xffff  }
0x26f: {  	s19 =	sor.u32 s19, s12;
	v40 =	vld.idx.msk [tilespmem:v40+s1+$0x0], $0xffff  }
0x270: {  	s7 =	sor.u32 $0x10, s19;
	[tilespmem:s19+$0x0] =	vst.add.f32.msk $0xffff, v46  }
0x271: {  	[tilespmem:s7+$0x0] =	vst.add.f32.msk $0xffff, v47;
	s7 =	sor.u32 $0x20, s19  }
0x272: {  	[tilespmem:s7+$0x0] =	vst.add.f32.msk $0xffff, v45;
	s7 =	sor.u32 $0x30, s19  }
0x273: {  	[tilespmem:s7+$0x0] =	vst.add.f32.msk $0xffff, v44;
	s7 =	sor.u32 $0x40, s19  }
0x274: {  	[tilespmem:s7+$0x0] =	vst.add.f32.msk $0xffff, v43;
	s7 =	sor.u32 $0x50, s19  }
0x275: {  	[tilespmem:s7+$0x0] =	vst.add.f32.msk $0xffff, v41;
	s7 =	sor.u32 $0x60, s19  }
0x276: {  	[tilespmem:s7+$0x0] =	vst.add.f32.msk $0xffff, v40;
	s7 =	sor.u32 $0x70, s19  }
0x277: {  	[tilespmem:s7+$0x0] =	vst.add.f32.msk $0xffff, v42  }
0x278: {  	[tilespmem:s19+$0x450] =	vst.add.f32.msk $0xffff, v32  }
0x279: {  	[tilespmem:s19+$0x460] =	vst.add.f32.msk $0xffff, v36  }
0x27a: {  	s7 =	sadd.s32 $0x1, s9;
	[tilespmem:s19+$0x440] =	vst.add.f32.msk $0xffff, v35  }
0x27b: {  	v47 =	vadd.s32 s7, v11;
	v36 =	vadd.s32 s7, v13;
	[tilespmem:s19+$0x470] =	vst.add.f32.msk $0xffff, v33  }
0x27c: {  	v40 =	vadd.s32 s7, v3;
	[tilespmem:s19+$0x430] =	vst.add.f32.msk $0xffff, v34  }
0x27d: {  	v46 =	vadd.s32 s7, v1;
	v33 =	vadd.s32 s9, v31;
	[tilespmem:s19+$0x420] =	vst.add.f32.msk $0xffff, v38  }
0x27e: {  	v32 =	vadd.s32 s9, v29;
	v55 =	vadd.s32 s7, v2;
	v38 =	vadd.s32 s9, v30;
	[tilespmem:s19+$0x400] =	vst.add.f32.msk $0xffff, v39  }
.Ltmp5:
0x27f: {  	v51 =	vadd.s32 s7, v14;
	v35 =	vadd.s32 s9, v28;
	v34 =	vadd.s32 s9, v27;
	[tilespmem:s19+$0x410] =	vst.add.f32.msk $0xffff, v37;
	(pc) =	sbr.rel @p0 .LBB2_11-.Ltmp5, $4  }
0x280: {  	v43 =	vadd.s32 s9, v26;
	v50 =	vadd.s32 s7, v15;
	v37 =	vadd.s32 s9, v25;
	v36 =	vld.idx.msk [tilespmem:v36+s1+$0x0], $0xffff  }
0x281: {  	v45 =	vadd.s32 s9, v24;
	v44 =	vadd.s32 s9, v23;
	v52 =	vadd.s32 s7, v4;
	v42 =	vld.idx.msk [tilespmem:v40+s1+$0x0], $0xffff  }
0x282: {  	v41 =	vadd.s32 s9, v21;
	v53 =	vadd.s32 s7, v7;
	v40 =	vadd.s32 s9, v22;
	v39 =	vld.idx.msk [tilespmem:v46+s1+$0x0], $0xffff  }
0x283: {  	v49 =	vadd.s32 s9, v20;
	v48 =	vadd.s32 s9, v19;
	v54 =	vadd.s32 s7, v10;
	v46 =	vld.idx.msk [tilespmem:v55+s1+$0x0], $0xffff  }
0x284: {  	_ =	sdelay $0x3  }
0x285: {  	v1 =	vld.idx.msk [tilespmem:v51+s1+$0x0], $0xffff  }
0x286: {  	v2 =	vadd.s32 s7, v9;
	v3 =	vld.idx.msk [tilespmem:v50+s1+$0x0], $0xffff  }
0x287: {  	v4 =	vld.idx.msk [tilespmem:v52+s1+$0x0], $0xffff;
	v7 =	vadd.s32 s7, v12  }
0x288: {  	v63 =	vld.idx.msk [tilespmem:v53+s1+$0x0], $0xffff;
	v6 =	vadd.s32 s7, v6  }
0x289: {  	v10 =	vld.idx.msk [tilespmem:v54+s1+$0x0], $0xffff;
	v0 =	vadd.s32 s7, v0  }
0x28a: {  	v11 =	vld.idx.msk [tilespmem:v47+s1+$0x0], $0xffff;
	v5 =	vadd.s32 s7, v5  }
0x28b: {  	v8 =	vadd.s32 s7, v8;
	v2 =	vld.idx.msk [tilespmem:v2+s1+$0x0], $0xffff  }
0x28c: {  	v7 =	vld.idx.msk [tilespmem:v7+s1+$0x0], $0xffff  }
0x28d: {  	v6 =	vld.idx.msk [tilespmem:v6+s1+$0x0], $0xffff  }
0x28e: {  	v0 =	vld.idx.msk [tilespmem:v0+s1+$0x0], $0xffff  }
0x28f: {  	s26 =	sand.u32 $0x380, s11;
	v5 =	vld.idx.msk [tilespmem:v5+s1+$0x0], $0xffff  }
0x290: {  	s7 =	sadd.s32 s26, s12;
	v8 =	vld.idx.msk [tilespmem:v8+s1+$0x0], $0xffff  }
0x291: {  	s9 =	sor.u32 $0x10, s7;
	[tilespmem:s7+$0x0] =	vst.add.f32.msk $0xffff, v2  }
0x292: {  	s29 =	sor.u32 $0x20, s7;
	[tilespmem:s9+$0x0] =	vst.add.f32.msk $0xffff, v11  }
0x293: {  	s11 =	sor.u32 $0x30, s7;
	[tilespmem:s29+$0x0] =	vst.add.f32.msk $0xffff, v10  }
0x294: {  	s12 =	sor.u32 $0x40, s7;
	[tilespmem:s11+$0x0] =	vst.add.f32.msk $0xffff, v63  }
0x295: {  	s13 =	sor.u32 $0x50, s7;
	[tilespmem:s12+$0x0] =	vst.add.f32.msk $0xffff, v4  }
0x296: {  	s14 =	sor.u32 $0x60, s7;
	[tilespmem:s13+$0x0] =	vst.add.f32.msk $0xffff, v1  }
0x297: {  	s18 =	sor.u32 $0x70, s7;
	[tilespmem:s14+$0x0] =	vst.add.f32.msk $0xffff, v3  }
0x298: {  	[tilespmem:s18+$0x0] =	vst.add.f32.msk $0xffff, v42  }
0x299: {  	[tilespmem:s7+$0x400] =	vst.add.f32.msk $0xffff, v0  }
0x29a: {  	[tilespmem:s7+$0x410] =	vst.add.f32.msk $0xffff, v5  }
0x29b: {  	[tilespmem:s7+$0x420] =	vst.add.f32.msk $0xffff, v46  }
0x29c: {  	[tilespmem:s7+$0x430] =	vst.add.f32.msk $0xffff, v36  }
0x29d: {  	[tilespmem:s7+$0x440] =	vst.add.f32.msk $0xffff, v8  }
0x29e: {  	[tilespmem:s7+$0x450] =	vst.add.f32.msk $0xffff, v7  }
0x29f: {  	[tilespmem:s7+$0x460] =	vst.add.f32.msk $0xffff, v39  }
0x2a0: {  	s19 =	rddreg [dreg:$0xb];
	[tilespmem:s7+$0x470] =	vst.add.f32.msk $0xffff, v6  }
0x2a1: {  	[hbm4b:s19+s21] =	stream.strided.scatter [tilespmem:s23], [sflag:$0x5], $0x4000, s22, s21, $0x38;
	[tilespmem:$0x13480] =	vst v63  }
0x2a2: {  	_ =	swait.ge [sflag:s0], $0x4000  }
0x2a3: {  	[sflag:s0] =	ssyncset.done $0x0  }
0x2a4: {  	s20 =	simm.s32 $0x7;
	[sflag:s0] =	ssyncadd.s32 $0xFFFFC000  }
0x2a5: {  	_ =	swait.ge [sflag:s20], $0x4000  }
0x2a6: {  	[sflag:s20] =	ssyncset.done $0x0  }
0x2a7: {  	[sflag:s20] =	ssyncadd.s32 $0xFFFFC000  }
0x2a8: {  	_ =	swait.ge [sflag:s4], $0x4000  }
0x2a9: {  	s26 =	rddreg [dreg:$0xd]  }
0x2aa: {  	s29 =	rddreg [dreg:$0xc];
	s9 =	sadd.s32 $0x1, s26  }
0x2ab: {  	p0 =	sne.s32 s9, s29  }
.Ltmp6:
0x2ac: {  	_ = 	snop;
	(pc) =	sbr.rel @p0 .LBB2_1-.Ltmp6, $3  }
0x2ad: {  	_ =	sdelay $0x1  }
0x2ae: {  	[sflag:s4] =	ssyncset.done $0x0  }
0x2af: {  	[sflag:s4] =	ssyncadd.s32 $0xFFFFC000  }
0x2b0: {  	_ =	sfence.sel $0x180000  }
0x2b1: {  	[bflag:$0x0] =	sbarrier.arrive $0xFFFF  }
0x2b2: {  	_ =	strace $0x90000047  }
0x2b3: {  	s0 =	stileid.u32;
	[bflag:$0x2] =	sbarrier.arrive $0xFFFF  }
0x2b4: {  	p0 =	sne.s32 s0, $0x0;
	s0 =	rddreg [dreg:$0x3]  }
0x2b5: {  	s0 =	sadd.s32 @!p0 $0x100000, s0  }
0x2b6: {  	[sflag:s0] =	ssyncadd.tile.s32 @!p0 $0x1;
	_ =	shalt  }
.Lfunc_end2:
_tile_overlayer_lowered:
.L_overlay_start_2:
0x2b7: {  	(tag) =	ssettag $0x2  }
0x2b8: {  	s0 =	rddreg [dreg:$0x0];
	s2 =	stileid.u32  }
0x2b9: {  	s1 =	rddreg [dreg:$0x1];
	p0 =	sne.s32 s2, $0x0  }
0x2ba: {  	s3 =	rddreg [dreg:$0x2];
	[bflag:$0x3] =	sbarrier.arrive $0xFFFF;
	s2 =	simm.s32 @!p0 $0x1C08  }
0x2bb: {  	[timem:s3], [sflag:s2] =	dma.local @!p0 [hbm:s0], s1  }
0x2bc: {  	s0 =	simm.s32 @!p0 $0x8  }
0x2bd: {  	_ =	swait.ge @!p0 [sflag:s0], s1  }
0x2be: {  	s1 =	ssub.s32 @!p0 $0x0, s1;
	[sflag:s0] =	ssyncset.done @!p0 $0x0  }
0x2bf: {  	[sflag:s0] =	ssyncadd.s32 @!p0 s1  }
0x2c0: {  	[bflag:$0x3] =	sbarrier.arrive $0xFFFF  }
0x2c1: {  	_ =	shalt  }

</sc_bundles>
